<compile_context>
chip_gen: v7x
topology: tpu7x:2x2x1
jax: 0.10.2.dev20260603
libtpu: 0.0.44.dev20260713+nightly
codegen_flags: <defaults>
</compile_context>

<pallas_src>
import functools

import jax
import jax.numpy as jnp
from jax import lax
from jax.experimental import pallas as pl
from jax.experimental.pallas import tpu as pltpu
from jax.experimental.pallas import tpu_sc as plsc

_B = 4096
_D = 64
_T = 200000
_OFF = 100000
_CHUNK = 16384
_LOG2C = 14
_NBLK = (_T + _CHUNK - 1) // _CHUNK
_GROWS = _NBLK * _CHUNK * _D // 16
_NC, _NS = 2, 16
_NW = _NC * _NS
_BPW = _B // _NW


def _transpose_body(in_ref, out_ref):
    eye = jnp.asarray(
        lax.broadcasted_iota(jnp.int32, (_D, _D), 0)
        == lax.broadcasted_iota(jnp.int32, (_D, _D), 1), jnp.float32)
    t = lax.dot_general(in_ref[...], eye, (((0,), (0,)), ((), ())),
                        preferred_element_type=jnp.float32)
    out_ref[:, 0:_D] = t[0:_CHUNK // 2]
    out_ref[:, _D:2 * _D] = t[_CHUNK // 2:_CHUNK]


_transposer = pl.pallas_call(
    _transpose_body,
    grid=(_NBLK,),
    in_specs=[pl.BlockSpec((_D, _CHUNK), lambda j: (0, j))],
    out_specs=pl.BlockSpec((_CHUNK // 2, 128), lambda j: (j, 0)),
    out_shape=jax.ShapeDtypeStruct((_NBLK * _CHUNK // 2, 128), jnp.float32),
)


@functools.lru_cache(maxsize=None)
def _make_sc_gather():
    mesh = plsc.VectorSubcoreMesh(core_axis_name="c", subcore_axis_name="s")

    @functools.partial(
        pl.kernel,
        mesh=mesh,
        compiler_params=pltpu.CompilerParams(use_tc_tiling_on_sc=False,
                                             needs_layout_passes=False),
        out_type=[
            jax.ShapeDtypeStruct((_B * 8, 16), jnp.float32),
            jax.ShapeDtypeStruct((_B * 8, 16), jnp.float32),
        ],
        scratch_types=[
            pltpu.VMEM((_BPW,), jnp.int32),
            pltpu.VMEM((_BPW,), jnp.int32),
            pltpu.VMEM((8, 128), jnp.int32),
            pltpu.VMEM((8, 128), jnp.int32),
            pltpu.VMEM((_BPW,), jnp.int32),
            pltpu.VMEM((_BPW,), jnp.int32),
            pltpu.VMEM((_BPW * 8, 16), jnp.float32),
            pltpu.VMEM((_BPW * 8, 16), jnp.float32),
            pltpu.VMEM((_BPW, 128), jnp.float32),
            pltpu.VMEM((_BPW, 128), jnp.float32),
            pltpu.SemaphoreType.DMA,
            pltpu.SemaphoreType.DMA,
        ],
    )
    def _sc_gather(x1_hbm, x2_hbm, gt_hbm, lin_hbm,
                   r1_out, r2_out,
                   idx1_v, idx2_v, g1_v, g2_v, lrow1_v, lrow2_v,
                   rows1_v, rows2_v, lbuf1_v, lbuf2_v,
                   sem1, sem2):
        wid = lax.axis_index("s") * _NC + lax.axis_index("c")
        base = wid * _BPW
        pltpu.sync_copy(x1_hbm.at[pl.ds(base, _BPW)], idx1_v)
        pltpu.sync_copy(x2_hbm.at[pl.ds(base, _BPW)], idx2_v)
        lane = lax.iota(jnp.int32, 16)
        for i in range(_BPW // 16):
            sl = pl.ds(i * 16, 16)
            idx2_v[sl] = idx2_v[sl] + _OFF

        for idx_v, g_v, lrow_v, rows_v, lbuf_v, r_out, sem in (
            (idx1_v, g1_v, lrow1_v, rows1_v, lbuf1_v, r1_out, sem1),
            (idx2_v, g2_v, lrow2_v, rows2_v, lbuf2_v, r2_out, sem2),
        ):
            for j in range(8):
                sl = pl.ds(j * 16, 16)
                v = idx_v[sl]
                jb = jnp.right_shift(v, _LOG2C)
                pos = v & (_CHUNK - 1)
                g0 = (jnp.left_shift(jb, _LOG2C + 2)
                      + jnp.left_shift(pos & (_CHUNK // 2 - 1), 3)
                      + jnp.left_shift(jnp.right_shift(pos, _LOG2C - 1), 2))
                row = lane * 0 + j
                for k in range(4):
                    plsc.store_scatter(g_v, [row, lane * 8 + k], g0 + k)
                for k in (4, 5, 6, 7):
                    plsc.store_scatter(g_v, [row, lane * 8 + k], g0)
                lrow_v[sl] = jnp.right_shift(v, 7)
            cps = [
                pltpu.async_copy(gt_hbm.at[g_v.at[j]],
                                 rows_v.at[pl.ds(j * 128, 128)], sem)
                for j in range(8)
            ]
            cpl = pltpu.async_copy(lin_hbm.at[lrow_v], lbuf_v, sem)
            for cp in cps:
                cp.wait()
            cpl.wait()
            for j in range(8):
                sl = pl.ds(j * 16, 16)
                samp = lane + (j * 16)
                vals = plsc.load_gather(lbuf_v, [samp, idx_v[sl] & 127])
                plsc.store_scatter(rows_v, [samp * 8 + 4, lane * 0], vals)
            pltpu.sync_copy(rows_v, r_out.at[pl.ds(base * 8, _BPW * 8)])

    return _sc_gather


def _dense_body(r1_ref, r2_ref, lin_b_ref,
                w1_ref, b1_ref, g1_ref, be1_ref,
                w2_ref, b2_ref, g2_ref, be2_ref,
                w3_ref, b3_ref, out_ref):
    e1 = r1_ref[:, 0:_D]
    e2 = r2_ref[:, 0:_D]

    s = e1 + e2
    fm = 0.5 * jnp.sum(s * s - e1 * e1 - e2 * e2, axis=1, keepdims=True)

    lin = r1_ref[:, _D:_D + 1] + r2_ref[:, _D:_D + 1] + lin_b_ref[...]

    h = (
        jnp.dot(e1, w1_ref[0:_D, :], preferred_element_type=jnp.float32)
        + jnp.dot(e2, w1_ref[_D:2 * _D, :], preferred_element_type=jnp.float32)
        + b1_ref[...]
    )
    m = jnp.mean(h, axis=0, keepdims=True)
    hc = h - m
    v = jnp.mean(hc * hc, axis=0, keepdims=True)
    h = jnp.maximum(hc * lax.rsqrt(v + 1e-5) * g1_ref[...] + be1_ref[...], 0.0)

    h = jnp.dot(h, w2_ref[...], preferred_element_type=jnp.float32) + b2_ref[...]
    m = jnp.mean(h, axis=0, keepdims=True)
    hc = h - m
    v = jnp.mean(hc * hc, axis=0, keepdims=True)
    h = jnp.maximum(hc * lax.rsqrt(v + 1e-5) * g2_ref[...] + be2_ref[...], 0.0)

    o = jnp.dot(h, w3_ref[...], preferred_element_type=jnp.float32) + b3_ref[...]
    z = lin + fm + o
    out_ref[...] = 1.0 / (1.0 + jnp.exp(-z))


_dense = pl.pallas_call(
    _dense_body,
    out_shape=jax.ShapeDtypeStruct((_B, 1), jnp.float32),
)


def kernel(x1, x2, emb_table, lin_w, lin_b,
           W1, b1, g1, be1, W2, b2, g2, be2, W3, b3):
    gt = _transposer(emb_table.T)
    lin128 = jnp.pad(lin_w.reshape(-1), (0, 200064 - _T)).reshape(1563, 128)
    r1, r2 = _make_sc_gather()(x1, x2, gt.reshape(_GROWS, 16), lin128)
    out = _dense(
        r1.reshape(_B, 128), r2.reshape(_B, 128), lin_b.reshape(1, 1),
        W1, b1.reshape(1, -1), g1.reshape(1, -1), be1.reshape(1, -1),
        W2, b2.reshape(1, -1), g2.reshape(1, -1), be2.reshape(1, -1),
        W3, b3.reshape(1, 1),
    )
    return out.reshape(_B)

# --- scband reference (transcript-rebuilt; emitter-appended) ---
"""Pipeline reference for scband-deep-factorization-machine-model-84155589198090 (READ-ONLY COPY).

The authoritative reference and input builder live on the scoring server;
editing this copy changes nothing except your own understanding.
"""

import jax, jax.numpy as jnp
import numpy as np

INPUT_DIMS = (100000, 100000)
EMBED_DIM = 64
MLP_DIMS = (128, 64)
BATCH = 4096
EMBED_OUT = 2 * EMBED_DIM


def setup_inputs(seed: int = 0) -> dict:
    key = jax.random.key(seed)
    ks = jax.random.split(key, 20)
    total = sum(INPUT_DIMS)
    inp = {}
    inp['x1'] = jax.random.randint(ks[0], (BATCH,), 0, INPUT_DIMS[0], dtype=jnp.int32)
    inp['x2'] = jax.random.randint(ks[1], (BATCH,), 0, INPUT_DIMS[1], dtype=jnp.int32)
    # FeaturesEmbedding: single table over sum(input_dims) with offsets
    inp['emb_table'] = jax.random.normal(ks[2], (total, EMBED_DIM), dtype=jnp.float32) * 0.05
    # FeaturesLinear: per-feature scalar weights + global bias
    inp['lin_w'] = jax.random.normal(ks[3], (total, 1), dtype=jnp.float32) * 0.05
    inp['lin_b'] = jnp.zeros((1,), dtype=jnp.float32)
    # MLP: Linear->BN->ReLU per hidden dim, then output Linear(.,1)
    d_in = EMBED_OUT
    for i, d in enumerate(MLP_DIMS):
        inp[f'W{i+1}'] = jax.random.normal(ks[4 + 3 * i], (d_in, d), dtype=jnp.float32) * (1.0 / np.sqrt(d_in))
        inp[f'b{i+1}'] = jnp.zeros((d,), dtype=jnp.float32)
        inp[f'g{i+1}'] = jnp.ones((d,), dtype=jnp.float32)
        inp[f'be{i+1}'] = jnp.zeros((d,), dtype=jnp.float32)
        d_in = d
    inp['W3'] = jax.random.normal(ks[12], (d_in, 1), dtype=jnp.float32) * (1.0 / np.sqrt(d_in))
    inp['b3'] = jnp.zeros((1,), dtype=jnp.float32)
    return inp


def _batchnorm(h, g, b, eps=1e-5):
    m = jnp.mean(h, axis=0)
    v = jnp.var(h, axis=0)
    return (h - m) / jnp.sqrt(v + eps) * g + b


def reference(x1, x2, emb_table, lin_w, lin_b, W1, b1, g1, be1, W2, b2, g2, be2, W3, b3):
    offsets = jnp.array([0, INPUT_DIMS[0]], dtype=x1.dtype)
    x = jnp.stack([x1, x2], axis=1) + offsets[None, :]  # (B, 2)
    # FeaturesEmbedding
    embed_x = jnp.take(emb_table, x, axis=0)  # (B, 2, D)
    # FeaturesLinear
    linear = jnp.sum(jnp.take(lin_w, x, axis=0), axis=1) + lin_b  # (B, 1)
    # FactorizationMachine (reduce_sum=True)
    s = jnp.sum(embed_x, axis=1)
    square_of_sum = s * s
    sum_of_square = jnp.sum(embed_x * embed_x, axis=1)
    fm = 0.5 * jnp.sum(square_of_sum - sum_of_square, axis=1, keepdims=True)  # (B, 1)
    # MLP (dropout=0.0; BatchNorm uses batch statistics, torch default training mode)
    h = embed_x.reshape(-1, EMBED_OUT)
    h = jnp.maximum(_batchnorm(h @ W1 + b1, g1, be1), 0.0)
    h = jnp.maximum(_batchnorm(h @ W2 + b2, g2, be2), 0.0)
    mlp_out = h @ W3 + b3  # (B, 1)
    out = linear + fm + mlp_out
    return jax.nn.sigmoid(jnp.squeeze(out, axis=1))

if __name__ == "__main__":
    import jax
    _d = setup_inputs()
    print(jax.jit(kernel)(*tuple(_d.values())))

</pallas_src>

<mosaic_0001>
#map = affine_map<(d0, d1) -> (0)>
#map1 = affine_map<(d0, d1) -> (0, 0)>
module attributes {stable_mosaic.version = 14 : i64} {
  func.func @_sc_gather(%arg0: i32, %arg1: i32, %arg2: memref<4096xi32, #tpu.memory_space<hbm>>, %arg3: memref<4096xi32, #tpu.memory_space<hbm>>, %arg4: memref<851968x16xf32, #tpu.memory_space<hbm>>, %arg5: memref<1563x128xf32, #tpu.memory_space<hbm>>, %arg6: memref<32768x16xf32, #tpu.memory_space<hbm>>, %arg7: memref<32768x16xf32, #tpu.memory_space<hbm>>, %arg8: memref<128xi32, #tpu.memory_space<vmem>>, %arg9: memref<128xi32, #tpu.memory_space<vmem>>, %arg10: memref<8x128xi32, #tpu.memory_space<vmem>>, %arg11: memref<8x128xi32, #tpu.memory_space<vmem>>, %arg12: memref<128xi32, #tpu.memory_space<vmem>>, %arg13: memref<128xi32, #tpu.memory_space<vmem>>, %arg14: memref<1024x16xf32, #tpu.memory_space<vmem>>, %arg15: memref<1024x16xf32, #tpu.memory_space<vmem>>, %arg16: memref<128x128xf32, #tpu.memory_space<vmem>>, %arg17: memref<128x128xf32, #tpu.memory_space<vmem>>, %arg18: memref<!tpu.dma_semaphore, #tpu.memory_space<semaphore_mem>>, %arg19: memref<!tpu.dma_semaphore, #tpu.memory_space<semaphore_mem>>) attributes {dimension_semantics = [#tpu.dimension_semantics<core_parallel>, #tpu.dimension_semantics<subcore_parallel>], iteration_bounds = array<i64: 2, 16>, scalar_prefetch = 0 : i64, scratch_operands = 12 : i64, tpu.core_type = #tpu.core_type<sc_vector_subcore>, window_params = [{transform_indices = #map}, {transform_indices = #map}, {transform_indices = #map1}, {transform_indices = #map1}, {transform_indices = #map1}, {transform_indices = #map1}]} {
    %mul3A = arith.constant 2 : i32
    %mul3A_0 = arith.muli %arg1, %mul3A : i32
    %add3A = arith.addi %mul3A_0, %arg0 : i32
    %mul3A_1 = arith.constant 128 : i32
    %mul3A_2 = arith.muli %add3A, %mul3A_1 : i32
    "tpu.region"() ({
      %run_scoped3A = tpu.sem_alloc : memref<!tpu.dma_semaphore, #tpu.memory_space<semaphore_mem>>
      %dma_start3A_2211 = tpu.memref_slice %arg2[%mul3A_2] : memref<4096xi32, #tpu.memory_space<hbm>> -> memref<128xi32, #tpu.memory_space<hbm>>
      %dma_start3A_2212 = tpu.memref_slice %arg2[%mul3A_2] : memref<4096xi32, #tpu.memory_space<hbm>> -> memref<128xi32, #tpu.memory_space<hbm>>
      tpu.enqueue_dma source(%dma_start3A_2212 : memref<128xi32, #tpu.memory_space<hbm>>) target(%arg8 : memref<128xi32, #tpu.memory_space<vmem>>) target_semaphore(%run_scoped3A : memref<!tpu.dma_semaphore, #tpu.memory_space<semaphore_mem>>)
      %dma_wait3A_2213 = tpu.memref_slice %arg2[%mul3A_2] : memref<4096xi32, #tpu.memory_space<hbm>> -> memref<128xi32, #tpu.memory_space<hbm>>
      %dma_wait3A_2214 = tpu.memref_slice %arg2[%mul3A_2] : memref<4096xi32, #tpu.memory_space<hbm>> -> memref<128xi32, #tpu.memory_space<hbm>>
      tpu.wait_dma2 semaphore(%run_scoped3A : memref<!tpu.dma_semaphore, #tpu.memory_space<semaphore_mem>>) src(%dma_wait3A_2214 : memref<128xi32, #tpu.memory_space<hbm>>) dst(%arg8 : memref<128xi32, #tpu.memory_space<vmem>>)
      tpu.yield
    }) : () -> ()
    "tpu.region"() ({
      %run_scoped3A = tpu.sem_alloc : memref<!tpu.dma_semaphore, #tpu.memory_space<semaphore_mem>>
      %dma_start3A_2211 = tpu.memref_slice %arg3[%mul3A_2] : memref<4096xi32, #tpu.memory_space<hbm>> -> memref<128xi32, #tpu.memory_space<hbm>>
      %dma_start3A_2212 = tpu.memref_slice %arg3[%mul3A_2] : memref<4096xi32, #tpu.memory_space<hbm>> -> memref<128xi32, #tpu.memory_space<hbm>>
      tpu.enqueue_dma source(%dma_start3A_2212 : memref<128xi32, #tpu.memory_space<hbm>>) target(%arg9 : memref<128xi32, #tpu.memory_space<vmem>>) target_semaphore(%run_scoped3A : memref<!tpu.dma_semaphore, #tpu.memory_space<semaphore_mem>>)
      %dma_wait3A_2213 = tpu.memref_slice %arg3[%mul3A_2] : memref<4096xi32, #tpu.memory_space<hbm>> -> memref<128xi32, #tpu.memory_space<hbm>>
      %dma_wait3A_2214 = tpu.memref_slice %arg3[%mul3A_2] : memref<4096xi32, #tpu.memory_space<hbm>> -> memref<128xi32, #tpu.memory_space<hbm>>
      tpu.wait_dma2 semaphore(%run_scoped3A : memref<!tpu.dma_semaphore, #tpu.memory_space<semaphore_mem>>) src(%dma_wait3A_2214 : memref<128xi32, #tpu.memory_space<hbm>>) dst(%arg9 : memref<128xi32, #tpu.memory_space<vmem>>)
      tpu.yield
    }) : () -> ()
    %iota3A = tpu.iota {dimensions = array<i32: 0>} : vector<16xi32>
    %get3A = arith.constant 0 : index
    %get3A_3 = tpu.vector_load %arg9[%get3A] {strides = array<i32>} : memref<128xi32, #tpu.memory_space<vmem>>, vector<16xi32>,
    %add3A_4 = arith.constant 100000 : i32
    %add3A_5 = vector.broadcast %add3A_4 : i32 to vector<16xi32>
    %add3A_6 = arith.addi %get3A_3, %add3A_5 : vector<16xi32>
    %swap3A = arith.constant 0 : index
    %swap3A_7 = tpu.vector_load %arg9[%swap3A] {strides = array<i32>} : memref<128xi32, #tpu.memory_space<vmem>>, vector<16xi32>,
    tpu.vector_store %arg9[%swap3A], %add3A_6 {strides = array<i32>} : memref<128xi32, #tpu.memory_space<vmem>>, vector<16xi32>,
    %get3A_8 = arith.constant 16 : index
    %get3A_9 = tpu.vector_load %arg9[%get3A_8] {strides = array<i32>} : memref<128xi32, #tpu.memory_space<vmem>>, vector<16xi32>,
    %add3A_10 = arith.constant 100000 : i32
    %add3A_11 = vector.broadcast %add3A_10 : i32 to vector<16xi32>
    %add3A_12 = arith.addi %get3A_9, %add3A_11 : vector<16xi32>
    %swap3A_13 = arith.constant 16 : index
    %swap3A_14 = tpu.vector_load %arg9[%swap3A_13] {strides = array<i32>} : memref<128xi32, #tpu.memory_space<vmem>>, vector<16xi32>,
    tpu.vector_store %arg9[%swap3A_13], %add3A_12 {strides = array<i32>} : memref<128xi32, #tpu.memory_space<vmem>>, vector<16xi32>,
    %get3A_15 = arith.constant 32 : index
    %get3A_16 = tpu.vector_load %arg9[%get3A_15] {strides = array<i32>} : memref<128xi32, #tpu.memory_space<vmem>>, vector<16xi32>,
    %add3A_17 = arith.constant 100000 : i32
    %add3A_18 = vector.broadcast %add3A_17 : i32 to vector<16xi32>
    %add3A_19 = arith.addi %get3A_16, %add3A_18 : vector<16xi32>
    %swap3A_20 = arith.constant 32 : index
    %swap3A_21 = tpu.vector_load %arg9[%swap3A_20] {strides = array<i32>} : memref<128xi32, #tpu.memory_space<vmem>>, vector<16xi32>,
    tpu.vector_store %arg9[%swap3A_20], %add3A_19 {strides = array<i32>} : memref<128xi32, #tpu.memory_space<vmem>>, vector<16xi32>,
    %get3A_22 = arith.constant 48 : index
    %get3A_23 = tpu.vector_load %arg9[%get3A_22] {strides = array<i32>} : memref<128xi32, #tpu.memory_space<vmem>>, vector<16xi32>,
    %add3A_24 = arith.constant 100000 : i32
    %add3A_25 = vector.broadcast %add3A_24 : i32 to vector<16xi32>
    %add3A_26 = arith.addi %get3A_23, %add3A_25 : vector<16xi32>
    %swap3A_27 = arith.constant 48 : index
    %swap3A_28 = tpu.vector_load %arg9[%swap3A_27] {strides = array<i32>} : memref<128xi32, #tpu.memory_space<vmem>>, vector<16xi32>,
    tpu.vector_store %arg9[%swap3A_27], %add3A_26 {strides = array<i32>} : memref<128xi32, #tpu.memory_space<vmem>>, vector<16xi32>,
    %get3A_29 = arith.constant 64 : index
    %get3A_30 = tpu.vector_load %arg9[%get3A_29] {strides = array<i32>} : memref<128xi32, #tpu.memory_space<vmem>>, vector<16xi32>,
    %add3A_31 = arith.constant 100000 : i32
    %add3A_32 = vector.broadcast %add3A_31 : i32 to vector<16xi32>
    %add3A_33 = arith.addi %get3A_30, %add3A_32 : vector<16xi32>
    %swap3A_34 = arith.constant 64 : index
    %swap3A_35 = tpu.vector_load %arg9[%swap3A_34] {strides = array<i32>} : memref<128xi32, #tpu.memory_space<vmem>>, vector<16xi32>,
    tpu.vector_store %arg9[%swap3A_34], %add3A_33 {strides = array<i32>} : memref<128xi32, #tpu.memory_space<vmem>>, vector<16xi32>,
    %get3A_36 = arith.constant 80 : index
    %get3A_37 = tpu.vector_load %arg9[%get3A_36] {strides = array<i32>} : memref<128xi32, #tpu.memory_space<vmem>>, vector<16xi32>,
    %add3A_38 = arith.constant 100000 : i32
    %add3A_39 = vector.broadcast %add3A_38 : i32 to vector<16xi32>
    %add3A_40 = arith.addi %get3A_37, %add3A_39 : vector<16xi32>
    %swap3A_41 = arith.constant 80 : index
    %swap3A_42 = tpu.vector_load %arg9[%swap3A_41] {strides = array<i32>} : memref<128xi32, #tpu.memory_space<vmem>>, vector<16xi32>,
    tpu.vector_store %arg9[%swap3A_41], %add3A_40 {strides = array<i32>} : memref<128xi32, #tpu.memory_space<vmem>>, vector<16xi32>,
    %get3A_43 = arith.constant 96 : index
    %get3A_44 = tpu.vector_load %arg9[%get3A_43] {strides = array<i32>} : memref<128xi32, #tpu.memory_space<vmem>>, vector<16xi32>,
    %add3A_45 = arith.constant 100000 : i32
    %add3A_46 = vector.broadcast %add3A_45 : i32 to vector<16xi32>
    %add3A_47 = arith.addi %get3A_44, %add3A_46 : vector<16xi32>
    %swap3A_48 = arith.constant 96 : index
    %swap3A_49 = tpu.vector_load %arg9[%swap3A_48] {strides = array<i32>} : memref<128xi32, #tpu.memory_space<vmem>>, vector<16xi32>,
    tpu.vector_store %arg9[%swap3A_48], %add3A_47 {strides = array<i32>} : memref<128xi32, #tpu.memory_space<vmem>>, vector<16xi32>,
    %get3A_50 = arith.constant 112 : index
    %get3A_51 = tpu.vector_load %arg9[%get3A_50] {strides = array<i32>} : memref<128xi32, #tpu.memory_space<vmem>>, vector<16xi32>,
    %add3A_52 = arith.constant 100000 : i32
    %add3A_53 = vector.broadcast %add3A_52 : i32 to vector<16xi32>
    %add3A_54 = arith.addi %get3A_51, %add3A_53 : vector<16xi32>
    %swap3A_55 = arith.constant 112 : index
    %swap3A_56 = tpu.vector_load %arg9[%swap3A_55] {strides = array<i32>} : memref<128xi32, #tpu.memory_space<vmem>>, vector<16xi32>,
    tpu.vector_store %arg9[%swap3A_55], %add3A_54 {strides = array<i32>} : memref<128xi32, #tpu.memory_space<vmem>>, vector<16xi32>,
    %get3A_57 = arith.constant 0 : index
    %get3A_58 = tpu.vector_load %arg8[%get3A_57] {strides = array<i32>} : memref<128xi32, #tpu.memory_space<vmem>>, vector<16xi32>,
    %shift_right_arithmetic3A = arith.constant 14 : i32
    %shift_right_arithmetic3A_59 = vector.broadcast %shift_right_arithmetic3A : i32 to vector<16xi32>
    %shift_right_arithmetic3A_60 = arith.shrsi %get3A_58, %shift_right_arithmetic3A_59 : vector<16xi32>
    %and3A = arith.constant 16383 : i32
    %and3A_61 = vector.broadcast %and3A : i32 to vector<16xi32>
    %and3A_62 = arith.andi %get3A_58, %and3A_61 : vector<16xi32>
    %shift_left3A = arith.constant 16 : i32
    %shift_left3A_63 = vector.broadcast %shift_left3A : i32 to vector<16xi32>
    %shift_left3A_64 = arith.shli %shift_right_arithmetic3A_60, %shift_left3A_63 : vector<16xi32>
    %and3A_65 = arith.constant 8191 : i32
    %and3A_66 = vector.broadcast %and3A_65 : i32 to vector<16xi32>
    %and3A_67 = arith.andi %and3A_62, %and3A_66 : vector<16xi32>
    %shift_left3A_68 = arith.constant 3 : i32
    %shift_left3A_69 = vector.broadcast %shift_left3A_68 : i32 to vector<16xi32>
    %shift_left3A_70 = arith.shli %and3A_67, %shift_left3A_69 : vector<16xi32>
    %add3A_71 = arith.addi %shift_left3A_64, %shift_left3A_70 : vector<16xi32>
    %shift_right_arithmetic3A_72 = arith.constant 13 : i32
    %shift_right_arithmetic3A_73 = vector.broadcast %shift_right_arithmetic3A_72 : i32 to vector<16xi32>
    %shift_right_arithmetic3A_74 = arith.shrsi %and3A_62, %shift_right_arithmetic3A_73 : vector<16xi32>
    %shift_left3A_75 = arith.constant 2 : i32
    %shift_left3A_76 = vector.broadcast %shift_left3A_75 : i32 to vector<16xi32>
    %shift_left3A_77 = arith.shli %shift_right_arithmetic3A_74, %shift_left3A_76 : vector<16xi32>
    %add3A_78 = arith.addi %add3A_71, %shift_left3A_77 : vector<16xi32>
    %mul3A_79 = arith.constant 0 : i32
    %mul3A_80 = vector.broadcast %mul3A_79 : i32 to vector<16xi32>
    %mul3A_81 = arith.muli %iota3A, %mul3A_80 : vector<16xi32>
    %add3A_82 = arith.constant 0 : i32
    %add3A_83 = vector.broadcast %add3A_82 : i32 to vector<16xi32>
    %add3A_84 = arith.addi %mul3A_81, %add3A_83 : vector<16xi32>
    %mul3A_85 = arith.constant 8 : i32
    %mul3A_86 = vector.broadcast %mul3A_85 : i32 to vector<16xi32>
    %mul3A_87 = arith.muli %iota3A, %mul3A_86 : vector<16xi32>
    %add3A_88 = arith.constant 0 : i32
    %add3A_89 = vector.broadcast %add3A_88 : i32 to vector<16xi32>
    %add3A_90 = arith.addi %mul3A_87, %add3A_89 : vector<16xi32>
    %add3A_91 = arith.constant 0 : i32
    %add3A_92 = vector.broadcast %add3A_91 : i32 to vector<16xi32>
    %add3A_93 = arith.addi %add3A_78, %add3A_92 : vector<16xi32>
    tpu.vector_store_idx %arg10[%add3A_84, %add3A_90], %add3A_93 : memref<8x128xi32, #tpu.memory_space<vmem>>[vector<16xi32>, vector<16xi32>], vector<16xi32>,
    %mul3A_94 = arith.constant 8 : i32
    %mul3A_95 = vector.broadcast %mul3A_94 : i32 to vector<16xi32>
    %mul3A_96 = arith.muli %iota3A, %mul3A_95 : vector<16xi32>
    %add3A_97 = arith.constant 1 : i32
    %add3A_98 = vector.broadcast %add3A_97 : i32 to vector<16xi32>
    %add3A_99 = arith.addi %mul3A_96, %add3A_98 : vector<16xi32>
    %add3A_100 = arith.constant 1 : i32
    %add3A_101 = vector.broadcast %add3A_100 : i32 to vector<16xi32>
    %add3A_102 = arith.addi %add3A_78, %add3A_101 : vector<16xi32>
    tpu.vector_store_idx %arg10[%add3A_84, %add3A_99], %add3A_102 : memref<8x128xi32, #tpu.memory_space<vmem>>[vector<16xi32>, vector<16xi32>], vector<16xi32>,
    %mul3A_103 = arith.constant 8 : i32
    %mul3A_104 = vector.broadcast %mul3A_103 : i32 to vector<16xi32>
    %mul3A_105 = arith.muli %iota3A, %mul3A_104 : vector<16xi32>
    %add3A_106 = arith.constant 2 : i32
    %add3A_107 = vector.broadcast %add3A_106 : i32 to vector<16xi32>
    %add3A_108 = arith.addi %mul3A_105, %add3A_107 : vector<16xi32>
    %add3A_109 = arith.constant 2 : i32
    %add3A_110 = vector.broadcast %add3A_109 : i32 to vector<16xi32>
    %add3A_111 = arith.addi %add3A_78, %add3A_110 : vector<16xi32>
    tpu.vector_store_idx %arg10[%add3A_84, %add3A_108], %add3A_111 : memref<8x128xi32, #tpu.memory_space<vmem>>[vector<16xi32>, vector<16xi32>], vector<16xi32>,
    %mul3A_112 = arith.constant 8 : i32
    %mul3A_113 = vector.broadcast %mul3A_112 : i32 to vector<16xi32>
    %mul3A_114 = arith.muli %iota3A, %mul3A_113 : vector<16xi32>
    %add3A_115 = arith.constant 3 : i32
    %add3A_116 = vector.broadcast %add3A_115 : i32 to vector<16xi32>
    %add3A_117 = arith.addi %mul3A_114, %add3A_116 : vector<16xi32>
    %add3A_118 = arith.constant 3 : i32
    %add3A_119 = vector.broadcast %add3A_118 : i32 to vector<16xi32>
    %add3A_120 = arith.addi %add3A_78, %add3A_119 : vector<16xi32>
    tpu.vector_store_idx %arg10[%add3A_84, %add3A_117], %add3A_120 : memref<8x128xi32, #tpu.memory_space<vmem>>[vector<16xi32>, vector<16xi32>], vector<16xi32>,
    %mul3A_121 = arith.constant 8 : i32
    %mul3A_122 = vector.broadcast %mul3A_121 : i32 to vector<16xi32>
    %mul3A_123 = arith.muli %iota3A, %mul3A_122 : vector<16xi32>
    %add3A_124 = arith.constant 4 : i32
    %add3A_125 = vector.broadcast %add3A_124 : i32 to vector<16xi32>
    %add3A_126 = arith.addi %mul3A_123, %add3A_125 : vector<16xi32>
    tpu.vector_store_idx %arg10[%add3A_84, %add3A_126], %add3A_78 : memref<8x128xi32, #tpu.memory_space<vmem>>[vector<16xi32>, vector<16xi32>], vector<16xi32>,
    %mul3A_127 = arith.constant 8 : i32
    %mul3A_128 = vector.broadcast %mul3A_127 : i32 to vector<16xi32>
    %mul3A_129 = arith.muli %iota3A, %mul3A_128 : vector<16xi32>
    %add3A_130 = arith.constant 5 : i32
    %add3A_131 = vector.broadcast %add3A_130 : i32 to vector<16xi32>
    %add3A_132 = arith.addi %mul3A_129, %add3A_131 : vector<16xi32>
    tpu.vector_store_idx %arg10[%add3A_84, %add3A_132], %add3A_78 : memref<8x128xi32, #tpu.memory_space<vmem>>[vector<16xi32>, vector<16xi32>], vector<16xi32>,
    %mul3A_133 = arith.constant 8 : i32
    %mul3A_134 = vector.broadcast %mul3A_133 : i32 to vector<16xi32>
    %mul3A_135 = arith.muli %iota3A, %mul3A_134 : vector<16xi32>
    %add3A_136 = arith.constant 6 : i32
    %add3A_137 = vector.broadcast %add3A_136 : i32 to vector<16xi32>
    %add3A_138 = arith.addi %mul3A_135, %add3A_137 : vector<16xi32>
    tpu.vector_store_idx %arg10[%add3A_84, %add3A_138], %add3A_78 : memref<8x128xi32, #tpu.memory_space<vmem>>[vector<16xi32>, vector<16xi32>], vector<16xi32>,
    %mul3A_139 = arith.constant 8 : i32
    %mul3A_140 = vector.broadcast %mul3A_139 : i32 to vector<16xi32>
    %mul3A_141 = arith.muli %iota3A, %mul3A_140 : vector<16xi32>
    %add3A_142 = arith.constant 7 : i32
    %add3A_143 = vector.broadcast %add3A_142 : i32 to vector<16xi32>
    %add3A_144 = arith.addi %mul3A_141, %add3A_143 : vector<16xi32>
    tpu.vector_store_idx %arg10[%add3A_84, %add3A_144], %add3A_78 : memref<8x128xi32, #tpu.memory_space<vmem>>[vector<16xi32>, vector<16xi32>], vector<16xi32>,
    %shift_right_arithmetic3A_145 = arith.constant 7 : i32
    %shift_right_arithmetic3A_146 = vector.broadcast %shift_right_arithmetic3A_145 : i32 to vector<16xi32>
    %shift_right_arithmetic3A_147 = arith.shrsi %get3A_58, %shift_right_arithmetic3A_146 : vector<16xi32>
    %swap3A_148 = arith.constant 0 : index
    %swap3A_149 = tpu.vector_load %arg12[%swap3A_148] {strides = array<i32>} : memref<128xi32, #tpu.memory_space<vmem>>, vector<16xi32>,
    tpu.vector_store %arg12[%swap3A_148], %shift_right_arithmetic3A_147 {strides = array<i32>} : memref<128xi32, #tpu.memory_space<vmem>>, vector<16xi32>,
    %get3A_150 = arith.constant 16 : index
    %get3A_151 = tpu.vector_load %arg8[%get3A_150] {strides = array<i32>} : memref<128xi32, #tpu.memory_space<vmem>>, vector<16xi32>,
    %shift_right_arithmetic3A_152 = arith.constant 14 : i32
    %shift_right_arithmetic3A_153 = vector.broadcast %shift_right_arithmetic3A_152 : i32 to vector<16xi32>
    %shift_right_arithmetic3A_154 = arith.shrsi %get3A_151, %shift_right_arithmetic3A_153 : vector<16xi32>
    %and3A_155 = arith.constant 16383 : i32
    %and3A_156 = vector.broadcast %and3A_155 : i32 to vector<16xi32>
    %and3A_157 = arith.andi %get3A_151, %and3A_156 : vector<16xi32>
    %shift_left3A_158 = arith.constant 16 : i32
    %shift_left3A_159 = vector.broadcast %shift_left3A_158 : i32 to vector<16xi32>
    %shift_left3A_160 = arith.shli %shift_right_arithmetic3A_154, %shift_left3A_159 : vector<16xi32>
    %and3A_161 = arith.constant 8191 : i32
    %and3A_162 = vector.broadcast %and3A_161 : i32 to vector<16xi32>
    %and3A_163 = arith.andi %and3A_157, %and3A_162 : vector<16xi32>
    %shift_left3A_164 = arith.constant 3 : i32
    %shift_left3A_165 = vector.broadcast %shift_left3A_164 : i32 to vector<16xi32>
    %shift_left3A_166 = arith.shli %and3A_163, %shift_left3A_165 : vector<16xi32>
    %add3A_167 = arith.addi %shift_left3A_160, %shift_left3A_166 : vector<16xi32>
    %shift_right_arithmetic3A_168 = arith.constant 13 : i32
    %shift_right_arithmetic3A_169 = vector.broadcast %shift_right_arithmetic3A_168 : i32 to vector<16xi32>
    %shift_right_arithmetic3A_170 = arith.shrsi %and3A_157, %shift_right_arithmetic3A_169 : vector<16xi32>
    %shift_left3A_171 = arith.constant 2 : i32
    %shift_left3A_172 = vector.broadcast %shift_left3A_171 : i32 to vector<16xi32>
    %shift_left3A_173 = arith.shli %shift_right_arithmetic3A_170, %shift_left3A_172 : vector<16xi32>
    %add3A_174 = arith.addi %add3A_167, %shift_left3A_173 : vector<16xi32>
    %mul3A_175 = arith.constant 0 : i32
    %mul3A_176 = vector.broadcast %mul3A_175 : i32 to vector<16xi32>
    %mul3A_177 = arith.muli %iota3A, %mul3A_176 : vector<16xi32>
    %add3A_178 = arith.constant 1 : i32
    %add3A_179 = vector.broadcast %add3A_178 : i32 to vector<16xi32>
    %add3A_180 = arith.addi %mul3A_177, %add3A_179 : vector<16xi32>
    %mul3A_181 = arith.constant 8 : i32
    %mul3A_182 = vector.broadcast %mul3A_181 : i32 to vector<16xi32>
    %mul3A_183 = arith.muli %iota3A, %mul3A_182 : vector<16xi32>
    %add3A_184 = arith.constant 0 : i32
    %add3A_185 = vector.broadcast %add3A_184 : i32 to vector<16xi32>
    %add3A_186 = arith.addi %mul3A_183, %add3A_185 : vector<16xi32>
    %add3A_187 = arith.constant 0 : i32
    %add3A_188 = vector.broadcast %add3A_187 : i32 to vector<16xi32>
    %add3A_189 = arith.addi %add3A_174, %add3A_188 : vector<16xi32>
    tpu.vector_store_idx %arg10[%add3A_180, %add3A_186], %add3A_189 : memref<8x128xi32, #tpu.memory_space<vmem>>[vector<16xi32>, vector<16xi32>], vector<16xi32>,
    %mul3A_190 = arith.constant 8 : i32
    %mul3A_191 = vector.broadcast %mul3A_190 : i32 to vector<16xi32>
    %mul3A_192 = arith.muli %iota3A, %mul3A_191 : vector<16xi32>
    %add3A_193 = arith.constant 1 : i32
    %add3A_194 = vector.broadcast %add3A_193 : i32 to vector<16xi32>
    %add3A_195 = arith.addi %mul3A_192, %add3A_194 : vector<16xi32>
    %add3A_196 = arith.constant 1 : i32
    %add3A_197 = vector.broadcast %add3A_196 : i32 to vector<16xi32>
    %add3A_198 = arith.addi %add3A_174, %add3A_197 : vector<16xi32>
    tpu.vector_store_idx %arg10[%add3A_180, %add3A_195], %add3A_198 : memref<8x128xi32, #tpu.memory_space<vmem>>[vector<16xi32>, vector<16xi32>], vector<16xi32>,
    %mul3A_199 = arith.constant 8 : i32
    %mul3A_200 = vector.broadcast %mul3A_199 : i32 to vector<16xi32>
    %mul3A_201 = arith.muli %iota3A, %mul3A_200 : vector<16xi32>
    %add3A_202 = arith.constant 2 : i32
    %add3A_203 = vector.broadcast %add3A_202 : i32 to vector<16xi32>
    %add3A_204 = arith.addi %mul3A_201, %add3A_203 : vector<16xi32>
    %add3A_205 = arith.constant 2 : i32
    %add3A_206 = vector.broadcast %add3A_205 : i32 to vector<16xi32>
    %add3A_207 = arith.addi %add3A_174, %add3A_206 : vector<16xi32>
    tpu.vector_store_idx %arg10[%add3A_180, %add3A_204], %add3A_207 : memref<8x128xi32, #tpu.memory_space<vmem>>[vector<16xi32>, vector<16xi32>], vector<16xi32>,
    %mul3A_208 = arith.constant 8 : i32
    %mul3A_209 = vector.broadcast %mul3A_208 : i32 to vector<16xi32>
    %mul3A_210 = arith.muli %iota3A, %mul3A_209 : vector<16xi32>
    %add3A_211 = arith.constant 3 : i32
    %add3A_212 = vector.broadcast %add3A_211 : i32 to vector<16xi32>
    %add3A_213 = arith.addi %mul3A_210, %add3A_212 : vector<16xi32>
    %add3A_214 = arith.constant 3 : i32
    %add3A_215 = vector.broadcast %add3A_214 : i32 to vector<16xi32>
    %add3A_216 = arith.addi %add3A_174, %add3A_215 : vector<16xi32>
    tpu.vector_store_idx %arg10[%add3A_180, %add3A_213], %add3A_216 : memref<8x128xi32, #tpu.memory_space<vmem>>[vector<16xi32>, vector<16xi32>], vector<16xi32>,
    %mul3A_217 = arith.constant 8 : i32
    %mul3A_218 = vector.broadcast %mul3A_217 : i32 to vector<16xi32>
    %mul3A_219 = arith.muli %iota3A, %mul3A_218 : vector<16xi32>
    %add3A_220 = arith.constant 4 : i32
    %add3A_221 = vector.broadcast %add3A_220 : i32 to vector<16xi32>
    %add3A_222 = arith.addi %mul3A_219, %add3A_221 : vector<16xi32>
    tpu.vector_store_idx %arg10[%add3A_180, %add3A_222], %add3A_174 : memref<8x128xi32, #tpu.memory_space<vmem>>[vector<16xi32>, vector<16xi32>], vector<16xi32>,
    %mul3A_223 = arith.constant 8 : i32
    %mul3A_224 = vector.broadcast %mul3A_223 : i32 to vector<16xi32>
    %mul3A_225 = arith.muli %iota3A, %mul3A_224 : vector<16xi32>
    %add3A_226 = arith.constant 5 : i32
    %add3A_227 = vector.broadcast %add3A_226 : i32 to vector<16xi32>
    %add3A_228 = arith.addi %mul3A_225, %add3A_227 : vector<16xi32>
    tpu.vector_store_idx %arg10[%add3A_180, %add3A_228], %add3A_174 : memref<8x128xi32, #tpu.memory_space<vmem>>[vector<16xi32>, vector<16xi32>], vector<16xi32>,
    %mul3A_229 = arith.constant 8 : i32
    %mul3A_230 = vector.broadcast %mul3A_229 : i32 to vector<16xi32>
    %mul3A_231 = arith.muli %iota3A, %mul3A_230 : vector<16xi32>
    %add3A_232 = arith.constant 6 : i32
    %add3A_233 = vector.broadcast %add3A_232 : i32 to vector<16xi32>
    %add3A_234 = arith.addi %mul3A_231, %add3A_233 : vector<16xi32>
    tpu.vector_store_idx %arg10[%add3A_180, %add3A_234], %add3A_174 : memref<8x128xi32, #tpu.memory_space<vmem>>[vector<16xi32>, vector<16xi32>], vector<16xi32>,
    %mul3A_235 = arith.constant 8 : i32
    %mul3A_236 = vector.broadcast %mul3A_235 : i32 to vector<16xi32>
    %mul3A_237 = arith.muli %iota3A, %mul3A_236 : vector<16xi32>
    %add3A_238 = arith.constant 7 : i32
    %add3A_239 = vector.broadcast %add3A_238 : i32 to vector<16xi32>
    %add3A_240 = arith.addi %mul3A_237, %add3A_239 : vector<16xi32>
    tpu.vector_store_idx %arg10[%add3A_180, %add3A_240], %add3A_174 : memref<8x128xi32, #tpu.memory_space<vmem>>[vector<16xi32>, vector<16xi32>], vector<16xi32>,
    %shift_right_arithmetic3A_241 = arith.constant 7 : i32
    %shift_right_arithmetic3A_242 = vector.broadcast %shift_right_arithmetic3A_241 : i32 to vector<16xi32>
    %shift_right_arithmetic3A_243 = arith.shrsi %get3A_151, %shift_right_arithmetic3A_242 : vector<16xi32>
    %swap3A_244 = arith.constant 16 : index
    %swap3A_245 = tpu.vector_load %arg12[%swap3A_244] {strides = array<i32>} : memref<128xi32, #tpu.memory_space<vmem>>, vector<16xi32>,
    tpu.vector_store %arg12[%swap3A_244], %shift_right_arithmetic3A_243 {strides = array<i32>} : memref<128xi32, #tpu.memory_space<vmem>>, vector<16xi32>,
    %get3A_246 = arith.constant 32 : index
    %get3A_247 = tpu.vector_load %arg8[%get3A_246] {strides = array<i32>} : memref<128xi32, #tpu.memory_space<vmem>>, vector<16xi32>,
    %shift_right_arithmetic3A_248 = arith.constant 14 : i32
    %shift_right_arithmetic3A_249 = vector.broadcast %shift_right_arithmetic3A_248 : i32 to vector<16xi32>
    %shift_right_arithmetic3A_250 = arith.shrsi %get3A_247, %shift_right_arithmetic3A_249 : vector<16xi32>
    %and3A_251 = arith.constant 16383 : i32
    %and3A_252 = vector.broadcast %and3A_251 : i32 to vector<16xi32>
    %and3A_253 = arith.andi %get3A_247, %and3A_252 : vector<16xi32>
    %shift_left3A_254 = arith.constant 16 : i32
    %shift_left3A_255 = vector.broadcast %shift_left3A_254 : i32 to vector<16xi32>
    %shift_left3A_256 = arith.shli %shift_right_arithmetic3A_250, %shift_left3A_255 : vector<16xi32>
    %and3A_257 = arith.constant 8191 : i32
    %and3A_258 = vector.broadcast %and3A_257 : i32 to vector<16xi32>
    %and3A_259 = arith.andi %and3A_253, %and3A_258 : vector<16xi32>
    %shift_left3A_260 = arith.constant 3 : i32
    %shift_left3A_261 = vector.broadcast %shift_left3A_260 : i32 to vector<16xi32>
    %shift_left3A_262 = arith.shli %and3A_259, %shift_left3A_261 : vector<16xi32>
    %add3A_263 = arith.addi %shift_left3A_256, %shift_left3A_262 : vector<16xi32>
    %shift_right_arithmetic3A_264 = arith.constant 13 : i32
    %shift_right_arithmetic3A_265 = vector.broadcast %shift_right_arithmetic3A_264 : i32 to vector<16xi32>
    %shift_right_arithmetic3A_266 = arith.shrsi %and3A_253, %shift_right_arithmetic3A_265 : vector<16xi32>
    %shift_left3A_267 = arith.constant 2 : i32
    %shift_left3A_268 = vector.broadcast %shift_left3A_267 : i32 to vector<16xi32>
    %shift_left3A_269 = arith.shli %shift_right_arithmetic3A_266, %shift_left3A_268 : vector<16xi32>
    %add3A_270 = arith.addi %add3A_263, %shift_left3A_269 : vector<16xi32>
    %mul3A_271 = arith.constant 0 : i32
    %mul3A_272 = vector.broadcast %mul3A_271 : i32 to vector<16xi32>
    %mul3A_273 = arith.muli %iota3A, %mul3A_272 : vector<16xi32>
    %add3A_274 = arith.constant 2 : i32
    %add3A_275 = vector.broadcast %add3A_274 : i32 to vector<16xi32>
    %add3A_276 = arith.addi %mul3A_273, %add3A_275 : vector<16xi32>
    %mul3A_277 = arith.constant 8 : i32
    %mul3A_278 = vector.broadcast %mul3A_277 : i32 to vector<16xi32>
    %mul3A_279 = arith.muli %iota3A, %mul3A_278 : vector<16xi32>
    %add3A_280 = arith.constant 0 : i32
    %add3A_281 = vector.broadcast %add3A_280 : i32 to vector<16xi32>
    %add3A_282 = arith.addi %mul3A_279, %add3A_281 : vector<16xi32>
    %add3A_283 = arith.constant 0 : i32
    %add3A_284 = vector.broadcast %add3A_283 : i32 to vector<16xi32>
    %add3A_285 = arith.addi %add3A_270, %add3A_284 : vector<16xi32>
    tpu.vector_store_idx %arg10[%add3A_276, %add3A_282], %add3A_285 : memref<8x128xi32, #tpu.memory_space<vmem>>[vector<16xi32>, vector<16xi32>], vector<16xi32>,
    %mul3A_286 = arith.constant 8 : i32
    %mul3A_287 = vector.broadcast %mul3A_286 : i32 to vector<16xi32>
    %mul3A_288 = arith.muli %iota3A, %mul3A_287 : vector<16xi32>
    %add3A_289 = arith.constant 1 : i32
    %add3A_290 = vector.broadcast %add3A_289 : i32 to vector<16xi32>
    %add3A_291 = arith.addi %mul3A_288, %add3A_290 : vector<16xi32>
    %add3A_292 = arith.constant 1 : i32
    %add3A_293 = vector.broadcast %add3A_292 : i32 to vector<16xi32>
    %add3A_294 = arith.addi %add3A_270, %add3A_293 : vector<16xi32>
    tpu.vector_store_idx %arg10[%add3A_276, %add3A_291], %add3A_294 : memref<8x128xi32, #tpu.memory_space<vmem>>[vector<16xi32>, vector<16xi32>], vector<16xi32>,
    %mul3A_295 = arith.constant 8 : i32
    %mul3A_296 = vector.broadcast %mul3A_295 : i32 to vector<16xi32>
    %mul3A_297 = arith.muli %iota3A, %mul3A_296 : vector<16xi32>
    %add3A_298 = arith.constant 2 : i32
    %add3A_299 = vector.broadcast %add3A_298 : i32 to vector<16xi32>
    %add3A_300 = arith.addi %mul3A_297, %add3A_299 : vector<16xi32>
    %add3A_301 = arith.constant 2 : i32
    %add3A_302 = vector.broadcast %add3A_301 : i32 to vector<16xi32>
    %add3A_303 = arith.addi %add3A_270, %add3A_302 : vector<16xi32>
    tpu.vector_store_idx %arg10[%add3A_276, %add3A_300], %add3A_303 : memref<8x128xi32, #tpu.memory_space<vmem>>[vector<16xi32>, vector<16xi32>], vector<16xi32>,
    %mul3A_304 = arith.constant 8 : i32
    %mul3A_305 = vector.broadcast %mul3A_304 : i32 to vector<16xi32>
    %mul3A_306 = arith.muli %iota3A, %mul3A_305 : vector<16xi32>
    %add3A_307 = arith.constant 3 : i32
    %add3A_308 = vector.broadcast %add3A_307 : i32 to vector<16xi32>
    %add3A_309 = arith.addi %mul3A_306, %add3A_308 : vector<16xi32>
    %add3A_310 = arith.constant 3 : i32
    %add3A_311 = vector.broadcast %add3A_310 : i32 to vector<16xi32>
    %add3A_312 = arith.addi %add3A_270, %add3A_311 : vector<16xi32>
    tpu.vector_store_idx %arg10[%add3A_276, %add3A_309], %add3A_312 : memref<8x128xi32, #tpu.memory_space<vmem>>[vector<16xi32>, vector<16xi32>], vector<16xi32>,
    %mul3A_313 = arith.constant 8 : i32
    %mul3A_314 = vector.broadcast %mul3A_313 : i32 to vector<16xi32>
    %mul3A_315 = arith.muli %iota3A, %mul3A_314 : vector<16xi32>
    %add3A_316 = arith.constant 4 : i32
    %add3A_317 = vector.broadcast %add3A_316 : i32 to vector<16xi32>
    %add3A_318 = arith.addi %mul3A_315, %add3A_317 : vector<16xi32>
    tpu.vector_store_idx %arg10[%add3A_276, %add3A_318], %add3A_270 : memref<8x128xi32, #tpu.memory_space<vmem>>[vector<16xi32>, vector<16xi32>], vector<16xi32>,
    %mul3A_319 = arith.constant 8 : i32
    %mul3A_320 = vector.broadcast %mul3A_319 : i32 to vector<16xi32>
    %mul3A_321 = arith.muli %iota3A, %mul3A_320 : vector<16xi32>
    %add3A_322 = arith.constant 5 : i32
    %add3A_323 = vector.broadcast %add3A_322 : i32 to vector<16xi32>
    %add3A_324 = arith.addi %mul3A_321, %add3A_323 : vector<16xi32>
    tpu.vector_store_idx %arg10[%add3A_276, %add3A_324], %add3A_270 : memref<8x128xi32, #tpu.memory_space<vmem>>[vector<16xi32>, vector<16xi32>], vector<16xi32>,
    %mul3A_325 = arith.constant 8 : i32
    %mul3A_326 = vector.broadcast %mul3A_325 : i32 to vector<16xi32>
    %mul3A_327 = arith.muli %iota3A, %mul3A_326 : vector<16xi32>
    %add3A_328 = arith.constant 6 : i32
    %add3A_329 = vector.broadcast %add3A_328 : i32 to vector<16xi32>
    %add3A_330 = arith.addi %mul3A_327, %add3A_329 : vector<16xi32>
    tpu.vector_store_idx %arg10[%add3A_276, %add3A_330], %add3A_270 : memref<8x128xi32, #tpu.memory_space<vmem>>[vector<16xi32>, vector<16xi32>], vector<16xi32>,
    %mul3A_331 = arith.constant 8 : i32
    %mul3A_332 = vector.broadcast %mul3A_331 : i32 to vector<16xi32>
    %mul3A_333 = arith.muli %iota3A, %mul3A_332 : vector<16xi32>
    %add3A_334 = arith.constant 7 : i32
    %add3A_335 = vector.broadcast %add3A_334 : i32 to vector<16xi32>
    %add3A_336 = arith.addi %mul3A_333, %add3A_335 : vector<16xi32>
    tpu.vector_store_idx %arg10[%add3A_276, %add3A_336], %add3A_270 : memref<8x128xi32, #tpu.memory_space<vmem>>[vector<16xi32>, vector<16xi32>], vector<16xi32>,
    %shift_right_arithmetic3A_337 = arith.constant 7 : i32
    %shift_right_arithmetic3A_338 = vector.broadcast %shift_right_arithmetic3A_337 : i32 to vector<16xi32>
    %shift_right_arithmetic3A_339 = arith.shrsi %get3A_247, %shift_right_arithmetic3A_338 : vector<16xi32>
    %swap3A_340 = arith.constant 32 : index
    %swap3A_341 = tpu.vector_load %arg12[%swap3A_340] {strides = array<i32>} : memref<128xi32, #tpu.memory_space<vmem>>, vector<16xi32>,
    tpu.vector_store %arg12[%swap3A_340], %shift_right_arithmetic3A_339 {strides = array<i32>} : memref<128xi32, #tpu.memory_space<vmem>>, vector<16xi32>,
    %get3A_342 = arith.constant 48 : index
    %get3A_343 = tpu.vector_load %arg8[%get3A_342] {strides = array<i32>} : memref<128xi32, #tpu.memory_space<vmem>>, vector<16xi32>,
    %shift_right_arithmetic3A_344 = arith.constant 14 : i32
    %shift_right_arithmetic3A_345 = vector.broadcast %shift_right_arithmetic3A_344 : i32 to vector<16xi32>
    %shift_right_arithmetic3A_346 = arith.shrsi %get3A_343, %shift_right_arithmetic3A_345 : vector<16xi32>
    %and3A_347 = arith.constant 16383 : i32
    %and3A_348 = vector.broadcast %and3A_347 : i32 to vector<16xi32>
    %and3A_349 = arith.andi %get3A_343, %and3A_348 : vector<16xi32>
    %shift_left3A_350 = arith.constant 16 : i32
    %shift_left3A_351 = vector.broadcast %shift_left3A_350 : i32 to vector<16xi32>
    %shift_left3A_352 = arith.shli %shift_right_arithmetic3A_346, %shift_left3A_351 : vector<16xi32>
    %and3A_353 = arith.constant 8191 : i32
    %and3A_354 = vector.broadcast %and3A_353 : i32 to vector<16xi32>
    %and3A_355 = arith.andi %and3A_349, %and3A_354 : vector<16xi32>
    %shift_left3A_356 = arith.constant 3 : i32
    %shift_left3A_357 = vector.broadcast %shift_left3A_356 : i32 to vector<16xi32>
    %shift_left3A_358 = arith.shli %and3A_355, %shift_left3A_357 : vector<16xi32>
    %add3A_359 = arith.addi %shift_left3A_352, %shift_left3A_358 : vector<16xi32>
    %shift_right_arithmetic3A_360 = arith.constant 13 : i32
    %shift_right_arithmetic3A_361 = vector.broadcast %shift_right_arithmetic3A_360 : i32 to vector<16xi32>
    %shift_right_arithmetic3A_362 = arith.shrsi %and3A_349, %shift_right_arithmetic3A_361 : vector<16xi32>
    %shift_left3A_363 = arith.constant 2 : i32
    %shift_left3A_364 = vector.broadcast %shift_left3A_363 : i32 to vector<16xi32>
    %shift_left3A_365 = arith.shli %shift_right_arithmetic3A_362, %shift_left3A_364 : vector<16xi32>
    %add3A_366 = arith.addi %add3A_359, %shift_left3A_365 : vector<16xi32>
    %mul3A_367 = arith.constant 0 : i32
    %mul3A_368 = vector.broadcast %mul3A_367 : i32 to vector<16xi32>
    %mul3A_369 = arith.muli %iota3A, %mul3A_368 : vector<16xi32>
    %add3A_370 = arith.constant 3 : i32
    %add3A_371 = vector.broadcast %add3A_370 : i32 to vector<16xi32>
    %add3A_372 = arith.addi %mul3A_369, %add3A_371 : vector<16xi32>
    %mul3A_373 = arith.constant 8 : i32
    %mul3A_374 = vector.broadcast %mul3A_373 : i32 to vector<16xi32>
    %mul3A_375 = arith.muli %iota3A, %mul3A_374 : vector<16xi32>
    %add3A_376 = arith.constant 0 : i32
    %add3A_377 = vector.broadcast %add3A_376 : i32 to vector<16xi32>
    %add3A_378 = arith.addi %mul3A_375, %add3A_377 : vector<16xi32>
    %add3A_379 = arith.constant 0 : i32
    %add3A_380 = vector.broadcast %add3A_379 : i32 to vector<16xi32>
    %add3A_381 = arith.addi %add3A_366, %add3A_380 : vector<16xi32>
    tpu.vector_store_idx %arg10[%add3A_372, %add3A_378], %add3A_381 : memref<8x128xi32, #tpu.memory_space<vmem>>[vector<16xi32>, vector<16xi32>], vector<16xi32>,
    %mul3A_382 = arith.constant 8 : i32
    %mul3A_383 = vector.broadcast %mul3A_382 : i32 to vector<16xi32>
    %mul3A_384 = arith.muli %iota3A, %mul3A_383 : vector<16xi32>
    %add3A_385 = arith.constant 1 : i32
    %add3A_386 = vector.broadcast %add3A_385 : i32 to vector<16xi32>
    %add3A_387 = arith.addi %mul3A_384, %add3A_386 : vector<16xi32>
    %add3A_388 = arith.constant 1 : i32
    %add3A_389 = vector.broadcast %add3A_388 : i32 to vector<16xi32>
    %add3A_390 = arith.addi %add3A_366, %add3A_389 : vector<16xi32>
    tpu.vector_store_idx %arg10[%add3A_372, %add3A_387], %add3A_390 : memref<8x128xi32, #tpu.memory_space<vmem>>[vector<16xi32>, vector<16xi32>], vector<16xi32>,
    %mul3A_391 = arith.constant 8 : i32
    %mul3A_392 = vector.broadcast %mul3A_391 : i32 to vector<16xi32>
    %mul3A_393 = arith.muli %iota3A, %mul3A_392 : vector<16xi32>
    %add3A_394 = arith.constant 2 : i32
    %add3A_395 = vector.broadcast %add3A_394 : i32 to vector<16xi32>
    %add3A_396 = arith.addi %mul3A_393, %add3A_395 : vector<16xi32>
    %add3A_397 = arith.constant 2 : i32
    %add3A_398 = vector.broadcast %add3A_397 : i32 to vector<16xi32>
    %add3A_399 = arith.addi %add3A_366, %add3A_398 : vector<16xi32>
    tpu.vector_store_idx %arg10[%add3A_372, %add3A_396], %add3A_399 : memref<8x128xi32, #tpu.memory_space<vmem>>[vector<16xi32>, vector<16xi32>], vector<16xi32>,
    %mul3A_400 = arith.constant 8 : i32
    %mul3A_401 = vector.broadcast %mul3A_400 : i32 to vector<16xi32>
    %mul3A_402 = arith.muli %iota3A, %mul3A_401 : vector<16xi32>
    %add3A_403 = arith.constant 3 : i32
    %add3A_404 = vector.broadcast %add3A_403 : i32 to vector<16xi32>
    %add3A_405 = arith.addi %mul3A_402, %add3A_404 : vector<16xi32>
    %add3A_406 = arith.constant 3 : i32
    %add3A_407 = vector.broadcast %add3A_406 : i32 to vector<16xi32>
    %add3A_408 = arith.addi %add3A_366, %add3A_407 : vector<16xi32>
    tpu.vector_store_idx %arg10[%add3A_372, %add3A_405], %add3A_408 : memref<8x128xi32, #tpu.memory_space<vmem>>[vector<16xi32>, vector<16xi32>], vector<16xi32>,
    %mul3A_409 = arith.constant 8 : i32
    %mul3A_410 = vector.broadcast %mul3A_409 : i32 to vector<16xi32>
    %mul3A_411 = arith.muli %iota3A, %mul3A_410 : vector<16xi32>
    %add3A_412 = arith.constant 4 : i32
    %add3A_413 = vector.broadcast %add3A_412 : i32 to vector<16xi32>
    %add3A_414 = arith.addi %mul3A_411, %add3A_413 : vector<16xi32>
    tpu.vector_store_idx %arg10[%add3A_372, %add3A_414], %add3A_366 : memref<8x128xi32, #tpu.memory_space<vmem>>[vector<16xi32>, vector<16xi32>], vector<16xi32>,
    %mul3A_415 = arith.constant 8 : i32
    %mul3A_416 = vector.broadcast %mul3A_415 : i32 to vector<16xi32>
    %mul3A_417 = arith.muli %iota3A, %mul3A_416 : vector<16xi32>
    %add3A_418 = arith.constant 5 : i32
    %add3A_419 = vector.broadcast %add3A_418 : i32 to vector<16xi32>
    %add3A_420 = arith.addi %mul3A_417, %add3A_419 : vector<16xi32>
    tpu.vector_store_idx %arg10[%add3A_372, %add3A_420], %add3A_366 : memref<8x128xi32, #tpu.memory_space<vmem>>[vector<16xi32>, vector<16xi32>], vector<16xi32>,
    %mul3A_421 = arith.constant 8 : i32
    %mul3A_422 = vector.broadcast %mul3A_421 : i32 to vector<16xi32>
    %mul3A_423 = arith.muli %iota3A, %mul3A_422 : vector<16xi32>
    %add3A_424 = arith.constant 6 : i32
    %add3A_425 = vector.broadcast %add3A_424 : i32 to vector<16xi32>
    %add3A_426 = arith.addi %mul3A_423, %add3A_425 : vector<16xi32>
    tpu.vector_store_idx %arg10[%add3A_372, %add3A_426], %add3A_366 : memref<8x128xi32, #tpu.memory_space<vmem>>[vector<16xi32>, vector<16xi32>], vector<16xi32>,
    %mul3A_427 = arith.constant 8 : i32
    %mul3A_428 = vector.broadcast %mul3A_427 : i32 to vector<16xi32>
    %mul3A_429 = arith.muli %iota3A, %mul3A_428 : vector<16xi32>
    %add3A_430 = arith.constant 7 : i32
    %add3A_431 = vector.broadcast %add3A_430 : i32 to vector<16xi32>
    %add3A_432 = arith.addi %mul3A_429, %add3A_431 : vector<16xi32>
    tpu.vector_store_idx %arg10[%add3A_372, %add3A_432], %add3A_366 : memref<8x128xi32, #tpu.memory_space<vmem>>[vector<16xi32>, vector<16xi32>], vector<16xi32>,
    %shift_right_arithmetic3A_433 = arith.constant 7 : i32
    %shift_right_arithmetic3A_434 = vector.broadcast %shift_right_arithmetic3A_433 : i32 to vector<16xi32>
    %shift_right_arithmetic3A_435 = arith.shrsi %get3A_343, %shift_right_arithmetic3A_434 : vector<16xi32>
    %swap3A_436 = arith.constant 48 : index
    %swap3A_437 = tpu.vector_load %arg12[%swap3A_436] {strides = array<i32>} : memref<128xi32, #tpu.memory_space<vmem>>, vector<16xi32>,
    tpu.vector_store %arg12[%swap3A_436], %shift_right_arithmetic3A_435 {strides = array<i32>} : memref<128xi32, #tpu.memory_space<vmem>>, vector<16xi32>,
    %get3A_438 = arith.constant 64 : index
    %get3A_439 = tpu.vector_load %arg8[%get3A_438] {strides = array<i32>} : memref<128xi32, #tpu.memory_space<vmem>>, vector<16xi32>,
    %shift_right_arithmetic3A_440 = arith.constant 14 : i32
    %shift_right_arithmetic3A_441 = vector.broadcast %shift_right_arithmetic3A_440 : i32 to vector<16xi32>
    %shift_right_arithmetic3A_442 = arith.shrsi %get3A_439, %shift_right_arithmetic3A_441 : vector<16xi32>
    %and3A_443 = arith.constant 16383 : i32
    %and3A_444 = vector.broadcast %and3A_443 : i32 to vector<16xi32>
    %and3A_445 = arith.andi %get3A_439, %and3A_444 : vector<16xi32>
    %shift_left3A_446 = arith.constant 16 : i32
    %shift_left3A_447 = vector.broadcast %shift_left3A_446 : i32 to vector<16xi32>
    %shift_left3A_448 = arith.shli %shift_right_arithmetic3A_442, %shift_left3A_447 : vector<16xi32>
    %and3A_449 = arith.constant 8191 : i32
    %and3A_450 = vector.broadcast %and3A_449 : i32 to vector<16xi32>
    %and3A_451 = arith.andi %and3A_445, %and3A_450 : vector<16xi32>
    %shift_left3A_452 = arith.constant 3 : i32
    %shift_left3A_453 = vector.broadcast %shift_left3A_452 : i32 to vector<16xi32>
    %shift_left3A_454 = arith.shli %and3A_451, %shift_left3A_453 : vector<16xi32>
    %add3A_455 = arith.addi %shift_left3A_448, %shift_left3A_454 : vector<16xi32>
    %shift_right_arithmetic3A_456 = arith.constant 13 : i32
    %shift_right_arithmetic3A_457 = vector.broadcast %shift_right_arithmetic3A_456 : i32 to vector<16xi32>
    %shift_right_arithmetic3A_458 = arith.shrsi %and3A_445, %shift_right_arithmetic3A_457 : vector<16xi32>
    %shift_left3A_459 = arith.constant 2 : i32
    %shift_left3A_460 = vector.broadcast %shift_left3A_459 : i32 to vector<16xi32>
    %shift_left3A_461 = arith.shli %shift_right_arithmetic3A_458, %shift_left3A_460 : vector<16xi32>
    %add3A_462 = arith.addi %add3A_455, %shift_left3A_461 : vector<16xi32>
    %mul3A_463 = arith.constant 0 : i32
    %mul3A_464 = vector.broadcast %mul3A_463 : i32 to vector<16xi32>
    %mul3A_465 = arith.muli %iota3A, %mul3A_464 : vector<16xi32>
    %add3A_466 = arith.constant 4 : i32
    %add3A_467 = vector.broadcast %add3A_466 : i32 to vector<16xi32>
    %add3A_468 = arith.addi %mul3A_465, %add3A_467 : vector<16xi32>
    %mul3A_469 = arith.constant 8 : i32
    %mul3A_470 = vector.broadcast %mul3A_469 : i32 to vector<16xi32>
    %mul3A_471 = arith.muli %iota3A, %mul3A_470 : vector<16xi32>
    %add3A_472 = arith.constant 0 : i32
    %add3A_473 = vector.broadcast %add3A_472 : i32 to vector<16xi32>
    %add3A_474 = arith.addi %mul3A_471, %add3A_473 : vector<16xi32>
    %add3A_475 = arith.constant 0 : i32
    %add3A_476 = vector.broadcast %add3A_475 : i32 to vector<16xi32>
    %add3A_477 = arith.addi %add3A_462, %add3A_476 : vector<16xi32>
    tpu.vector_store_idx %arg10[%add3A_468, %add3A_474], %add3A_477 : memref<8x128xi32, #tpu.memory_space<vmem>>[vector<16xi32>, vector<16xi32>], vector<16xi32>,
    %mul3A_478 = arith.constant 8 : i32
    %mul3A_479 = vector.broadcast %mul3A_478 : i32 to vector<16xi32>
    %mul3A_480 = arith.muli %iota3A, %mul3A_479 : vector<16xi32>
    %add3A_481 = arith.constant 1 : i32
    %add3A_482 = vector.broadcast %add3A_481 : i32 to vector<16xi32>
    %add3A_483 = arith.addi %mul3A_480, %add3A_482 : vector<16xi32>
    %add3A_484 = arith.constant 1 : i32
    %add3A_485 = vector.broadcast %add3A_484 : i32 to vector<16xi32>
    %add3A_486 = arith.addi %add3A_462, %add3A_485 : vector<16xi32>
    tpu.vector_store_idx %arg10[%add3A_468, %add3A_483], %add3A_486 : memref<8x128xi32, #tpu.memory_space<vmem>>[vector<16xi32>, vector<16xi32>], vector<16xi32>,
    %mul3A_487 = arith.constant 8 : i32
    %mul3A_488 = vector.broadcast %mul3A_487 : i32 to vector<16xi32>
    %mul3A_489 = arith.muli %iota3A, %mul3A_488 : vector<16xi32>
    %add3A_490 = arith.constant 2 : i32
    %add3A_491 = vector.broadcast %add3A_490 : i32 to vector<16xi32>
    %add3A_492 = arith.addi %mul3A_489, %add3A_491 : vector<16xi32>
    %add3A_493 = arith.constant 2 : i32
    %add3A_494 = vector.broadcast %add3A_493 : i32 to vector<16xi32>
    %add3A_495 = arith.addi %add3A_462, %add3A_494 : vector<16xi32>
    tpu.vector_store_idx %arg10[%add3A_468, %add3A_492], %add3A_495 : memref<8x128xi32, #tpu.memory_space<vmem>>[vector<16xi32>, vector<16xi32>], vector<16xi32>,
    %mul3A_496 = arith.constant 8 : i32
    %mul3A_497 = vector.broadcast %mul3A_496 : i32 to vector<16xi32>
    %mul3A_498 = arith.muli %iota3A, %mul3A_497 : vector<16xi32>
    %add3A_499 = arith.constant 3 : i32
    %add3A_500 = vector.broadcast %add3A_499 : i32 to vector<16xi32>
    %add3A_501 = arith.addi %mul3A_498, %add3A_500 : vector<16xi32>
    %add3A_502 = arith.constant 3 : i32
    %add3A_503 = vector.broadcast %add3A_502 : i32 to vector<16xi32>
    %add3A_504 = arith.addi %add3A_462, %add3A_503 : vector<16xi32>
    tpu.vector_store_idx %arg10[%add3A_468, %add3A_501], %add3A_504 : memref<8x128xi32, #tpu.memory_space<vmem>>[vector<16xi32>, vector<16xi32>], vector<16xi32>,
    %mul3A_505 = arith.constant 8 : i32
    %mul3A_506 = vector.broadcast %mul3A_505 : i32 to vector<16xi32>
    %mul3A_507 = arith.muli %iota3A, %mul3A_506 : vector<16xi32>
    %add3A_508 = arith.constant 4 : i32
    %add3A_509 = vector.broadcast %add3A_508 : i32 to vector<16xi32>
    %add3A_510 = arith.addi %mul3A_507, %add3A_509 : vector<16xi32>
    tpu.vector_store_idx %arg10[%add3A_468, %add3A_510], %add3A_462 : memref<8x128xi32, #tpu.memory_space<vmem>>[vector<16xi32>, vector<16xi32>], vector<16xi32>,
    %mul3A_511 = arith.constant 8 : i32
    %mul3A_512 = vector.broadcast %mul3A_511 : i32 to vector<16xi32>
    %mul3A_513 = arith.muli %iota3A, %mul3A_512 : vector<16xi32>
    %add3A_514 = arith.constant 5 : i32
    %add3A_515 = vector.broadcast %add3A_514 : i32 to vector<16xi32>
    %add3A_516 = arith.addi %mul3A_513, %add3A_515 : vector<16xi32>
    tpu.vector_store_idx %arg10[%add3A_468, %add3A_516], %add3A_462 : memref<8x128xi32, #tpu.memory_space<vmem>>[vector<16xi32>, vector<16xi32>], vector<16xi32>,
    %mul3A_517 = arith.constant 8 : i32
    %mul3A_518 = vector.broadcast %mul3A_517 : i32 to vector<16xi32>
    %mul3A_519 = arith.muli %iota3A, %mul3A_518 : vector<16xi32>
    %add3A_520 = arith.constant 6 : i32
    %add3A_521 = vector.broadcast %add3A_520 : i32 to vector<16xi32>
    %add3A_522 = arith.addi %mul3A_519, %add3A_521 : vector<16xi32>
    tpu.vector_store_idx %arg10[%add3A_468, %add3A_522], %add3A_462 : memref<8x128xi32, #tpu.memory_space<vmem>>[vector<16xi32>, vector<16xi32>], vector<16xi32>,
    %mul3A_523 = arith.constant 8 : i32
    %mul3A_524 = vector.broadcast %mul3A_523 : i32 to vector<16xi32>
    %mul3A_525 = arith.muli %iota3A, %mul3A_524 : vector<16xi32>
    %add3A_526 = arith.constant 7 : i32
    %add3A_527 = vector.broadcast %add3A_526 : i32 to vector<16xi32>
    %add3A_528 = arith.addi %mul3A_525, %add3A_527 : vector<16xi32>
    tpu.vector_store_idx %arg10[%add3A_468, %add3A_528], %add3A_462 : memref<8x128xi32, #tpu.memory_space<vmem>>[vector<16xi32>, vector<16xi32>], vector<16xi32>,
    %shift_right_arithmetic3A_529 = arith.constant 7 : i32
    %shift_right_arithmetic3A_530 = vector.broadcast %shift_right_arithmetic3A_529 : i32 to vector<16xi32>
    %shift_right_arithmetic3A_531 = arith.shrsi %get3A_439, %shift_right_arithmetic3A_530 : vector<16xi32>
    %swap3A_532 = arith.constant 64 : index
    %swap3A_533 = tpu.vector_load %arg12[%swap3A_532] {strides = array<i32>} : memref<128xi32, #tpu.memory_space<vmem>>, vector<16xi32>,
    tpu.vector_store %arg12[%swap3A_532], %shift_right_arithmetic3A_531 {strides = array<i32>} : memref<128xi32, #tpu.memory_space<vmem>>, vector<16xi32>,
    %get3A_534 = arith.constant 80 : index
    %get3A_535 = tpu.vector_load %arg8[%get3A_534] {strides = array<i32>} : memref<128xi32, #tpu.memory_space<vmem>>, vector<16xi32>,
    %shift_right_arithmetic3A_536 = arith.constant 14 : i32
    %shift_right_arithmetic3A_537 = vector.broadcast %shift_right_arithmetic3A_536 : i32 to vector<16xi32>
    %shift_right_arithmetic3A_538 = arith.shrsi %get3A_535, %shift_right_arithmetic3A_537 : vector<16xi32>
    %and3A_539 = arith.constant 16383 : i32
    %and3A_540 = vector.broadcast %and3A_539 : i32 to vector<16xi32>
    %and3A_541 = arith.andi %get3A_535, %and3A_540 : vector<16xi32>
    %shift_left3A_542 = arith.constant 16 : i32
    %shift_left3A_543 = vector.broadcast %shift_left3A_542 : i32 to vector<16xi32>
    %shift_left3A_544 = arith.shli %shift_right_arithmetic3A_538, %shift_left3A_543 : vector<16xi32>
    %and3A_545 = arith.constant 8191 : i32
    %and3A_546 = vector.broadcast %and3A_545 : i32 to vector<16xi32>
    %and3A_547 = arith.andi %and3A_541, %and3A_546 : vector<16xi32>
    %shift_left3A_548 = arith.constant 3 : i32
    %shift_left3A_549 = vector.broadcast %shift_left3A_548 : i32 to vector<16xi32>
    %shift_left3A_550 = arith.shli %and3A_547, %shift_left3A_549 : vector<16xi32>
    %add3A_551 = arith.addi %shift_left3A_544, %shift_left3A_550 : vector<16xi32>
    %shift_right_arithmetic3A_552 = arith.constant 13 : i32
    %shift_right_arithmetic3A_553 = vector.broadcast %shift_right_arithmetic3A_552 : i32 to vector<16xi32>
    %shift_right_arithmetic3A_554 = arith.shrsi %and3A_541, %shift_right_arithmetic3A_553 : vector<16xi32>
    %shift_left3A_555 = arith.constant 2 : i32
    %shift_left3A_556 = vector.broadcast %shift_left3A_555 : i32 to vector<16xi32>
    %shift_left3A_557 = arith.shli %shift_right_arithmetic3A_554, %shift_left3A_556 : vector<16xi32>
    %add3A_558 = arith.addi %add3A_551, %shift_left3A_557 : vector<16xi32>
    %mul3A_559 = arith.constant 0 : i32
    %mul3A_560 = vector.broadcast %mul3A_559 : i32 to vector<16xi32>
    %mul3A_561 = arith.muli %iota3A, %mul3A_560 : vector<16xi32>
    %add3A_562 = arith.constant 5 : i32
    %add3A_563 = vector.broadcast %add3A_562 : i32 to vector<16xi32>
    %add3A_564 = arith.addi %mul3A_561, %add3A_563 : vector<16xi32>
    %mul3A_565 = arith.constant 8 : i32
    %mul3A_566 = vector.broadcast %mul3A_565 : i32 to vector<16xi32>
    %mul3A_567 = arith.muli %iota3A, %mul3A_566 : vector<16xi32>
    %add3A_568 = arith.constant 0 : i32
    %add3A_569 = vector.broadcast %add3A_568 : i32 to vector<16xi32>
    %add3A_570 = arith.addi %mul3A_567, %add3A_569 : vector<16xi32>
    %add3A_571 = arith.constant 0 : i32
    %add3A_572 = vector.broadcast %add3A_571 : i32 to vector<16xi32>
    %add3A_573 = arith.addi %add3A_558, %add3A_572 : vector<16xi32>
    tpu.vector_store_idx %arg10[%add3A_564, %add3A_570], %add3A_573 : memref<8x128xi32, #tpu.memory_space<vmem>>[vector<16xi32>, vector<16xi32>], vector<16xi32>,
    %mul3A_574 = arith.constant 8 : i32
    %mul3A_575 = vector.broadcast %mul3A_574 : i32 to vector<16xi32>
    %mul3A_576 = arith.muli %iota3A, %mul3A_575 : vector<16xi32>
    %add3A_577 = arith.constant 1 : i32
    %add3A_578 = vector.broadcast %add3A_577 : i32 to vector<16xi32>
    %add3A_579 = arith.addi %mul3A_576, %add3A_578 : vector<16xi32>
    %add3A_580 = arith.constant 1 : i32
    %add3A_581 = vector.broadcast %add3A_580 : i32 to vector<16xi32>
    %add3A_582 = arith.addi %add3A_558, %add3A_581 : vector<16xi32>
    tpu.vector_store_idx %arg10[%add3A_564, %add3A_579], %add3A_582 : memref<8x128xi32, #tpu.memory_space<vmem>>[vector<16xi32>, vector<16xi32>], vector<16xi32>,
    %mul3A_583 = arith.constant 8 : i32
    %mul3A_584 = vector.broadcast %mul3A_583 : i32 to vector<16xi32>
    %mul3A_585 = arith.muli %iota3A, %mul3A_584 : vector<16xi32>
    %add3A_586 = arith.constant 2 : i32
    %add3A_587 = vector.broadcast %add3A_586 : i32 to vector<16xi32>
    %add3A_588 = arith.addi %mul3A_585, %add3A_587 : vector<16xi32>
    %add3A_589 = arith.constant 2 : i32
    %add3A_590 = vector.broadcast %add3A_589 : i32 to vector<16xi32>
    %add3A_591 = arith.addi %add3A_558, %add3A_590 : vector<16xi32>
    tpu.vector_store_idx %arg10[%add3A_564, %add3A_588], %add3A_591 : memref<8x128xi32, #tpu.memory_space<vmem>>[vector<16xi32>, vector<16xi32>], vector<16xi32>,
    %mul3A_592 = arith.constant 8 : i32
    %mul3A_593 = vector.broadcast %mul3A_592 : i32 to vector<16xi32>
    %mul3A_594 = arith.muli %iota3A, %mul3A_593 : vector<16xi32>
    %add3A_595 = arith.constant 3 : i32
    %add3A_596 = vector.broadcast %add3A_595 : i32 to vector<16xi32>
    %add3A_597 = arith.addi %mul3A_594, %add3A_596 : vector<16xi32>
    %add3A_598 = arith.constant 3 : i32
    %add3A_599 = vector.broadcast %add3A_598 : i32 to vector<16xi32>
    %add3A_600 = arith.addi %add3A_558, %add3A_599 : vector<16xi32>
    tpu.vector_store_idx %arg10[%add3A_564, %add3A_597], %add3A_600 : memref<8x128xi32, #tpu.memory_space<vmem>>[vector<16xi32>, vector<16xi32>], vector<16xi32>,
    %mul3A_601 = arith.constant 8 : i32
    %mul3A_602 = vector.broadcast %mul3A_601 : i32 to vector<16xi32>
    %mul3A_603 = arith.muli %iota3A, %mul3A_602 : vector<16xi32>
    %add3A_604 = arith.constant 4 : i32
    %add3A_605 = vector.broadcast %add3A_604 : i32 to vector<16xi32>
    %add3A_606 = arith.addi %mul3A_603, %add3A_605 : vector<16xi32>
    tpu.vector_store_idx %arg10[%add3A_564, %add3A_606], %add3A_558 : memref<8x128xi32, #tpu.memory_space<vmem>>[vector<16xi32>, vector<16xi32>], vector<16xi32>,
    %mul3A_607 = arith.constant 8 : i32
    %mul3A_608 = vector.broadcast %mul3A_607 : i32 to vector<16xi32>
    %mul3A_609 = arith.muli %iota3A, %mul3A_608 : vector<16xi32>
    %add3A_610 = arith.constant 5 : i32
    %add3A_611 = vector.broadcast %add3A_610 : i32 to vector<16xi32>
    %add3A_612 = arith.addi %mul3A_609, %add3A_611 : vector<16xi32>
    tpu.vector_store_idx %arg10[%add3A_564, %add3A_612], %add3A_558 : memref<8x128xi32, #tpu.memory_space<vmem>>[vector<16xi32>, vector<16xi32>], vector<16xi32>,
    %mul3A_613 = arith.constant 8 : i32
    %mul3A_614 = vector.broadcast %mul3A_613 : i32 to vector<16xi32>
    %mul3A_615 = arith.muli %iota3A, %mul3A_614 : vector<16xi32>
    %add3A_616 = arith.constant 6 : i32
    %add3A_617 = vector.broadcast %add3A_616 : i32 to vector<16xi32>
    %add3A_618 = arith.addi %mul3A_615, %add3A_617 : vector<16xi32>
    tpu.vector_store_idx %arg10[%add3A_564, %add3A_618], %add3A_558 : memref<8x128xi32, #tpu.memory_space<vmem>>[vector<16xi32>, vector<16xi32>], vector<16xi32>,
    %mul3A_619 = arith.constant 8 : i32
    %mul3A_620 = vector.broadcast %mul3A_619 : i32 to vector<16xi32>
    %mul3A_621 = arith.muli %iota3A, %mul3A_620 : vector<16xi32>
    %add3A_622 = arith.constant 7 : i32
    %add3A_623 = vector.broadcast %add3A_622 : i32 to vector<16xi32>
    %add3A_624 = arith.addi %mul3A_621, %add3A_623 : vector<16xi32>
    tpu.vector_store_idx %arg10[%add3A_564, %add3A_624], %add3A_558 : memref<8x128xi32, #tpu.memory_space<vmem>>[vector<16xi32>, vector<16xi32>], vector<16xi32>,
    %shift_right_arithmetic3A_625 = arith.constant 7 : i32
    %shift_right_arithmetic3A_626 = vector.broadcast %shift_right_arithmetic3A_625 : i32 to vector<16xi32>
    %shift_right_arithmetic3A_627 = arith.shrsi %get3A_535, %shift_right_arithmetic3A_626 : vector<16xi32>
    %swap3A_628 = arith.constant 80 : index
    %swap3A_629 = tpu.vector_load %arg12[%swap3A_628] {strides = array<i32>} : memref<128xi32, #tpu.memory_space<vmem>>, vector<16xi32>,
    tpu.vector_store %arg12[%swap3A_628], %shift_right_arithmetic3A_627 {strides = array<i32>} : memref<128xi32, #tpu.memory_space<vmem>>, vector<16xi32>,
    %get3A_630 = arith.constant 96 : index
    %get3A_631 = tpu.vector_load %arg8[%get3A_630] {strides = array<i32>} : memref<128xi32, #tpu.memory_space<vmem>>, vector<16xi32>,
    %shift_right_arithmetic3A_632 = arith.constant 14 : i32
    %shift_right_arithmetic3A_633 = vector.broadcast %shift_right_arithmetic3A_632 : i32 to vector<16xi32>
    %shift_right_arithmetic3A_634 = arith.shrsi %get3A_631, %shift_right_arithmetic3A_633 : vector<16xi32>
    %and3A_635 = arith.constant 16383 : i32
    %and3A_636 = vector.broadcast %and3A_635 : i32 to vector<16xi32>
    %and3A_637 = arith.andi %get3A_631, %and3A_636 : vector<16xi32>
    %shift_left3A_638 = arith.constant 16 : i32
    %shift_left3A_639 = vector.broadcast %shift_left3A_638 : i32 to vector<16xi32>
    %shift_left3A_640 = arith.shli %shift_right_arithmetic3A_634, %shift_left3A_639 : vector<16xi32>
    %and3A_641 = arith.constant 8191 : i32
    %and3A_642 = vector.broadcast %and3A_641 : i32 to vector<16xi32>
    %and3A_643 = arith.andi %and3A_637, %and3A_642 : vector<16xi32>
    %shift_left3A_644 = arith.constant 3 : i32
    %shift_left3A_645 = vector.broadcast %shift_left3A_644 : i32 to vector<16xi32>
    %shift_left3A_646 = arith.shli %and3A_643, %shift_left3A_645 : vector<16xi32>
    %add3A_647 = arith.addi %shift_left3A_640, %shift_left3A_646 : vector<16xi32>
    %shift_right_arithmetic3A_648 = arith.constant 13 : i32
    %shift_right_arithmetic3A_649 = vector.broadcast %shift_right_arithmetic3A_648 : i32 to vector<16xi32>
    %shift_right_arithmetic3A_650 = arith.shrsi %and3A_637, %shift_right_arithmetic3A_649 : vector<16xi32>
    %shift_left3A_651 = arith.constant 2 : i32
    %shift_left3A_652 = vector.broadcast %shift_left3A_651 : i32 to vector<16xi32>
    %shift_left3A_653 = arith.shli %shift_right_arithmetic3A_650, %shift_left3A_652 : vector<16xi32>
    %add3A_654 = arith.addi %add3A_647, %shift_left3A_653 : vector<16xi32>
    %mul3A_655 = arith.constant 0 : i32
    %mul3A_656 = vector.broadcast %mul3A_655 : i32 to vector<16xi32>
    %mul3A_657 = arith.muli %iota3A, %mul3A_656 : vector<16xi32>
    %add3A_658 = arith.constant 6 : i32
    %add3A_659 = vector.broadcast %add3A_658 : i32 to vector<16xi32>
    %add3A_660 = arith.addi %mul3A_657, %add3A_659 : vector<16xi32>
    %mul3A_661 = arith.constant 8 : i32
    %mul3A_662 = vector.broadcast %mul3A_661 : i32 to vector<16xi32>
    %mul3A_663 = arith.muli %iota3A, %mul3A_662 : vector<16xi32>
    %add3A_664 = arith.constant 0 : i32
    %add3A_665 = vector.broadcast %add3A_664 : i32 to vector<16xi32>
    %add3A_666 = arith.addi %mul3A_663, %add3A_665 : vector<16xi32>
    %add3A_667 = arith.constant 0 : i32
    %add3A_668 = vector.broadcast %add3A_667 : i32 to vector<16xi32>
    %add3A_669 = arith.addi %add3A_654, %add3A_668 : vector<16xi32>
    tpu.vector_store_idx %arg10[%add3A_660, %add3A_666], %add3A_669 : memref<8x128xi32, #tpu.memory_space<vmem>>[vector<16xi32>, vector<16xi32>], vector<16xi32>,
    %mul3A_670 = arith.constant 8 : i32
    %mul3A_671 = vector.broadcast %mul3A_670 : i32 to vector<16xi32>
    %mul3A_672 = arith.muli %iota3A, %mul3A_671 : vector<16xi32>
    %add3A_673 = arith.constant 1 : i32
    %add3A_674 = vector.broadcast %add3A_673 : i32 to vector<16xi32>
    %add3A_675 = arith.addi %mul3A_672, %add3A_674 : vector<16xi32>
    %add3A_676 = arith.constant 1 : i32
    %add3A_677 = vector.broadcast %add3A_676 : i32 to vector<16xi32>
    %add3A_678 = arith.addi %add3A_654, %add3A_677 : vector<16xi32>
    tpu.vector_store_idx %arg10[%add3A_660, %add3A_675], %add3A_678 : memref<8x128xi32, #tpu.memory_space<vmem>>[vector<16xi32>, vector<16xi32>], vector<16xi32>,
    %mul3A_679 = arith.constant 8 : i32
    %mul3A_680 = vector.broadcast %mul3A_679 : i32 to vector<16xi32>
    %mul3A_681 = arith.muli %iota3A, %mul3A_680 : vector<16xi32>
    %add3A_682 = arith.constant 2 : i32
    %add3A_683 = vector.broadcast %add3A_682 : i32 to vector<16xi32>
    %add3A_684 = arith.addi %mul3A_681, %add3A_683 : vector<16xi32>
    %add3A_685 = arith.constant 2 : i32
    %add3A_686 = vector.broadcast %add3A_685 : i32 to vector<16xi32>
    %add3A_687 = arith.addi %add3A_654, %add3A_686 : vector<16xi32>
    tpu.vector_store_idx %arg10[%add3A_660, %add3A_684], %add3A_687 : memref<8x128xi32, #tpu.memory_space<vmem>>[vector<16xi32>, vector<16xi32>], vector<16xi32>,
    %mul3A_688 = arith.constant 8 : i32
    %mul3A_689 = vector.broadcast %mul3A_688 : i32 to vector<16xi32>
    %mul3A_690 = arith.muli %iota3A, %mul3A_689 : vector<16xi32>
    %add3A_691 = arith.constant 3 : i32
    %add3A_692 = vector.broadcast %add3A_691 : i32 to vector<16xi32>
    %add3A_693 = arith.addi %mul3A_690, %add3A_692 : vector<16xi32>
    %add3A_694 = arith.constant 3 : i32
    %add3A_695 = vector.broadcast %add3A_694 : i32 to vector<16xi32>
    %add3A_696 = arith.addi %add3A_654, %add3A_695 : vector<16xi32>
    tpu.vector_store_idx %arg10[%add3A_660, %add3A_693], %add3A_696 : memref<8x128xi32, #tpu.memory_space<vmem>>[vector<16xi32>, vector<16xi32>], vector<16xi32>,
    %mul3A_697 = arith.constant 8 : i32
    %mul3A_698 = vector.broadcast %mul3A_697 : i32 to vector<16xi32>
    %mul3A_699 = arith.muli %iota3A, %mul3A_698 : vector<16xi32>
    %add3A_700 = arith.constant 4 : i32
    %add3A_701 = vector.broadcast %add3A_700 : i32 to vector<16xi32>
    %add3A_702 = arith.addi %mul3A_699, %add3A_701 : vector<16xi32>
    tpu.vector_store_idx %arg10[%add3A_660, %add3A_702], %add3A_654 : memref<8x128xi32, #tpu.memory_space<vmem>>[vector<16xi32>, vector<16xi32>], vector<16xi32>,
    %mul3A_703 = arith.constant 8 : i32
    %mul3A_704 = vector.broadcast %mul3A_703 : i32 to vector<16xi32>
    %mul3A_705 = arith.muli %iota3A, %mul3A_704 : vector<16xi32>
    %add3A_706 = arith.constant 5 : i32
    %add3A_707 = vector.broadcast %add3A_706 : i32 to vector<16xi32>
    %add3A_708 = arith.addi %mul3A_705, %add3A_707 : vector<16xi32>
    tpu.vector_store_idx %arg10[%add3A_660, %add3A_708], %add3A_654 : memref<8x128xi32, #tpu.memory_space<vmem>>[vector<16xi32>, vector<16xi32>], vector<16xi32>,
    %mul3A_709 = arith.constant 8 : i32
    %mul3A_710 = vector.broadcast %mul3A_709 : i32 to vector<16xi32>
    %mul3A_711 = arith.muli %iota3A, %mul3A_710 : vector<16xi32>
    %add3A_712 = arith.constant 6 : i32
    %add3A_713 = vector.broadcast %add3A_712 : i32 to vector<16xi32>
    %add3A_714 = arith.addi %mul3A_711, %add3A_713 : vector<16xi32>
    tpu.vector_store_idx %arg10[%add3A_660, %add3A_714], %add3A_654 : memref<8x128xi32, #tpu.memory_space<vmem>>[vector<16xi32>, vector<16xi32>], vector<16xi32>,
    %mul3A_715 = arith.constant 8 : i32
    %mul3A_716 = vector.broadcast %mul3A_715 : i32 to vector<16xi32>
    %mul3A_717 = arith.muli %iota3A, %mul3A_716 : vector<16xi32>
    %add3A_718 = arith.constant 7 : i32
    %add3A_719 = vector.broadcast %add3A_718 : i32 to vector<16xi32>
    %add3A_720 = arith.addi %mul3A_717, %add3A_719 : vector<16xi32>
    tpu.vector_store_idx %arg10[%add3A_660, %add3A_720], %add3A_654 : memref<8x128xi32, #tpu.memory_space<vmem>>[vector<16xi32>, vector<16xi32>], vector<16xi32>,
    %shift_right_arithmetic3A_721 = arith.constant 7 : i32
    %shift_right_arithmetic3A_722 = vector.broadcast %shift_right_arithmetic3A_721 : i32 to vector<16xi32>
    %shift_right_arithmetic3A_723 = arith.shrsi %get3A_631, %shift_right_arithmetic3A_722 : vector<16xi32>
    %swap3A_724 = arith.constant 96 : index
    %swap3A_725 = tpu.vector_load %arg12[%swap3A_724] {strides = array<i32>} : memref<128xi32, #tpu.memory_space<vmem>>, vector<16xi32>,
    tpu.vector_store %arg12[%swap3A_724], %shift_right_arithmetic3A_723 {strides = array<i32>} : memref<128xi32, #tpu.memory_space<vmem>>, vector<16xi32>,
    %get3A_726 = arith.constant 112 : index
    %get3A_727 = tpu.vector_load %arg8[%get3A_726] {strides = array<i32>} : memref<128xi32, #tpu.memory_space<vmem>>, vector<16xi32>,
    %shift_right_arithmetic3A_728 = arith.constant 14 : i32
    %shift_right_arithmetic3A_729 = vector.broadcast %shift_right_arithmetic3A_728 : i32 to vector<16xi32>
    %shift_right_arithmetic3A_730 = arith.shrsi %get3A_727, %shift_right_arithmetic3A_729 : vector<16xi32>
    %and3A_731 = arith.constant 16383 : i32
    %and3A_732 = vector.broadcast %and3A_731 : i32 to vector<16xi32>
    %and3A_733 = arith.andi %get3A_727, %and3A_732 : vector<16xi32>
    %shift_left3A_734 = arith.constant 16 : i32
    %shift_left3A_735 = vector.broadcast %shift_left3A_734 : i32 to vector<16xi32>
    %shift_left3A_736 = arith.shli %shift_right_arithmetic3A_730, %shift_left3A_735 : vector<16xi32>
    %and3A_737 = arith.constant 8191 : i32
    %and3A_738 = vector.broadcast %and3A_737 : i32 to vector<16xi32>
    %and3A_739 = arith.andi %and3A_733, %and3A_738 : vector<16xi32>
    %shift_left3A_740 = arith.constant 3 : i32
    %shift_left3A_741 = vector.broadcast %shift_left3A_740 : i32 to vector<16xi32>
    %shift_left3A_742 = arith.shli %and3A_739, %shift_left3A_741 : vector<16xi32>
    %add3A_743 = arith.addi %shift_left3A_736, %shift_left3A_742 : vector<16xi32>
    %shift_right_arithmetic3A_744 = arith.constant 13 : i32
    %shift_right_arithmetic3A_745 = vector.broadcast %shift_right_arithmetic3A_744 : i32 to vector<16xi32>
    %shift_right_arithmetic3A_746 = arith.shrsi %and3A_733, %shift_right_arithmetic3A_745 : vector<16xi32>
    %shift_left3A_747 = arith.constant 2 : i32
    %shift_left3A_748 = vector.broadcast %shift_left3A_747 : i32 to vector<16xi32>
    %shift_left3A_749 = arith.shli %shift_right_arithmetic3A_746, %shift_left3A_748 : vector<16xi32>
    %add3A_750 = arith.addi %add3A_743, %shift_left3A_749 : vector<16xi32>
    %mul3A_751 = arith.constant 0 : i32
    %mul3A_752 = vector.broadcast %mul3A_751 : i32 to vector<16xi32>
    %mul3A_753 = arith.muli %iota3A, %mul3A_752 : vector<16xi32>
    %add3A_754 = arith.constant 7 : i32
    %add3A_755 = vector.broadcast %add3A_754 : i32 to vector<16xi32>
    %add3A_756 = arith.addi %mul3A_753, %add3A_755 : vector<16xi32>
    %mul3A_757 = arith.constant 8 : i32
    %mul3A_758 = vector.broadcast %mul3A_757 : i32 to vector<16xi32>
    %mul3A_759 = arith.muli %iota3A, %mul3A_758 : vector<16xi32>
    %add3A_760 = arith.constant 0 : i32
    %add3A_761 = vector.broadcast %add3A_760 : i32 to vector<16xi32>
    %add3A_762 = arith.addi %mul3A_759, %add3A_761 : vector<16xi32>
    %add3A_763 = arith.constant 0 : i32
    %add3A_764 = vector.broadcast %add3A_763 : i32 to vector<16xi32>
    %add3A_765 = arith.addi %add3A_750, %add3A_764 : vector<16xi32>
    tpu.vector_store_idx %arg10[%add3A_756, %add3A_762], %add3A_765 : memref<8x128xi32, #tpu.memory_space<vmem>>[vector<16xi32>, vector<16xi32>], vector<16xi32>,
    %mul3A_766 = arith.constant 8 : i32
    %mul3A_767 = vector.broadcast %mul3A_766 : i32 to vector<16xi32>
    %mul3A_768 = arith.muli %iota3A, %mul3A_767 : vector<16xi32>
    %add3A_769 = arith.constant 1 : i32
    %add3A_770 = vector.broadcast %add3A_769 : i32 to vector<16xi32>
    %add3A_771 = arith.addi %mul3A_768, %add3A_770 : vector<16xi32>
    %add3A_772 = arith.constant 1 : i32
    %add3A_773 = vector.broadcast %add3A_772 : i32 to vector<16xi32>
    %add3A_774 = arith.addi %add3A_750, %add3A_773 : vector<16xi32>
    tpu.vector_store_idx %arg10[%add3A_756, %add3A_771], %add3A_774 : memref<8x128xi32, #tpu.memory_space<vmem>>[vector<16xi32>, vector<16xi32>], vector<16xi32>,
    %mul3A_775 = arith.constant 8 : i32
    %mul3A_776 = vector.broadcast %mul3A_775 : i32 to vector<16xi32>
    %mul3A_777 = arith.muli %iota3A, %mul3A_776 : vector<16xi32>
    %add3A_778 = arith.constant 2 : i32
    %add3A_779 = vector.broadcast %add3A_778 : i32 to vector<16xi32>
    %add3A_780 = arith.addi %mul3A_777, %add3A_779 : vector<16xi32>
    %add3A_781 = arith.constant 2 : i32
    %add3A_782 = vector.broadcast %add3A_781 : i32 to vector<16xi32>
    %add3A_783 = arith.addi %add3A_750, %add3A_782 : vector<16xi32>
    tpu.vector_store_idx %arg10[%add3A_756, %add3A_780], %add3A_783 : memref<8x128xi32, #tpu.memory_space<vmem>>[vector<16xi32>, vector<16xi32>], vector<16xi32>,
    %mul3A_784 = arith.constant 8 : i32
    %mul3A_785 = vector.broadcast %mul3A_784 : i32 to vector<16xi32>
    %mul3A_786 = arith.muli %iota3A, %mul3A_785 : vector<16xi32>
    %add3A_787 = arith.constant 3 : i32
    %add3A_788 = vector.broadcast %add3A_787 : i32 to vector<16xi32>
    %add3A_789 = arith.addi %mul3A_786, %add3A_788 : vector<16xi32>
    %add3A_790 = arith.constant 3 : i32
    %add3A_791 = vector.broadcast %add3A_790 : i32 to vector<16xi32>
    %add3A_792 = arith.addi %add3A_750, %add3A_791 : vector<16xi32>
    tpu.vector_store_idx %arg10[%add3A_756, %add3A_789], %add3A_792 : memref<8x128xi32, #tpu.memory_space<vmem>>[vector<16xi32>, vector<16xi32>], vector<16xi32>,
    %mul3A_793 = arith.constant 8 : i32
    %mul3A_794 = vector.broadcast %mul3A_793 : i32 to vector<16xi32>
    %mul3A_795 = arith.muli %iota3A, %mul3A_794 : vector<16xi32>
    %add3A_796 = arith.constant 4 : i32
    %add3A_797 = vector.broadcast %add3A_796 : i32 to vector<16xi32>
    %add3A_798 = arith.addi %mul3A_795, %add3A_797 : vector<16xi32>
    tpu.vector_store_idx %arg10[%add3A_756, %add3A_798], %add3A_750 : memref<8x128xi32, #tpu.memory_space<vmem>>[vector<16xi32>, vector<16xi32>], vector<16xi32>,
    %mul3A_799 = arith.constant 8 : i32
    %mul3A_800 = vector.broadcast %mul3A_799 : i32 to vector<16xi32>
    %mul3A_801 = arith.muli %iota3A, %mul3A_800 : vector<16xi32>
    %add3A_802 = arith.constant 5 : i32
    %add3A_803 = vector.broadcast %add3A_802 : i32 to vector<16xi32>
    %add3A_804 = arith.addi %mul3A_801, %add3A_803 : vector<16xi32>
    tpu.vector_store_idx %arg10[%add3A_756, %add3A_804], %add3A_750 : memref<8x128xi32, #tpu.memory_space<vmem>>[vector<16xi32>, vector<16xi32>], vector<16xi32>,
    %mul3A_805 = arith.constant 8 : i32
    %mul3A_806 = vector.broadcast %mul3A_805 : i32 to vector<16xi32>
    %mul3A_807 = arith.muli %iota3A, %mul3A_806 : vector<16xi32>
    %add3A_808 = arith.constant 6 : i32
    %add3A_809 = vector.broadcast %add3A_808 : i32 to vector<16xi32>
    %add3A_810 = arith.addi %mul3A_807, %add3A_809 : vector<16xi32>
    tpu.vector_store_idx %arg10[%add3A_756, %add3A_810], %add3A_750 : memref<8x128xi32, #tpu.memory_space<vmem>>[vector<16xi32>, vector<16xi32>], vector<16xi32>,
    %mul3A_811 = arith.constant 8 : i32
    %mul3A_812 = vector.broadcast %mul3A_811 : i32 to vector<16xi32>
    %mul3A_813 = arith.muli %iota3A, %mul3A_812 : vector<16xi32>
    %add3A_814 = arith.constant 7 : i32
    %add3A_815 = vector.broadcast %add3A_814 : i32 to vector<16xi32>
    %add3A_816 = arith.addi %mul3A_813, %add3A_815 : vector<16xi32>
    tpu.vector_store_idx %arg10[%add3A_756, %add3A_816], %add3A_750 : memref<8x128xi32, #tpu.memory_space<vmem>>[vector<16xi32>, vector<16xi32>], vector<16xi32>,
    %shift_right_arithmetic3A_817 = arith.constant 7 : i32
    %shift_right_arithmetic3A_818 = vector.broadcast %shift_right_arithmetic3A_817 : i32 to vector<16xi32>
    %shift_right_arithmetic3A_819 = arith.shrsi %get3A_727, %shift_right_arithmetic3A_818 : vector<16xi32>
    %swap3A_820 = arith.constant 112 : index
    %swap3A_821 = tpu.vector_load %arg12[%swap3A_820] {strides = array<i32>} : memref<128xi32, #tpu.memory_space<vmem>>, vector<16xi32>,
    tpu.vector_store %arg12[%swap3A_820], %shift_right_arithmetic3A_819 {strides = array<i32>} : memref<128xi32, #tpu.memory_space<vmem>>, vector<16xi32>,
    %dma_start3A = arith.constant 0 : i32
    %dma_start3A_822 = arith.constant 0 : i32
    %dma_start3A_823 = arith.constant 0 : i32
    %dma_start3A_824 = tpu.memref_slice %arg14[%dma_start3A_822, %dma_start3A_823] : memref<1024x16xf32, #tpu.memory_space<vmem>> -> memref<128x16xf32, #tpu.memory_space<vmem>>
    %dma_start3A_825 = arith.constant 0 : i32
    %dma_start3A_826 = tpu.memref_slice %arg10[%dma_start3A, %dma_start3A_825] : memref<8x128xi32, #tpu.memory_space<vmem>> -> memref<1x128xi32, #tpu.memory_space<vmem>>
    %dma_start3A_827 = tpu.memref_squeeze %dma_start3A_826 : memref<1x128xi32, #tpu.memory_space<vmem>> -> memref<128xi32, #tpu.memory_space<vmem>>
    %dma_start3A_828 = arith.constant 0 : i32
    %dma_start3A_829 = arith.constant 0 : i32
    %dma_start3A_830 = tpu.memref_slice %arg4[%dma_start3A_828, %dma_start3A_829] : memref<851968x16xf32, #tpu.memory_space<hbm>> -> memref<851968x16xf32, #tpu.memory_space<hbm>>
    tpu.enqueue_indirect_dma source(%dma_start3A_830 : memref<851968x16xf32, #tpu.memory_space<hbm>>) target(%dma_start3A_824 : memref<128x16xf32, #tpu.memory_space<vmem>>) offsets(%dma_start3A_827 : memref<128xi32, #tpu.memory_space<vmem>>) semaphore(%arg18 : memref<!tpu.dma_semaphore, #tpu.memory_space<semaphore_mem>>)
    %dma_start3A_831 = arith.constant 1 : i32
    %dma_start3A_832 = arith.constant 128 : i32
    %dma_start3A_833 = arith.constant 0 : i32
    %dma_start3A_834 = tpu.memref_slice %arg14[%dma_start3A_832, %dma_start3A_833] : memref<1024x16xf32, #tpu.memory_space<vmem>> -> memref<128x16xf32, #tpu.memory_space<vmem>>
    %dma_start3A_835 = arith.constant 0 : i32
    %dma_start3A_836 = tpu.memref_slice %arg10[%dma_start3A_831, %dma_start3A_835] : memref<8x128xi32, #tpu.memory_space<vmem>> -> memref<1x128xi32, #tpu.memory_space<vmem>>
    %dma_start3A_837 = tpu.memref_squeeze %dma_start3A_836 : memref<1x128xi32, #tpu.memory_space<vmem>> -> memref<128xi32, #tpu.memory_space<vmem>>
    %dma_start3A_838 = arith.constant 0 : i32
    %dma_start3A_839 = arith.constant 0 : i32
    %dma_start3A_840 = tpu.memref_slice %arg4[%dma_start3A_838, %dma_start3A_839] : memref<851968x16xf32, #tpu.memory_space<hbm>> -> memref<851968x16xf32, #tpu.memory_space<hbm>>
    tpu.enqueue_indirect_dma source(%dma_start3A_840 : memref<851968x16xf32, #tpu.memory_space<hbm>>) target(%dma_start3A_834 : memref<128x16xf32, #tpu.memory_space<vmem>>) offsets(%dma_start3A_837 : memref<128xi32, #tpu.memory_space<vmem>>) semaphore(%arg18 : memref<!tpu.dma_semaphore, #tpu.memory_space<semaphore_mem>>)
    %dma_start3A_841 = arith.constant 2 : i32
    %dma_start3A_842 = arith.constant 256 : i32
    %dma_start3A_843 = arith.constant 0 : i32
    %dma_start3A_844 = tpu.memref_slice %arg14[%dma_start3A_842, %dma_start3A_843] : memref<1024x16xf32, #tpu.memory_space<vmem>> -> memref<128x16xf32, #tpu.memory_space<vmem>>
    %dma_start3A_845 = arith.constant 0 : i32
    %dma_start3A_846 = tpu.memref_slice %arg10[%dma_start3A_841, %dma_start3A_845] : memref<8x128xi32, #tpu.memory_space<vmem>> -> memref<1x128xi32, #tpu.memory_space<vmem>>
    %dma_start3A_847 = tpu.memref_squeeze %dma_start3A_846 : memref<1x128xi32, #tpu.memory_space<vmem>> -> memref<128xi32, #tpu.memory_space<vmem>>
    %dma_start3A_848 = arith.constant 0 : i32
    %dma_start3A_849 = arith.constant 0 : i32
    %dma_start3A_850 = tpu.memref_slice %arg4[%dma_start3A_848, %dma_start3A_849] : memref<851968x16xf32, #tpu.memory_space<hbm>> -> memref<851968x16xf32, #tpu.memory_space<hbm>>
    tpu.enqueue_indirect_dma source(%dma_start3A_850 : memref<851968x16xf32, #tpu.memory_space<hbm>>) target(%dma_start3A_844 : memref<128x16xf32, #tpu.memory_space<vmem>>) offsets(%dma_start3A_847 : memref<128xi32, #tpu.memory_space<vmem>>) semaphore(%arg18 : memref<!tpu.dma_semaphore, #tpu.memory_space<semaphore_mem>>)
    %dma_start3A_851 = arith.constant 3 : i32
    %dma_start3A_852 = arith.constant 384 : i32
    %dma_start3A_853 = arith.constant 0 : i32
    %dma_start3A_854 = tpu.memref_slice %arg14[%dma_start3A_852, %dma_start3A_853] : memref<1024x16xf32, #tpu.memory_space<vmem>> -> memref<128x16xf32, #tpu.memory_space<vmem>>
    %dma_start3A_855 = arith.constant 0 : i32
    %dma_start3A_856 = tpu.memref_slice %arg10[%dma_start3A_851, %dma_start3A_855] : memref<8x128xi32, #tpu.memory_space<vmem>> -> memref<1x128xi32, #tpu.memory_space<vmem>>
    %dma_start3A_857 = tpu.memref_squeeze %dma_start3A_856 : memref<1x128xi32, #tpu.memory_space<vmem>> -> memref<128xi32, #tpu.memory_space<vmem>>
    %dma_start3A_858 = arith.constant 0 : i32
    %dma_start3A_859 = arith.constant 0 : i32
    %dma_start3A_860 = tpu.memref_slice %arg4[%dma_start3A_858, %dma_start3A_859] : memref<851968x16xf32, #tpu.memory_space<hbm>> -> memref<851968x16xf32, #tpu.memory_space<hbm>>
    tpu.enqueue_indirect_dma source(%dma_start3A_860 : memref<851968x16xf32, #tpu.memory_space<hbm>>) target(%dma_start3A_854 : memref<128x16xf32, #tpu.memory_space<vmem>>) offsets(%dma_start3A_857 : memref<128xi32, #tpu.memory_space<vmem>>) semaphore(%arg18 : memref<!tpu.dma_semaphore, #tpu.memory_space<semaphore_mem>>)
    %dma_start3A_861 = arith.constant 4 : i32
    %dma_start3A_862 = arith.constant 512 : i32
    %dma_start3A_863 = arith.constant 0 : i32
    %dma_start3A_864 = tpu.memref_slice %arg14[%dma_start3A_862, %dma_start3A_863] : memref<1024x16xf32, #tpu.memory_space<vmem>> -> memref<128x16xf32, #tpu.memory_space<vmem>>
    %dma_start3A_865 = arith.constant 0 : i32
    %dma_start3A_866 = tpu.memref_slice %arg10[%dma_start3A_861, %dma_start3A_865] : memref<8x128xi32, #tpu.memory_space<vmem>> -> memref<1x128xi32, #tpu.memory_space<vmem>>
    %dma_start3A_867 = tpu.memref_squeeze %dma_start3A_866 : memref<1x128xi32, #tpu.memory_space<vmem>> -> memref<128xi32, #tpu.memory_space<vmem>>
    %dma_start3A_868 = arith.constant 0 : i32
    %dma_start3A_869 = arith.constant 0 : i32
    %dma_start3A_870 = tpu.memref_slice %arg4[%dma_start3A_868, %dma_start3A_869] : memref<851968x16xf32, #tpu.memory_space<hbm>> -> memref<851968x16xf32, #tpu.memory_space<hbm>>
    tpu.enqueue_indirect_dma source(%dma_start3A_870 : memref<851968x16xf32, #tpu.memory_space<hbm>>) target(%dma_start3A_864 : memref<128x16xf32, #tpu.memory_space<vmem>>) offsets(%dma_start3A_867 : memref<128xi32, #tpu.memory_space<vmem>>) semaphore(%arg18 : memref<!tpu.dma_semaphore, #tpu.memory_space<semaphore_mem>>)
    %dma_start3A_871 = arith.constant 5 : i32
    %dma_start3A_872 = arith.constant 640 : i32
    %dma_start3A_873 = arith.constant 0 : i32
    %dma_start3A_874 = tpu.memref_slice %arg14[%dma_start3A_872, %dma_start3A_873] : memref<1024x16xf32, #tpu.memory_space<vmem>> -> memref<128x16xf32, #tpu.memory_space<vmem>>
    %dma_start3A_875 = arith.constant 0 : i32
    %dma_start3A_876 = tpu.memref_slice %arg10[%dma_start3A_871, %dma_start3A_875] : memref<8x128xi32, #tpu.memory_space<vmem>> -> memref<1x128xi32, #tpu.memory_space<vmem>>
    %dma_start3A_877 = tpu.memref_squeeze %dma_start3A_876 : memref<1x128xi32, #tpu.memory_space<vmem>> -> memref<128xi32, #tpu.memory_space<vmem>>
    %dma_start3A_878 = arith.constant 0 : i32
    %dma_start3A_879 = arith.constant 0 : i32
    %dma_start3A_880 = tpu.memref_slice %arg4[%dma_start3A_878, %dma_start3A_879] : memref<851968x16xf32, #tpu.memory_space<hbm>> -> memref<851968x16xf32, #tpu.memory_space<hbm>>
    tpu.enqueue_indirect_dma source(%dma_start3A_880 : memref<851968x16xf32, #tpu.memory_space<hbm>>) target(%dma_start3A_874 : memref<128x16xf32, #tpu.memory_space<vmem>>) offsets(%dma_start3A_877 : memref<128xi32, #tpu.memory_space<vmem>>) semaphore(%arg18 : memref<!tpu.dma_semaphore, #tpu.memory_space<semaphore_mem>>)
    %dma_start3A_881 = arith.constant 6 : i32
    %dma_start3A_882 = arith.constant 768 : i32
    %dma_start3A_883 = arith.constant 0 : i32
    %dma_start3A_884 = tpu.memref_slice %arg14[%dma_start3A_882, %dma_start3A_883] : memref<1024x16xf32, #tpu.memory_space<vmem>> -> memref<128x16xf32, #tpu.memory_space<vmem>>
    %dma_start3A_885 = arith.constant 0 : i32
    %dma_start3A_886 = tpu.memref_slice %arg10[%dma_start3A_881, %dma_start3A_885] : memref<8x128xi32, #tpu.memory_space<vmem>> -> memref<1x128xi32, #tpu.memory_space<vmem>>
    %dma_start3A_887 = tpu.memref_squeeze %dma_start3A_886 : memref<1x128xi32, #tpu.memory_space<vmem>> -> memref<128xi32, #tpu.memory_space<vmem>>
    %dma_start3A_888 = arith.constant 0 : i32
    %dma_start3A_889 = arith.constant 0 : i32
    %dma_start3A_890 = tpu.memref_slice %arg4[%dma_start3A_888, %dma_start3A_889] : memref<851968x16xf32, #tpu.memory_space<hbm>> -> memref<851968x16xf32, #tpu.memory_space<hbm>>
    tpu.enqueue_indirect_dma source(%dma_start3A_890 : memref<851968x16xf32, #tpu.memory_space<hbm>>) target(%dma_start3A_884 : memref<128x16xf32, #tpu.memory_space<vmem>>) offsets(%dma_start3A_887 : memref<128xi32, #tpu.memory_space<vmem>>) semaphore(%arg18 : memref<!tpu.dma_semaphore, #tpu.memory_space<semaphore_mem>>)
    %dma_start3A_891 = arith.constant 7 : i32
    %dma_start3A_892 = arith.constant 896 : i32
    %dma_start3A_893 = arith.constant 0 : i32
    %dma_start3A_894 = tpu.memref_slice %arg14[%dma_start3A_892, %dma_start3A_893] : memref<1024x16xf32, #tpu.memory_space<vmem>> -> memref<128x16xf32, #tpu.memory_space<vmem>>
    %dma_start3A_895 = arith.constant 0 : i32
    %dma_start3A_896 = tpu.memref_slice %arg10[%dma_start3A_891, %dma_start3A_895] : memref<8x128xi32, #tpu.memory_space<vmem>> -> memref<1x128xi32, #tpu.memory_space<vmem>>
    %dma_start3A_897 = tpu.memref_squeeze %dma_start3A_896 : memref<1x128xi32, #tpu.memory_space<vmem>> -> memref<128xi32, #tpu.memory_space<vmem>>
    %dma_start3A_898 = arith.constant 0 : i32
    %dma_start3A_899 = arith.constant 0 : i32
    %dma_start3A_900 = tpu.memref_slice %arg4[%dma_start3A_898, %dma_start3A_899] : memref<851968x16xf32, #tpu.memory_space<hbm>> -> memref<851968x16xf32, #tpu.memory_space<hbm>>
    tpu.enqueue_indirect_dma source(%dma_start3A_900 : memref<851968x16xf32, #tpu.memory_space<hbm>>) target(%dma_start3A_894 : memref<128x16xf32, #tpu.memory_space<vmem>>) offsets(%dma_start3A_897 : memref<128xi32, #tpu.memory_space<vmem>>) semaphore(%arg18 : memref<!tpu.dma_semaphore, #tpu.memory_space<semaphore_mem>>)
    %dma_start3A_901 = arith.constant 0 : i32
    %dma_start3A_902 = arith.constant 0 : i32
    %dma_start3A_903 = tpu.memref_slice %arg5[%dma_start3A_901, %dma_start3A_902] : memref<1563x128xf32, #tpu.memory_space<hbm>> -> memref<1563x128xf32, #tpu.memory_space<hbm>>
    tpu.enqueue_indirect_dma source(%dma_start3A_903 : memref<1563x128xf32, #tpu.memory_space<hbm>>) target(%arg16 : memref<128x128xf32, #tpu.memory_space<vmem>>) offsets(%arg12 : memref<128xi32, #tpu.memory_space<vmem>>) semaphore(%arg18 : memref<!tpu.dma_semaphore, #tpu.memory_space<semaphore_mem>>)
    %dma_wait3A = arith.constant 0 : i32
    %dma_wait3A_904 = arith.constant 0 : i32
    %dma_wait3A_905 = arith.constant 0 : i32
    %dma_wait3A_906 = tpu.memref_slice %arg14[%dma_wait3A_904, %dma_wait3A_905] : memref<1024x16xf32, #tpu.memory_space<vmem>> -> memref<128x16xf32, #tpu.memory_space<vmem>>
    %dma_wait3A_907 = arith.constant 0 : i32
    %dma_wait3A_908 = tpu.memref_slice %arg10[%dma_wait3A, %dma_wait3A_907] : memref<8x128xi32, #tpu.memory_space<vmem>> -> memref<1x128xi32, #tpu.memory_space<vmem>>
    %dma_wait3A_909 = tpu.memref_squeeze %dma_wait3A_908 : memref<1x128xi32, #tpu.memory_space<vmem>> -> memref<128xi32, #tpu.memory_space<vmem>>
    %dma_wait3A_910 = arith.constant 0 : i32
    %dma_wait3A_911 = arith.constant 0 : i32
    %dma_wait3A_912 = tpu.memref_slice %arg4[%dma_wait3A_910, %dma_wait3A_911] : memref<851968x16xf32, #tpu.memory_space<hbm>> -> memref<851968x16xf32, #tpu.memory_space<hbm>>
    tpu.wait_indirect_dma semaphore(%arg18 : memref<!tpu.dma_semaphore, #tpu.memory_space<semaphore_mem>>) src(%dma_wait3A_912 : memref<851968x16xf32, #tpu.memory_space<hbm>>) dst(%dma_wait3A_906 : memref<128x16xf32, #tpu.memory_space<vmem>>)
    %dma_wait3A_913 = arith.constant 1 : i32
    %dma_wait3A_914 = arith.constant 128 : i32
    %dma_wait3A_915 = arith.constant 0 : i32
    %dma_wait3A_916 = tpu.memref_slice %arg14[%dma_wait3A_914, %dma_wait3A_915] : memref<1024x16xf32, #tpu.memory_space<vmem>> -> memref<128x16xf32, #tpu.memory_space<vmem>>
    %dma_wait3A_917 = arith.constant 0 : i32
    %dma_wait3A_918 = tpu.memref_slice %arg10[%dma_wait3A_913, %dma_wait3A_917] : memref<8x128xi32, #tpu.memory_space<vmem>> -> memref<1x128xi32, #tpu.memory_space<vmem>>
    %dma_wait3A_919 = tpu.memref_squeeze %dma_wait3A_918 : memref<1x128xi32, #tpu.memory_space<vmem>> -> memref<128xi32, #tpu.memory_space<vmem>>
    %dma_wait3A_920 = arith.constant 0 : i32
    %dma_wait3A_921 = arith.constant 0 : i32
    %dma_wait3A_922 = tpu.memref_slice %arg4[%dma_wait3A_920, %dma_wait3A_921] : memref<851968x16xf32, #tpu.memory_space<hbm>> -> memref<851968x16xf32, #tpu.memory_space<hbm>>
    tpu.wait_indirect_dma semaphore(%arg18 : memref<!tpu.dma_semaphore, #tpu.memory_space<semaphore_mem>>) src(%dma_wait3A_922 : memref<851968x16xf32, #tpu.memory_space<hbm>>) dst(%dma_wait3A_916 : memref<128x16xf32, #tpu.memory_space<vmem>>)
    %dma_wait3A_923 = arith.constant 2 : i32
    %dma_wait3A_924 = arith.constant 256 : i32
    %dma_wait3A_925 = arith.constant 0 : i32
    %dma_wait3A_926 = tpu.memref_slice %arg14[%dma_wait3A_924, %dma_wait3A_925] : memref<1024x16xf32, #tpu.memory_space<vmem>> -> memref<128x16xf32, #tpu.memory_space<vmem>>
    %dma_wait3A_927 = arith.constant 0 : i32
    %dma_wait3A_928 = tpu.memref_slice %arg10[%dma_wait3A_923, %dma_wait3A_927] : memref<8x128xi32, #tpu.memory_space<vmem>> -> memref<1x128xi32, #tpu.memory_space<vmem>>
    %dma_wait3A_929 = tpu.memref_squeeze %dma_wait3A_928 : memref<1x128xi32, #tpu.memory_space<vmem>> -> memref<128xi32, #tpu.memory_space<vmem>>
    %dma_wait3A_930 = arith.constant 0 : i32
    %dma_wait3A_931 = arith.constant 0 : i32
    %dma_wait3A_932 = tpu.memref_slice %arg4[%dma_wait3A_930, %dma_wait3A_931] : memref<851968x16xf32, #tpu.memory_space<hbm>> -> memref<851968x16xf32, #tpu.memory_space<hbm>>
    tpu.wait_indirect_dma semaphore(%arg18 : memref<!tpu.dma_semaphore, #tpu.memory_space<semaphore_mem>>) src(%dma_wait3A_932 : memref<851968x16xf32, #tpu.memory_space<hbm>>) dst(%dma_wait3A_926 : memref<128x16xf32, #tpu.memory_space<vmem>>)
    %dma_wait3A_933 = arith.constant 3 : i32
    %dma_wait3A_934 = arith.constant 384 : i32
    %dma_wait3A_935 = arith.constant 0 : i32
    %dma_wait3A_936 = tpu.memref_slice %arg14[%dma_wait3A_934, %dma_wait3A_935] : memref<1024x16xf32, #tpu.memory_space<vmem>> -> memref<128x16xf32, #tpu.memory_space<vmem>>
    %dma_wait3A_937 = arith.constant 0 : i32
    %dma_wait3A_938 = tpu.memref_slice %arg10[%dma_wait3A_933, %dma_wait3A_937] : memref<8x128xi32, #tpu.memory_space<vmem>> -> memref<1x128xi32, #tpu.memory_space<vmem>>
    %dma_wait3A_939 = tpu.memref_squeeze %dma_wait3A_938 : memref<1x128xi32, #tpu.memory_space<vmem>> -> memref<128xi32, #tpu.memory_space<vmem>>
    %dma_wait3A_940 = arith.constant 0 : i32
    %dma_wait3A_941 = arith.constant 0 : i32
    %dma_wait3A_942 = tpu.memref_slice %arg4[%dma_wait3A_940, %dma_wait3A_941] : memref<851968x16xf32, #tpu.memory_space<hbm>> -> memref<851968x16xf32, #tpu.memory_space<hbm>>
    tpu.wait_indirect_dma semaphore(%arg18 : memref<!tpu.dma_semaphore, #tpu.memory_space<semaphore_mem>>) src(%dma_wait3A_942 : memref<851968x16xf32, #tpu.memory_space<hbm>>) dst(%dma_wait3A_936 : memref<128x16xf32, #tpu.memory_space<vmem>>)
    %dma_wait3A_943 = arith.constant 4 : i32
    %dma_wait3A_944 = arith.constant 512 : i32
    %dma_wait3A_945 = arith.constant 0 : i32
    %dma_wait3A_946 = tpu.memref_slice %arg14[%dma_wait3A_944, %dma_wait3A_945] : memref<1024x16xf32, #tpu.memory_space<vmem>> -> memref<128x16xf32, #tpu.memory_space<vmem>>
    %dma_wait3A_947 = arith.constant 0 : i32
    %dma_wait3A_948 = tpu.memref_slice %arg10[%dma_wait3A_943, %dma_wait3A_947] : memref<8x128xi32, #tpu.memory_space<vmem>> -> memref<1x128xi32, #tpu.memory_space<vmem>>
    %dma_wait3A_949 = tpu.memref_squeeze %dma_wait3A_948 : memref<1x128xi32, #tpu.memory_space<vmem>> -> memref<128xi32, #tpu.memory_space<vmem>>
    %dma_wait3A_950 = arith.constant 0 : i32
    %dma_wait3A_951 = arith.constant 0 : i32
    %dma_wait3A_952 = tpu.memref_slice %arg4[%dma_wait3A_950, %dma_wait3A_951] : memref<851968x16xf32, #tpu.memory_space<hbm>> -> memref<851968x16xf32, #tpu.memory_space<hbm>>
    tpu.wait_indirect_dma semaphore(%arg18 : memref<!tpu.dma_semaphore, #tpu.memory_space<semaphore_mem>>) src(%dma_wait3A_952 : memref<851968x16xf32, #tpu.memory_space<hbm>>) dst(%dma_wait3A_946 : memref<128x16xf32, #tpu.memory_space<vmem>>)
    %dma_wait3A_953 = arith.constant 5 : i32
    %dma_wait3A_954 = arith.constant 640 : i32
    %dma_wait3A_955 = arith.constant 0 : i32
    %dma_wait3A_956 = tpu.memref_slice %arg14[%dma_wait3A_954, %dma_wait3A_955] : memref<1024x16xf32, #tpu.memory_space<vmem>> -> memref<128x16xf32, #tpu.memory_space<vmem>>
    %dma_wait3A_957 = arith.constant 0 : i32
    %dma_wait3A_958 = tpu.memref_slice %arg10[%dma_wait3A_953, %dma_wait3A_957] : memref<8x128xi32, #tpu.memory_space<vmem>> -> memref<1x128xi32, #tpu.memory_space<vmem>>
    %dma_wait3A_959 = tpu.memref_squeeze %dma_wait3A_958 : memref<1x128xi32, #tpu.memory_space<vmem>> -> memref<128xi32, #tpu.memory_space<vmem>>
    %dma_wait3A_960 = arith.constant 0 : i32
    %dma_wait3A_961 = arith.constant 0 : i32
    %dma_wait3A_962 = tpu.memref_slice %arg4[%dma_wait3A_960, %dma_wait3A_961] : memref<851968x16xf32, #tpu.memory_space<hbm>> -> memref<851968x16xf32, #tpu.memory_space<hbm>>
    tpu.wait_indirect_dma semaphore(%arg18 : memref<!tpu.dma_semaphore, #tpu.memory_space<semaphore_mem>>) src(%dma_wait3A_962 : memref<851968x16xf32, #tpu.memory_space<hbm>>) dst(%dma_wait3A_956 : memref<128x16xf32, #tpu.memory_space<vmem>>)
    %dma_wait3A_963 = arith.constant 6 : i32
    %dma_wait3A_964 = arith.constant 768 : i32
    %dma_wait3A_965 = arith.constant 0 : i32
    %dma_wait3A_966 = tpu.memref_slice %arg14[%dma_wait3A_964, %dma_wait3A_965] : memref<1024x16xf32, #tpu.memory_space<vmem>> -> memref<128x16xf32, #tpu.memory_space<vmem>>
    %dma_wait3A_967 = arith.constant 0 : i32
    %dma_wait3A_968 = tpu.memref_slice %arg10[%dma_wait3A_963, %dma_wait3A_967] : memref<8x128xi32, #tpu.memory_space<vmem>> -> memref<1x128xi32, #tpu.memory_space<vmem>>
    %dma_wait3A_969 = tpu.memref_squeeze %dma_wait3A_968 : memref<1x128xi32, #tpu.memory_space<vmem>> -> memref<128xi32, #tpu.memory_space<vmem>>
    %dma_wait3A_970 = arith.constant 0 : i32
    %dma_wait3A_971 = arith.constant 0 : i32
    %dma_wait3A_972 = tpu.memref_slice %arg4[%dma_wait3A_970, %dma_wait3A_971] : memref<851968x16xf32, #tpu.memory_space<hbm>> -> memref<851968x16xf32, #tpu.memory_space<hbm>>
    tpu.wait_indirect_dma semaphore(%arg18 : memref<!tpu.dma_semaphore, #tpu.memory_space<semaphore_mem>>) src(%dma_wait3A_972 : memref<851968x16xf32, #tpu.memory_space<hbm>>) dst(%dma_wait3A_966 : memref<128x16xf32, #tpu.memory_space<vmem>>)
    %dma_wait3A_973 = arith.constant 7 : i32
    %dma_wait3A_974 = arith.constant 896 : i32
    %dma_wait3A_975 = arith.constant 0 : i32
    %dma_wait3A_976 = tpu.memref_slice %arg14[%dma_wait3A_974, %dma_wait3A_975] : memref<1024x16xf32, #tpu.memory_space<vmem>> -> memref<128x16xf32, #tpu.memory_space<vmem>>
    %dma_wait3A_977 = arith.constant 0 : i32
    %dma_wait3A_978 = tpu.memref_slice %arg10[%dma_wait3A_973, %dma_wait3A_977] : memref<8x128xi32, #tpu.memory_space<vmem>> -> memref<1x128xi32, #tpu.memory_space<vmem>>
    %dma_wait3A_979 = tpu.memref_squeeze %dma_wait3A_978 : memref<1x128xi32, #tpu.memory_space<vmem>> -> memref<128xi32, #tpu.memory_space<vmem>>
    %dma_wait3A_980 = arith.constant 0 : i32
    %dma_wait3A_981 = arith.constant 0 : i32
    %dma_wait3A_982 = tpu.memref_slice %arg4[%dma_wait3A_980, %dma_wait3A_981] : memref<851968x16xf32, #tpu.memory_space<hbm>> -> memref<851968x16xf32, #tpu.memory_space<hbm>>
    tpu.wait_indirect_dma semaphore(%arg18 : memref<!tpu.dma_semaphore, #tpu.memory_space<semaphore_mem>>) src(%dma_wait3A_982 : memref<851968x16xf32, #tpu.memory_space<hbm>>) dst(%dma_wait3A_976 : memref<128x16xf32, #tpu.memory_space<vmem>>)
    %dma_wait3A_983 = arith.constant 0 : i32
    %dma_wait3A_984 = arith.constant 0 : i32
    %dma_wait3A_985 = tpu.memref_slice %arg5[%dma_wait3A_983, %dma_wait3A_984] : memref<1563x128xf32, #tpu.memory_space<hbm>> -> memref<1563x128xf32, #tpu.memory_space<hbm>>
    tpu.wait_indirect_dma semaphore(%arg18 : memref<!tpu.dma_semaphore, #tpu.memory_space<semaphore_mem>>) src(%dma_wait3A_985 : memref<1563x128xf32, #tpu.memory_space<hbm>>) dst(%arg16 : memref<128x128xf32, #tpu.memory_space<vmem>>)
    %add3A_986 = arith.constant 0 : i32
    %add3A_987 = vector.broadcast %add3A_986 : i32 to vector<16xi32>
    %add3A_988 = arith.addi %iota3A, %add3A_987 : vector<16xi32>
    %get3A_989 = arith.constant 0 : index
    %get3A_990 = tpu.vector_load %arg8[%get3A_989] {strides = array<i32>} : memref<128xi32, #tpu.memory_space<vmem>>, vector<16xi32>,
    %and3A_991 = arith.constant 127 : i32
    %and3A_992 = vector.broadcast %and3A_991 : i32 to vector<16xi32>
    %and3A_993 = arith.andi %get3A_990, %and3A_992 : vector<16xi32>
    %gather3A = tpu.vector_load_idx %arg16[%add3A_988, %and3A_993] : memref<128x128xf32, #tpu.memory_space<vmem>>[vector<16xi32>, vector<16xi32>], vector<16xf32>,
    %mul3A_994 = arith.constant 8 : i32
    %mul3A_995 = vector.broadcast %mul3A_994 : i32 to vector<16xi32>
    %mul3A_996 = arith.muli %add3A_988, %mul3A_995 : vector<16xi32>
    %add3A_997 = arith.constant 4 : i32
    %add3A_998 = vector.broadcast %add3A_997 : i32 to vector<16xi32>
    %add3A_999 = arith.addi %mul3A_996, %add3A_998 : vector<16xi32>
    %mul3A_1000 = arith.constant 0 : i32
    %mul3A_1001 = vector.broadcast %mul3A_1000 : i32 to vector<16xi32>
    %mul3A_1002 = arith.muli %iota3A, %mul3A_1001 : vector<16xi32>
    tpu.vector_store_idx %arg14[%add3A_999, %mul3A_1002], %gather3A : memref<1024x16xf32, #tpu.memory_space<vmem>>[vector<16xi32>, vector<16xi32>], vector<16xf32>,
    %add3A_1003 = arith.constant 16 : i32
    %add3A_1004 = vector.broadcast %add3A_1003 : i32 to vector<16xi32>
    %add3A_1005 = arith.addi %iota3A, %add3A_1004 : vector<16xi32>
    %get3A_1006 = arith.constant 16 : index
    %get3A_1007 = tpu.vector_load %arg8[%get3A_1006] {strides = array<i32>} : memref<128xi32, #tpu.memory_space<vmem>>, vector<16xi32>,
    %and3A_1008 = arith.constant 127 : i32
    %and3A_1009 = vector.broadcast %and3A_1008 : i32 to vector<16xi32>
    %and3A_1010 = arith.andi %get3A_1007, %and3A_1009 : vector<16xi32>
    %gather3A_1011 = tpu.vector_load_idx %arg16[%add3A_1005, %and3A_1010] : memref<128x128xf32, #tpu.memory_space<vmem>>[vector<16xi32>, vector<16xi32>], vector<16xf32>,
    %mul3A_1012 = arith.constant 8 : i32
    %mul3A_1013 = vector.broadcast %mul3A_1012 : i32 to vector<16xi32>
    %mul3A_1014 = arith.muli %add3A_1005, %mul3A_1013 : vector<16xi32>
    %add3A_1015 = arith.constant 4 : i32
    %add3A_1016 = vector.broadcast %add3A_1015 : i32 to vector<16xi32>
    %add3A_1017 = arith.addi %mul3A_1014, %add3A_1016 : vector<16xi32>
    %mul3A_1018 = arith.constant 0 : i32
    %mul3A_1019 = vector.broadcast %mul3A_1018 : i32 to vector<16xi32>
    %mul3A_1020 = arith.muli %iota3A, %mul3A_1019 : vector<16xi32>
    tpu.vector_store_idx %arg14[%add3A_1017, %mul3A_1020], %gather3A_1011 : memref<1024x16xf32, #tpu.memory_space<vmem>>[vector<16xi32>, vector<16xi32>], vector<16xf32>,
    %add3A_1021 = arith.constant 32 : i32
    %add3A_1022 = vector.broadcast %add3A_1021 : i32 to vector<16xi32>
    %add3A_1023 = arith.addi %iota3A, %add3A_1022 : vector<16xi32>
    %get3A_1024 = arith.constant 32 : index
    %get3A_1025 = tpu.vector_load %arg8[%get3A_1024] {strides = array<i32>} : memref<128xi32, #tpu.memory_space<vmem>>, vector<16xi32>,
    %and3A_1026 = arith.constant 127 : i32
    %and3A_1027 = vector.broadcast %and3A_1026 : i32 to vector<16xi32>
    %and3A_1028 = arith.andi %get3A_1025, %and3A_1027 : vector<16xi32>
    %gather3A_1029 = tpu.vector_load_idx %arg16[%add3A_1023, %and3A_1028] : memref<128x128xf32, #tpu.memory_space<vmem>>[vector<16xi32>, vector<16xi32>], vector<16xf32>,
    %mul3A_1030 = arith.constant 8 : i32
    %mul3A_1031 = vector.broadcast %mul3A_1030 : i32 to vector<16xi32>
    %mul3A_1032 = arith.muli %add3A_1023, %mul3A_1031 : vector<16xi32>
    %add3A_1033 = arith.constant 4 : i32
    %add3A_1034 = vector.broadcast %add3A_1033 : i32 to vector<16xi32>
    %add3A_1035 = arith.addi %mul3A_1032, %add3A_1034 : vector<16xi32>
    %mul3A_1036 = arith.constant 0 : i32
    %mul3A_1037 = vector.broadcast %mul3A_1036 : i32 to vector<16xi32>
    %mul3A_1038 = arith.muli %iota3A, %mul3A_1037 : vector<16xi32>
    tpu.vector_store_idx %arg14[%add3A_1035, %mul3A_1038], %gather3A_1029 : memref<1024x16xf32, #tpu.memory_space<vmem>>[vector<16xi32>, vector<16xi32>], vector<16xf32>,
    %add3A_1039 = arith.constant 48 : i32
    %add3A_1040 = vector.broadcast %add3A_1039 : i32 to vector<16xi32>
    %add3A_1041 = arith.addi %iota3A, %add3A_1040 : vector<16xi32>
    %get3A_1042 = arith.constant 48 : index
    %get3A_1043 = tpu.vector_load %arg8[%get3A_1042] {strides = array<i32>} : memref<128xi32, #tpu.memory_space<vmem>>, vector<16xi32>,
    %and3A_1044 = arith.constant 127 : i32
    %and3A_1045 = vector.broadcast %and3A_1044 : i32 to vector<16xi32>
    %and3A_1046 = arith.andi %get3A_1043, %and3A_1045 : vector<16xi32>
    %gather3A_1047 = tpu.vector_load_idx %arg16[%add3A_1041, %and3A_1046] : memref<128x128xf32, #tpu.memory_space<vmem>>[vector<16xi32>, vector<16xi32>], vector<16xf32>,
    %mul3A_1048 = arith.constant 8 : i32
    %mul3A_1049 = vector.broadcast %mul3A_1048 : i32 to vector<16xi32>
    %mul3A_1050 = arith.muli %add3A_1041, %mul3A_1049 : vector<16xi32>
    %add3A_1051 = arith.constant 4 : i32
    %add3A_1052 = vector.broadcast %add3A_1051 : i32 to vector<16xi32>
    %add3A_1053 = arith.addi %mul3A_1050, %add3A_1052 : vector<16xi32>
    %mul3A_1054 = arith.constant 0 : i32
    %mul3A_1055 = vector.broadcast %mul3A_1054 : i32 to vector<16xi32>
    %mul3A_1056 = arith.muli %iota3A, %mul3A_1055 : vector<16xi32>
    tpu.vector_store_idx %arg14[%add3A_1053, %mul3A_1056], %gather3A_1047 : memref<1024x16xf32, #tpu.memory_space<vmem>>[vector<16xi32>, vector<16xi32>], vector<16xf32>,
    %add3A_1057 = arith.constant 64 : i32
    %add3A_1058 = vector.broadcast %add3A_1057 : i32 to vector<16xi32>
    %add3A_1059 = arith.addi %iota3A, %add3A_1058 : vector<16xi32>
    %get3A_1060 = arith.constant 64 : index
    %get3A_1061 = tpu.vector_load %arg8[%get3A_1060] {strides = array<i32>} : memref<128xi32, #tpu.memory_space<vmem>>, vector<16xi32>,
    %and3A_1062 = arith.constant 127 : i32
    %and3A_1063 = vector.broadcast %and3A_1062 : i32 to vector<16xi32>
    %and3A_1064 = arith.andi %get3A_1061, %and3A_1063 : vector<16xi32>
    %gather3A_1065 = tpu.vector_load_idx %arg16[%add3A_1059, %and3A_1064] : memref<128x128xf32, #tpu.memory_space<vmem>>[vector<16xi32>, vector<16xi32>], vector<16xf32>,
    %mul3A_1066 = arith.constant 8 : i32
    %mul3A_1067 = vector.broadcast %mul3A_1066 : i32 to vector<16xi32>
    %mul3A_1068 = arith.muli %add3A_1059, %mul3A_1067 : vector<16xi32>
    %add3A_1069 = arith.constant 4 : i32
    %add3A_1070 = vector.broadcast %add3A_1069 : i32 to vector<16xi32>
    %add3A_1071 = arith.addi %mul3A_1068, %add3A_1070 : vector<16xi32>
    %mul3A_1072 = arith.constant 0 : i32
    %mul3A_1073 = vector.broadcast %mul3A_1072 : i32 to vector<16xi32>
    %mul3A_1074 = arith.muli %iota3A, %mul3A_1073 : vector<16xi32>
    tpu.vector_store_idx %arg14[%add3A_1071, %mul3A_1074], %gather3A_1065 : memref<1024x16xf32, #tpu.memory_space<vmem>>[vector<16xi32>, vector<16xi32>], vector<16xf32>,
    %add3A_1075 = arith.constant 80 : i32
    %add3A_1076 = vector.broadcast %add3A_1075 : i32 to vector<16xi32>
    %add3A_1077 = arith.addi %iota3A, %add3A_1076 : vector<16xi32>
    %get3A_1078 = arith.constant 80 : index
    %get3A_1079 = tpu.vector_load %arg8[%get3A_1078] {strides = array<i32>} : memref<128xi32, #tpu.memory_space<vmem>>, vector<16xi32>,
    %and3A_1080 = arith.constant 127 : i32
    %and3A_1081 = vector.broadcast %and3A_1080 : i32 to vector<16xi32>
    %and3A_1082 = arith.andi %get3A_1079, %and3A_1081 : vector<16xi32>
    %gather3A_1083 = tpu.vector_load_idx %arg16[%add3A_1077, %and3A_1082] : memref<128x128xf32, #tpu.memory_space<vmem>>[vector<16xi32>, vector<16xi32>], vector<16xf32>,
    %mul3A_1084 = arith.constant 8 : i32
    %mul3A_1085 = vector.broadcast %mul3A_1084 : i32 to vector<16xi32>
    %mul3A_1086 = arith.muli %add3A_1077, %mul3A_1085 : vector<16xi32>
    %add3A_1087 = arith.constant 4 : i32
    %add3A_1088 = vector.broadcast %add3A_1087 : i32 to vector<16xi32>
    %add3A_1089 = arith.addi %mul3A_1086, %add3A_1088 : vector<16xi32>
    %mul3A_1090 = arith.constant 0 : i32
    %mul3A_1091 = vector.broadcast %mul3A_1090 : i32 to vector<16xi32>
    %mul3A_1092 = arith.muli %iota3A, %mul3A_1091 : vector<16xi32>
    tpu.vector_store_idx %arg14[%add3A_1089, %mul3A_1092], %gather3A_1083 : memref<1024x16xf32, #tpu.memory_space<vmem>>[vector<16xi32>, vector<16xi32>], vector<16xf32>,
    %add3A_1093 = arith.constant 96 : i32
    %add3A_1094 = vector.broadcast %add3A_1093 : i32 to vector<16xi32>
    %add3A_1095 = arith.addi %iota3A, %add3A_1094 : vector<16xi32>
    %get3A_1096 = arith.constant 96 : index
    %get3A_1097 = tpu.vector_load %arg8[%get3A_1096] {strides = array<i32>} : memref<128xi32, #tpu.memory_space<vmem>>, vector<16xi32>,
    %and3A_1098 = arith.constant 127 : i32
    %and3A_1099 = vector.broadcast %and3A_1098 : i32 to vector<16xi32>
    %and3A_1100 = arith.andi %get3A_1097, %and3A_1099 : vector<16xi32>
    %gather3A_1101 = tpu.vector_load_idx %arg16[%add3A_1095, %and3A_1100] : memref<128x128xf32, #tpu.memory_space<vmem>>[vector<16xi32>, vector<16xi32>], vector<16xf32>,
    %mul3A_1102 = arith.constant 8 : i32
    %mul3A_1103 = vector.broadcast %mul3A_1102 : i32 to vector<16xi32>
    %mul3A_1104 = arith.muli %add3A_1095, %mul3A_1103 : vector<16xi32>
    %add3A_1105 = arith.constant 4 : i32
    %add3A_1106 = vector.broadcast %add3A_1105 : i32 to vector<16xi32>
    %add3A_1107 = arith.addi %mul3A_1104, %add3A_1106 : vector<16xi32>
    %mul3A_1108 = arith.constant 0 : i32
    %mul3A_1109 = vector.broadcast %mul3A_1108 : i32 to vector<16xi32>
    %mul3A_1110 = arith.muli %iota3A, %mul3A_1109 : vector<16xi32>
    tpu.vector_store_idx %arg14[%add3A_1107, %mul3A_1110], %gather3A_1101 : memref<1024x16xf32, #tpu.memory_space<vmem>>[vector<16xi32>, vector<16xi32>], vector<16xf32>,
    %add3A_1111 = arith.constant 112 : i32
    %add3A_1112 = vector.broadcast %add3A_1111 : i32 to vector<16xi32>
    %add3A_1113 = arith.addi %iota3A, %add3A_1112 : vector<16xi32>
    %get3A_1114 = arith.constant 112 : index
    %get3A_1115 = tpu.vector_load %arg8[%get3A_1114] {strides = array<i32>} : memref<128xi32, #tpu.memory_space<vmem>>, vector<16xi32>,
    %and3A_1116 = arith.constant 127 : i32
    %and3A_1117 = vector.broadcast %and3A_1116 : i32 to vector<16xi32>
    %and3A_1118 = arith.andi %get3A_1115, %and3A_1117 : vector<16xi32>
    %gather3A_1119 = tpu.vector_load_idx %arg16[%add3A_1113, %and3A_1118] : memref<128x128xf32, #tpu.memory_space<vmem>>[vector<16xi32>, vector<16xi32>], vector<16xf32>,
    %mul3A_1120 = arith.constant 8 : i32
    %mul3A_1121 = vector.broadcast %mul3A_1120 : i32 to vector<16xi32>
    %mul3A_1122 = arith.muli %add3A_1113, %mul3A_1121 : vector<16xi32>
    %add3A_1123 = arith.constant 4 : i32
    %add3A_1124 = vector.broadcast %add3A_1123 : i32 to vector<16xi32>
    %add3A_1125 = arith.addi %mul3A_1122, %add3A_1124 : vector<16xi32>
    %mul3A_1126 = arith.constant 0 : i32
    %mul3A_1127 = vector.broadcast %mul3A_1126 : i32 to vector<16xi32>
    %mul3A_1128 = arith.muli %iota3A, %mul3A_1127 : vector<16xi32>
    tpu.vector_store_idx %arg14[%add3A_1125, %mul3A_1128], %gather3A_1119 : memref<1024x16xf32, #tpu.memory_space<vmem>>[vector<16xi32>, vector<16xi32>], vector<16xf32>,
    %mul3A_1129 = arith.constant 8 : i32
    %mul3A_1130 = arith.muli %mul3A_2, %mul3A_1129 : i32
    "tpu.region"() ({
      %run_scoped3A = tpu.sem_alloc : memref<!tpu.dma_semaphore, #tpu.memory_space<semaphore_mem>>
      %dma_start3A_2211 = arith.constant 0 : i32
      %dma_start3A_2212 = tpu.memref_slice %arg6[%mul3A_1130, %dma_start3A_2211] : memref<32768x16xf32, #tpu.memory_space<hbm>> -> memref<1024x16xf32, #tpu.memory_space<hbm>>
      %dma_start3A_2213 = arith.constant 0 : i32
      %dma_start3A_2214 = tpu.memref_slice %arg6[%mul3A_1130, %dma_start3A_2213] : memref<32768x16xf32, #tpu.memory_space<hbm>> -> memref<1024x16xf32, #tpu.memory_space<hbm>>
      tpu.enqueue_dma source(%arg14 : memref<1024x16xf32, #tpu.memory_space<vmem>>) target(%dma_start3A_2214 : memref<1024x16xf32, #tpu.memory_space<hbm>>) target_semaphore(%run_scoped3A : memref<!tpu.dma_semaphore, #tpu.memory_space<semaphore_mem>>)
      %dma_wait3A_2215 = arith.constant 0 : i32
      %dma_wait3A_2216 = tpu.memref_slice %arg6[%mul3A_1130, %dma_wait3A_2215] : memref<32768x16xf32, #tpu.memory_space<hbm>> -> memref<1024x16xf32, #tpu.memory_space<hbm>>
      %dma_wait3A_2217 = arith.constant 0 : i32
      %dma_wait3A_2218 = tpu.memref_slice %arg6[%mul3A_1130, %dma_wait3A_2217] : memref<32768x16xf32, #tpu.memory_space<hbm>> -> memref<1024x16xf32, #tpu.memory_space<hbm>>
      tpu.wait_dma2 semaphore(%run_scoped3A : memref<!tpu.dma_semaphore, #tpu.memory_space<semaphore_mem>>) src(%arg14 : memref<1024x16xf32, #tpu.memory_space<vmem>>) dst(%dma_wait3A_2218 : memref<1024x16xf32, #tpu.memory_space<hbm>>)
      tpu.yield
    }) : () -> ()
    %get3A_1131 = arith.constant 0 : index
    %get3A_1132 = tpu.vector_load %arg9[%get3A_1131] {strides = array<i32>} : memref<128xi32, #tpu.memory_space<vmem>>, vector<16xi32>,
    %shift_right_arithmetic3A_1133 = arith.constant 14 : i32
    %shift_right_arithmetic3A_1134 = vector.broadcast %shift_right_arithmetic3A_1133 : i32 to vector<16xi32>
    %shift_right_arithmetic3A_1135 = arith.shrsi %get3A_1132, %shift_right_arithmetic3A_1134 : vector<16xi32>
    %and3A_1136 = arith.constant 16383 : i32
    %and3A_1137 = vector.broadcast %and3A_1136 : i32 to vector<16xi32>
    %and3A_1138 = arith.andi %get3A_1132, %and3A_1137 : vector<16xi32>
    %shift_left3A_1139 = arith.constant 16 : i32
    %shift_left3A_1140 = vector.broadcast %shift_left3A_1139 : i32 to vector<16xi32>
    %shift_left3A_1141 = arith.shli %shift_right_arithmetic3A_1135, %shift_left3A_1140 : vector<16xi32>
    %and3A_1142 = arith.constant 8191 : i32
    %and3A_1143 = vector.broadcast %and3A_1142 : i32 to vector<16xi32>
    %and3A_1144 = arith.andi %and3A_1138, %and3A_1143 : vector<16xi32>
    %shift_left3A_1145 = arith.constant 3 : i32
    %shift_left3A_1146 = vector.broadcast %shift_left3A_1145 : i32 to vector<16xi32>
    %shift_left3A_1147 = arith.shli %and3A_1144, %shift_left3A_1146 : vector<16xi32>
    %add3A_1148 = arith.addi %shift_left3A_1141, %shift_left3A_1147 : vector<16xi32>
    %shift_right_arithmetic3A_1149 = arith.constant 13 : i32
    %shift_right_arithmetic3A_1150 = vector.broadcast %shift_right_arithmetic3A_1149 : i32 to vector<16xi32>
    %shift_right_arithmetic3A_1151 = arith.shrsi %and3A_1138, %shift_right_arithmetic3A_1150 : vector<16xi32>
    %shift_left3A_1152 = arith.constant 2 : i32
    %shift_left3A_1153 = vector.broadcast %shift_left3A_1152 : i32 to vector<16xi32>
    %shift_left3A_1154 = arith.shli %shift_right_arithmetic3A_1151, %shift_left3A_1153 : vector<16xi32>
    %add3A_1155 = arith.addi %add3A_1148, %shift_left3A_1154 : vector<16xi32>
    %mul3A_1156 = arith.constant 0 : i32
    %mul3A_1157 = vector.broadcast %mul3A_1156 : i32 to vector<16xi32>
    %mul3A_1158 = arith.muli %iota3A, %mul3A_1157 : vector<16xi32>
    %add3A_1159 = arith.constant 0 : i32
    %add3A_1160 = vector.broadcast %add3A_1159 : i32 to vector<16xi32>
    %add3A_1161 = arith.addi %mul3A_1158, %add3A_1160 : vector<16xi32>
    %mul3A_1162 = arith.constant 8 : i32
    %mul3A_1163 = vector.broadcast %mul3A_1162 : i32 to vector<16xi32>
    %mul3A_1164 = arith.muli %iota3A, %mul3A_1163 : vector<16xi32>
    %add3A_1165 = arith.constant 0 : i32
    %add3A_1166 = vector.broadcast %add3A_1165 : i32 to vector<16xi32>
    %add3A_1167 = arith.addi %mul3A_1164, %add3A_1166 : vector<16xi32>
    %add3A_1168 = arith.constant 0 : i32
    %add3A_1169 = vector.broadcast %add3A_1168 : i32 to vector<16xi32>
    %add3A_1170 = arith.addi %add3A_1155, %add3A_1169 : vector<16xi32>
    tpu.vector_store_idx %arg11[%add3A_1161, %add3A_1167], %add3A_1170 : memref<8x128xi32, #tpu.memory_space<vmem>>[vector<16xi32>, vector<16xi32>], vector<16xi32>,
    %mul3A_1171 = arith.constant 8 : i32
    %mul3A_1172 = vector.broadcast %mul3A_1171 : i32 to vector<16xi32>
    %mul3A_1173 = arith.muli %iota3A, %mul3A_1172 : vector<16xi32>
    %add3A_1174 = arith.constant 1 : i32
    %add3A_1175 = vector.broadcast %add3A_1174 : i32 to vector<16xi32>
    %add3A_1176 = arith.addi %mul3A_1173, %add3A_1175 : vector<16xi32>
    %add3A_1177 = arith.constant 1 : i32
    %add3A_1178 = vector.broadcast %add3A_1177 : i32 to vector<16xi32>
    %add3A_1179 = arith.addi %add3A_1155, %add3A_1178 : vector<16xi32>
    tpu.vector_store_idx %arg11[%add3A_1161, %add3A_1176], %add3A_1179 : memref<8x128xi32, #tpu.memory_space<vmem>>[vector<16xi32>, vector<16xi32>], vector<16xi32>,
    %mul3A_1180 = arith.constant 8 : i32
    %mul3A_1181 = vector.broadcast %mul3A_1180 : i32 to vector<16xi32>
    %mul3A_1182 = arith.muli %iota3A, %mul3A_1181 : vector<16xi32>
    %add3A_1183 = arith.constant 2 : i32
    %add3A_1184 = vector.broadcast %add3A_1183 : i32 to vector<16xi32>
    %add3A_1185 = arith.addi %mul3A_1182, %add3A_1184 : vector<16xi32>
    %add3A_1186 = arith.constant 2 : i32
    %add3A_1187 = vector.broadcast %add3A_1186 : i32 to vector<16xi32>
    %add3A_1188 = arith.addi %add3A_1155, %add3A_1187 : vector<16xi32>
    tpu.vector_store_idx %arg11[%add3A_1161, %add3A_1185], %add3A_1188 : memref<8x128xi32, #tpu.memory_space<vmem>>[vector<16xi32>, vector<16xi32>], vector<16xi32>,
    %mul3A_1189 = arith.constant 8 : i32
    %mul3A_1190 = vector.broadcast %mul3A_1189 : i32 to vector<16xi32>
    %mul3A_1191 = arith.muli %iota3A, %mul3A_1190 : vector<16xi32>
    %add3A_1192 = arith.constant 3 : i32
    %add3A_1193 = vector.broadcast %add3A_1192 : i32 to vector<16xi32>
    %add3A_1194 = arith.addi %mul3A_1191, %add3A_1193 : vector<16xi32>
    %add3A_1195 = arith.constant 3 : i32
    %add3A_1196 = vector.broadcast %add3A_1195 : i32 to vector<16xi32>
    %add3A_1197 = arith.addi %add3A_1155, %add3A_1196 : vector<16xi32>
    tpu.vector_store_idx %arg11[%add3A_1161, %add3A_1194], %add3A_1197 : memref<8x128xi32, #tpu.memory_space<vmem>>[vector<16xi32>, vector<16xi32>], vector<16xi32>,
    %mul3A_1198 = arith.constant 8 : i32
    %mul3A_1199 = vector.broadcast %mul3A_1198 : i32 to vector<16xi32>
    %mul3A_1200 = arith.muli %iota3A, %mul3A_1199 : vector<16xi32>
    %add3A_1201 = arith.constant 4 : i32
    %add3A_1202 = vector.broadcast %add3A_1201 : i32 to vector<16xi32>
    %add3A_1203 = arith.addi %mul3A_1200, %add3A_1202 : vector<16xi32>
    tpu.vector_store_idx %arg11[%add3A_1161, %add3A_1203], %add3A_1155 : memref<8x128xi32, #tpu.memory_space<vmem>>[vector<16xi32>, vector<16xi32>], vector<16xi32>,
    %mul3A_1204 = arith.constant 8 : i32
    %mul3A_1205 = vector.broadcast %mul3A_1204 : i32 to vector<16xi32>
    %mul3A_1206 = arith.muli %iota3A, %mul3A_1205 : vector<16xi32>
    %add3A_1207 = arith.constant 5 : i32
    %add3A_1208 = vector.broadcast %add3A_1207 : i32 to vector<16xi32>
    %add3A_1209 = arith.addi %mul3A_1206, %add3A_1208 : vector<16xi32>
    tpu.vector_store_idx %arg11[%add3A_1161, %add3A_1209], %add3A_1155 : memref<8x128xi32, #tpu.memory_space<vmem>>[vector<16xi32>, vector<16xi32>], vector<16xi32>,
    %mul3A_1210 = arith.constant 8 : i32
    %mul3A_1211 = vector.broadcast %mul3A_1210 : i32 to vector<16xi32>
    %mul3A_1212 = arith.muli %iota3A, %mul3A_1211 : vector<16xi32>
    %add3A_1213 = arith.constant 6 : i32
    %add3A_1214 = vector.broadcast %add3A_1213 : i32 to vector<16xi32>
    %add3A_1215 = arith.addi %mul3A_1212, %add3A_1214 : vector<16xi32>
    tpu.vector_store_idx %arg11[%add3A_1161, %add3A_1215], %add3A_1155 : memref<8x128xi32, #tpu.memory_space<vmem>>[vector<16xi32>, vector<16xi32>], vector<16xi32>,
    %mul3A_1216 = arith.constant 8 : i32
    %mul3A_1217 = vector.broadcast %mul3A_1216 : i32 to vector<16xi32>
    %mul3A_1218 = arith.muli %iota3A, %mul3A_1217 : vector<16xi32>
    %add3A_1219 = arith.constant 7 : i32
    %add3A_1220 = vector.broadcast %add3A_1219 : i32 to vector<16xi32>
    %add3A_1221 = arith.addi %mul3A_1218, %add3A_1220 : vector<16xi32>
    tpu.vector_store_idx %arg11[%add3A_1161, %add3A_1221], %add3A_1155 : memref<8x128xi32, #tpu.memory_space<vmem>>[vector<16xi32>, vector<16xi32>], vector<16xi32>,
    %shift_right_arithmetic3A_1222 = arith.constant 7 : i32
    %shift_right_arithmetic3A_1223 = vector.broadcast %shift_right_arithmetic3A_1222 : i32 to vector<16xi32>
    %shift_right_arithmetic3A_1224 = arith.shrsi %get3A_1132, %shift_right_arithmetic3A_1223 : vector<16xi32>
    %swap3A_1225 = arith.constant 0 : index
    %swap3A_1226 = tpu.vector_load %arg13[%swap3A_1225] {strides = array<i32>} : memref<128xi32, #tpu.memory_space<vmem>>, vector<16xi32>,
    tpu.vector_store %arg13[%swap3A_1225], %shift_right_arithmetic3A_1224 {strides = array<i32>} : memref<128xi32, #tpu.memory_space<vmem>>, vector<16xi32>,
    %get3A_1227 = arith.constant 16 : index
    %get3A_1228 = tpu.vector_load %arg9[%get3A_1227] {strides = array<i32>} : memref<128xi32, #tpu.memory_space<vmem>>, vector<16xi32>,
    %shift_right_arithmetic3A_1229 = arith.constant 14 : i32
    %shift_right_arithmetic3A_1230 = vector.broadcast %shift_right_arithmetic3A_1229 : i32 to vector<16xi32>
    %shift_right_arithmetic3A_1231 = arith.shrsi %get3A_1228, %shift_right_arithmetic3A_1230 : vector<16xi32>
    %and3A_1232 = arith.constant 16383 : i32
    %and3A_1233 = vector.broadcast %and3A_1232 : i32 to vector<16xi32>
    %and3A_1234 = arith.andi %get3A_1228, %and3A_1233 : vector<16xi32>
    %shift_left3A_1235 = arith.constant 16 : i32
    %shift_left3A_1236 = vector.broadcast %shift_left3A_1235 : i32 to vector<16xi32>
    %shift_left3A_1237 = arith.shli %shift_right_arithmetic3A_1231, %shift_left3A_1236 : vector<16xi32>
    %and3A_1238 = arith.constant 8191 : i32
    %and3A_1239 = vector.broadcast %and3A_1238 : i32 to vector<16xi32>
    %and3A_1240 = arith.andi %and3A_1234, %and3A_1239 : vector<16xi32>
    %shift_left3A_1241 = arith.constant 3 : i32
    %shift_left3A_1242 = vector.broadcast %shift_left3A_1241 : i32 to vector<16xi32>
    %shift_left3A_1243 = arith.shli %and3A_1240, %shift_left3A_1242 : vector<16xi32>
    %add3A_1244 = arith.addi %shift_left3A_1237, %shift_left3A_1243 : vector<16xi32>
    %shift_right_arithmetic3A_1245 = arith.constant 13 : i32
    %shift_right_arithmetic3A_1246 = vector.broadcast %shift_right_arithmetic3A_1245 : i32 to vector<16xi32>
    %shift_right_arithmetic3A_1247 = arith.shrsi %and3A_1234, %shift_right_arithmetic3A_1246 : vector<16xi32>
    %shift_left3A_1248 = arith.constant 2 : i32
    %shift_left3A_1249 = vector.broadcast %shift_left3A_1248 : i32 to vector<16xi32>
    %shift_left3A_1250 = arith.shli %shift_right_arithmetic3A_1247, %shift_left3A_1249 : vector<16xi32>
    %add3A_1251 = arith.addi %add3A_1244, %shift_left3A_1250 : vector<16xi32>
    %mul3A_1252 = arith.constant 0 : i32
    %mul3A_1253 = vector.broadcast %mul3A_1252 : i32 to vector<16xi32>
    %mul3A_1254 = arith.muli %iota3A, %mul3A_1253 : vector<16xi32>
    %add3A_1255 = arith.constant 1 : i32
    %add3A_1256 = vector.broadcast %add3A_1255 : i32 to vector<16xi32>
    %add3A_1257 = arith.addi %mul3A_1254, %add3A_1256 : vector<16xi32>
    %mul3A_1258 = arith.constant 8 : i32
    %mul3A_1259 = vector.broadcast %mul3A_1258 : i32 to vector<16xi32>
    %mul3A_1260 = arith.muli %iota3A, %mul3A_1259 : vector<16xi32>
    %add3A_1261 = arith.constant 0 : i32
    %add3A_1262 = vector.broadcast %add3A_1261 : i32 to vector<16xi32>
    %add3A_1263 = arith.addi %mul3A_1260, %add3A_1262 : vector<16xi32>
    %add3A_1264 = arith.constant 0 : i32
    %add3A_1265 = vector.broadcast %add3A_1264 : i32 to vector<16xi32>
    %add3A_1266 = arith.addi %add3A_1251, %add3A_1265 : vector<16xi32>
    tpu.vector_store_idx %arg11[%add3A_1257, %add3A_1263], %add3A_1266 : memref<8x128xi32, #tpu.memory_space<vmem>>[vector<16xi32>, vector<16xi32>], vector<16xi32>,
    %mul3A_1267 = arith.constant 8 : i32
    %mul3A_1268 = vector.broadcast %mul3A_1267 : i32 to vector<16xi32>
    %mul3A_1269 = arith.muli %iota3A, %mul3A_1268 : vector<16xi32>
    %add3A_1270 = arith.constant 1 : i32
    %add3A_1271 = vector.broadcast %add3A_1270 : i32 to vector<16xi32>
    %add3A_1272 = arith.addi %mul3A_1269, %add3A_1271 : vector<16xi32>
    %add3A_1273 = arith.constant 1 : i32
    %add3A_1274 = vector.broadcast %add3A_1273 : i32 to vector<16xi32>
    %add3A_1275 = arith.addi %add3A_1251, %add3A_1274 : vector<16xi32>
    tpu.vector_store_idx %arg11[%add3A_1257, %add3A_1272], %add3A_1275 : memref<8x128xi32, #tpu.memory_space<vmem>>[vector<16xi32>, vector<16xi32>], vector<16xi32>,
    %mul3A_1276 = arith.constant 8 : i32
    %mul3A_1277 = vector.broadcast %mul3A_1276 : i32 to vector<16xi32>
    %mul3A_1278 = arith.muli %iota3A, %mul3A_1277 : vector<16xi32>
    %add3A_1279 = arith.constant 2 : i32
    %add3A_1280 = vector.broadcast %add3A_1279 : i32 to vector<16xi32>
    %add3A_1281 = arith.addi %mul3A_1278, %add3A_1280 : vector<16xi32>
    %add3A_1282 = arith.constant 2 : i32
    %add3A_1283 = vector.broadcast %add3A_1282 : i32 to vector<16xi32>
    %add3A_1284 = arith.addi %add3A_1251, %add3A_1283 : vector<16xi32>
    tpu.vector_store_idx %arg11[%add3A_1257, %add3A_1281], %add3A_1284 : memref<8x128xi32, #tpu.memory_space<vmem>>[vector<16xi32>, vector<16xi32>], vector<16xi32>,
    %mul3A_1285 = arith.constant 8 : i32
    %mul3A_1286 = vector.broadcast %mul3A_1285 : i32 to vector<16xi32>
    %mul3A_1287 = arith.muli %iota3A, %mul3A_1286 : vector<16xi32>
    %add3A_1288 = arith.constant 3 : i32
    %add3A_1289 = vector.broadcast %add3A_1288 : i32 to vector<16xi32>
    %add3A_1290 = arith.addi %mul3A_1287, %add3A_1289 : vector<16xi32>
    %add3A_1291 = arith.constant 3 : i32
    %add3A_1292 = vector.broadcast %add3A_1291 : i32 to vector<16xi32>
    %add3A_1293 = arith.addi %add3A_1251, %add3A_1292 : vector<16xi32>
    tpu.vector_store_idx %arg11[%add3A_1257, %add3A_1290], %add3A_1293 : memref<8x128xi32, #tpu.memory_space<vmem>>[vector<16xi32>, vector<16xi32>], vector<16xi32>,
    %mul3A_1294 = arith.constant 8 : i32
    %mul3A_1295 = vector.broadcast %mul3A_1294 : i32 to vector<16xi32>
    %mul3A_1296 = arith.muli %iota3A, %mul3A_1295 : vector<16xi32>
    %add3A_1297 = arith.constant 4 : i32
    %add3A_1298 = vector.broadcast %add3A_1297 : i32 to vector<16xi32>
    %add3A_1299 = arith.addi %mul3A_1296, %add3A_1298 : vector<16xi32>
    tpu.vector_store_idx %arg11[%add3A_1257, %add3A_1299], %add3A_1251 : memref<8x128xi32, #tpu.memory_space<vmem>>[vector<16xi32>, vector<16xi32>], vector<16xi32>,
    %mul3A_1300 = arith.constant 8 : i32
    %mul3A_1301 = vector.broadcast %mul3A_1300 : i32 to vector<16xi32>
    %mul3A_1302 = arith.muli %iota3A, %mul3A_1301 : vector<16xi32>
    %add3A_1303 = arith.constant 5 : i32
    %add3A_1304 = vector.broadcast %add3A_1303 : i32 to vector<16xi32>
    %add3A_1305 = arith.addi %mul3A_1302, %add3A_1304 : vector<16xi32>
    tpu.vector_store_idx %arg11[%add3A_1257, %add3A_1305], %add3A_1251 : memref<8x128xi32, #tpu.memory_space<vmem>>[vector<16xi32>, vector<16xi32>], vector<16xi32>,
    %mul3A_1306 = arith.constant 8 : i32
    %mul3A_1307 = vector.broadcast %mul3A_1306 : i32 to vector<16xi32>
    %mul3A_1308 = arith.muli %iota3A, %mul3A_1307 : vector<16xi32>
    %add3A_1309 = arith.constant 6 : i32
    %add3A_1310 = vector.broadcast %add3A_1309 : i32 to vector<16xi32>
    %add3A_1311 = arith.addi %mul3A_1308, %add3A_1310 : vector<16xi32>
    tpu.vector_store_idx %arg11[%add3A_1257, %add3A_1311], %add3A_1251 : memref<8x128xi32, #tpu.memory_space<vmem>>[vector<16xi32>, vector<16xi32>], vector<16xi32>,
    %mul3A_1312 = arith.constant 8 : i32
    %mul3A_1313 = vector.broadcast %mul3A_1312 : i32 to vector<16xi32>
    %mul3A_1314 = arith.muli %iota3A, %mul3A_1313 : vector<16xi32>
    %add3A_1315 = arith.constant 7 : i32
    %add3A_1316 = vector.broadcast %add3A_1315 : i32 to vector<16xi32>
    %add3A_1317 = arith.addi %mul3A_1314, %add3A_1316 : vector<16xi32>
    tpu.vector_store_idx %arg11[%add3A_1257, %add3A_1317], %add3A_1251 : memref<8x128xi32, #tpu.memory_space<vmem>>[vector<16xi32>, vector<16xi32>], vector<16xi32>,
    %shift_right_arithmetic3A_1318 = arith.constant 7 : i32
    %shift_right_arithmetic3A_1319 = vector.broadcast %shift_right_arithmetic3A_1318 : i32 to vector<16xi32>
    %shift_right_arithmetic3A_1320 = arith.shrsi %get3A_1228, %shift_right_arithmetic3A_1319 : vector<16xi32>
    %swap3A_1321 = arith.constant 16 : index
    %swap3A_1322 = tpu.vector_load %arg13[%swap3A_1321] {strides = array<i32>} : memref<128xi32, #tpu.memory_space<vmem>>, vector<16xi32>,
    tpu.vector_store %arg13[%swap3A_1321], %shift_right_arithmetic3A_1320 {strides = array<i32>} : memref<128xi32, #tpu.memory_space<vmem>>, vector<16xi32>,
    %get3A_1323 = arith.constant 32 : index
    %get3A_1324 = tpu.vector_load %arg9[%get3A_1323] {strides = array<i32>} : memref<128xi32, #tpu.memory_space<vmem>>, vector<16xi32>,
    %shift_right_arithmetic3A_1325 = arith.constant 14 : i32
    %shift_right_arithmetic3A_1326 = vector.broadcast %shift_right_arithmetic3A_1325 : i32 to vector<16xi32>
    %shift_right_arithmetic3A_1327 = arith.shrsi %get3A_1324, %shift_right_arithmetic3A_1326 : vector<16xi32>
    %and3A_1328 = arith.constant 16383 : i32
    %and3A_1329 = vector.broadcast %and3A_1328 : i32 to vector<16xi32>
    %and3A_1330 = arith.andi %get3A_1324, %and3A_1329 : vector<16xi32>
    %shift_left3A_1331 = arith.constant 16 : i32
    %shift_left3A_1332 = vector.broadcast %shift_left3A_1331 : i32 to vector<16xi32>
    %shift_left3A_1333 = arith.shli %shift_right_arithmetic3A_1327, %shift_left3A_1332 : vector<16xi32>
    %and3A_1334 = arith.constant 8191 : i32
    %and3A_1335 = vector.broadcast %and3A_1334 : i32 to vector<16xi32>
    %and3A_1336 = arith.andi %and3A_1330, %and3A_1335 : vector<16xi32>
    %shift_left3A_1337 = arith.constant 3 : i32
    %shift_left3A_1338 = vector.broadcast %shift_left3A_1337 : i32 to vector<16xi32>
    %shift_left3A_1339 = arith.shli %and3A_1336, %shift_left3A_1338 : vector<16xi32>
    %add3A_1340 = arith.addi %shift_left3A_1333, %shift_left3A_1339 : vector<16xi32>
    %shift_right_arithmetic3A_1341 = arith.constant 13 : i32
    %shift_right_arithmetic3A_1342 = vector.broadcast %shift_right_arithmetic3A_1341 : i32 to vector<16xi32>
    %shift_right_arithmetic3A_1343 = arith.shrsi %and3A_1330, %shift_right_arithmetic3A_1342 : vector<16xi32>
    %shift_left3A_1344 = arith.constant 2 : i32
    %shift_left3A_1345 = vector.broadcast %shift_left3A_1344 : i32 to vector<16xi32>
    %shift_left3A_1346 = arith.shli %shift_right_arithmetic3A_1343, %shift_left3A_1345 : vector<16xi32>
    %add3A_1347 = arith.addi %add3A_1340, %shift_left3A_1346 : vector<16xi32>
    %mul3A_1348 = arith.constant 0 : i32
    %mul3A_1349 = vector.broadcast %mul3A_1348 : i32 to vector<16xi32>
    %mul3A_1350 = arith.muli %iota3A, %mul3A_1349 : vector<16xi32>
    %add3A_1351 = arith.constant 2 : i32
    %add3A_1352 = vector.broadcast %add3A_1351 : i32 to vector<16xi32>
    %add3A_1353 = arith.addi %mul3A_1350, %add3A_1352 : vector<16xi32>
    %mul3A_1354 = arith.constant 8 : i32
    %mul3A_1355 = vector.broadcast %mul3A_1354 : i32 to vector<16xi32>
    %mul3A_1356 = arith.muli %iota3A, %mul3A_1355 : vector<16xi32>
    %add3A_1357 = arith.constant 0 : i32
    %add3A_1358 = vector.broadcast %add3A_1357 : i32 to vector<16xi32>
    %add3A_1359 = arith.addi %mul3A_1356, %add3A_1358 : vector<16xi32>
    %add3A_1360 = arith.constant 0 : i32
    %add3A_1361 = vector.broadcast %add3A_1360 : i32 to vector<16xi32>
    %add3A_1362 = arith.addi %add3A_1347, %add3A_1361 : vector<16xi32>
    tpu.vector_store_idx %arg11[%add3A_1353, %add3A_1359], %add3A_1362 : memref<8x128xi32, #tpu.memory_space<vmem>>[vector<16xi32>, vector<16xi32>], vector<16xi32>,
    %mul3A_1363 = arith.constant 8 : i32
    %mul3A_1364 = vector.broadcast %mul3A_1363 : i32 to vector<16xi32>
    %mul3A_1365 = arith.muli %iota3A, %mul3A_1364 : vector<16xi32>
    %add3A_1366 = arith.constant 1 : i32
    %add3A_1367 = vector.broadcast %add3A_1366 : i32 to vector<16xi32>
    %add3A_1368 = arith.addi %mul3A_1365, %add3A_1367 : vector<16xi32>
    %add3A_1369 = arith.constant 1 : i32
    %add3A_1370 = vector.broadcast %add3A_1369 : i32 to vector<16xi32>
    %add3A_1371 = arith.addi %add3A_1347, %add3A_1370 : vector<16xi32>
    tpu.vector_store_idx %arg11[%add3A_1353, %add3A_1368], %add3A_1371 : memref<8x128xi32, #tpu.memory_space<vmem>>[vector<16xi32>, vector<16xi32>], vector<16xi32>,
    %mul3A_1372 = arith.constant 8 : i32
    %mul3A_1373 = vector.broadcast %mul3A_1372 : i32 to vector<16xi32>
    %mul3A_1374 = arith.muli %iota3A, %mul3A_1373 : vector<16xi32>
    %add3A_1375 = arith.constant 2 : i32
    %add3A_1376 = vector.broadcast %add3A_1375 : i32 to vector<16xi32>
    %add3A_1377 = arith.addi %mul3A_1374, %add3A_1376 : vector<16xi32>
    %add3A_1378 = arith.constant 2 : i32
    %add3A_1379 = vector.broadcast %add3A_1378 : i32 to vector<16xi32>
    %add3A_1380 = arith.addi %add3A_1347, %add3A_1379 : vector<16xi32>
    tpu.vector_store_idx %arg11[%add3A_1353, %add3A_1377], %add3A_1380 : memref<8x128xi32, #tpu.memory_space<vmem>>[vector<16xi32>, vector<16xi32>], vector<16xi32>,
    %mul3A_1381 = arith.constant 8 : i32
    %mul3A_1382 = vector.broadcast %mul3A_1381 : i32 to vector<16xi32>
    %mul3A_1383 = arith.muli %iota3A, %mul3A_1382 : vector<16xi32>
    %add3A_1384 = arith.constant 3 : i32
    %add3A_1385 = vector.broadcast %add3A_1384 : i32 to vector<16xi32>
    %add3A_1386 = arith.addi %mul3A_1383, %add3A_1385 : vector<16xi32>
    %add3A_1387 = arith.constant 3 : i32
    %add3A_1388 = vector.broadcast %add3A_1387 : i32 to vector<16xi32>
    %add3A_1389 = arith.addi %add3A_1347, %add3A_1388 : vector<16xi32>
    tpu.vector_store_idx %arg11[%add3A_1353, %add3A_1386], %add3A_1389 : memref<8x128xi32, #tpu.memory_space<vmem>>[vector<16xi32>, vector<16xi32>], vector<16xi32>,
    %mul3A_1390 = arith.constant 8 : i32
    %mul3A_1391 = vector.broadcast %mul3A_1390 : i32 to vector<16xi32>
    %mul3A_1392 = arith.muli %iota3A, %mul3A_1391 : vector<16xi32>
    %add3A_1393 = arith.constant 4 : i32
    %add3A_1394 = vector.broadcast %add3A_1393 : i32 to vector<16xi32>
    %add3A_1395 = arith.addi %mul3A_1392, %add3A_1394 : vector<16xi32>
    tpu.vector_store_idx %arg11[%add3A_1353, %add3A_1395], %add3A_1347 : memref<8x128xi32, #tpu.memory_space<vmem>>[vector<16xi32>, vector<16xi32>], vector<16xi32>,
    %mul3A_1396 = arith.constant 8 : i32
    %mul3A_1397 = vector.broadcast %mul3A_1396 : i32 to vector<16xi32>
    %mul3A_1398 = arith.muli %iota3A, %mul3A_1397 : vector<16xi32>
    %add3A_1399 = arith.constant 5 : i32
    %add3A_1400 = vector.broadcast %add3A_1399 : i32 to vector<16xi32>
    %add3A_1401 = arith.addi %mul3A_1398, %add3A_1400 : vector<16xi32>
    tpu.vector_store_idx %arg11[%add3A_1353, %add3A_1401], %add3A_1347 : memref<8x128xi32, #tpu.memory_space<vmem>>[vector<16xi32>, vector<16xi32>], vector<16xi32>,
    %mul3A_1402 = arith.constant 8 : i32
    %mul3A_1403 = vector.broadcast %mul3A_1402 : i32 to vector<16xi32>
    %mul3A_1404 = arith.muli %iota3A, %mul3A_1403 : vector<16xi32>
    %add3A_1405 = arith.constant 6 : i32
    %add3A_1406 = vector.broadcast %add3A_1405 : i32 to vector<16xi32>
    %add3A_1407 = arith.addi %mul3A_1404, %add3A_1406 : vector<16xi32>
    tpu.vector_store_idx %arg11[%add3A_1353, %add3A_1407], %add3A_1347 : memref<8x128xi32, #tpu.memory_space<vmem>>[vector<16xi32>, vector<16xi32>], vector<16xi32>,
    %mul3A_1408 = arith.constant 8 : i32
    %mul3A_1409 = vector.broadcast %mul3A_1408 : i32 to vector<16xi32>
    %mul3A_1410 = arith.muli %iota3A, %mul3A_1409 : vector<16xi32>
    %add3A_1411 = arith.constant 7 : i32
    %add3A_1412 = vector.broadcast %add3A_1411 : i32 to vector<16xi32>
    %add3A_1413 = arith.addi %mul3A_1410, %add3A_1412 : vector<16xi32>
    tpu.vector_store_idx %arg11[%add3A_1353, %add3A_1413], %add3A_1347 : memref<8x128xi32, #tpu.memory_space<vmem>>[vector<16xi32>, vector<16xi32>], vector<16xi32>,
    %shift_right_arithmetic3A_1414 = arith.constant 7 : i32
    %shift_right_arithmetic3A_1415 = vector.broadcast %shift_right_arithmetic3A_1414 : i32 to vector<16xi32>
    %shift_right_arithmetic3A_1416 = arith.shrsi %get3A_1324, %shift_right_arithmetic3A_1415 : vector<16xi32>
    %swap3A_1417 = arith.constant 32 : index
    %swap3A_1418 = tpu.vector_load %arg13[%swap3A_1417] {strides = array<i32>} : memref<128xi32, #tpu.memory_space<vmem>>, vector<16xi32>,
    tpu.vector_store %arg13[%swap3A_1417], %shift_right_arithmetic3A_1416 {strides = array<i32>} : memref<128xi32, #tpu.memory_space<vmem>>, vector<16xi32>,
    %get3A_1419 = arith.constant 48 : index
    %get3A_1420 = tpu.vector_load %arg9[%get3A_1419] {strides = array<i32>} : memref<128xi32, #tpu.memory_space<vmem>>, vector<16xi32>,
    %shift_right_arithmetic3A_1421 = arith.constant 14 : i32
    %shift_right_arithmetic3A_1422 = vector.broadcast %shift_right_arithmetic3A_1421 : i32 to vector<16xi32>
    %shift_right_arithmetic3A_1423 = arith.shrsi %get3A_1420, %shift_right_arithmetic3A_1422 : vector<16xi32>
    %and3A_1424 = arith.constant 16383 : i32
    %and3A_1425 = vector.broadcast %and3A_1424 : i32 to vector<16xi32>
    %and3A_1426 = arith.andi %get3A_1420, %and3A_1425 : vector<16xi32>
    %shift_left3A_1427 = arith.constant 16 : i32
    %shift_left3A_1428 = vector.broadcast %shift_left3A_1427 : i32 to vector<16xi32>
    %shift_left3A_1429 = arith.shli %shift_right_arithmetic3A_1423, %shift_left3A_1428 : vector<16xi32>
    %and3A_1430 = arith.constant 8191 : i32
    %and3A_1431 = vector.broadcast %and3A_1430 : i32 to vector<16xi32>
    %and3A_1432 = arith.andi %and3A_1426, %and3A_1431 : vector<16xi32>
    %shift_left3A_1433 = arith.constant 3 : i32
    %shift_left3A_1434 = vector.broadcast %shift_left3A_1433 : i32 to vector<16xi32>
    %shift_left3A_1435 = arith.shli %and3A_1432, %shift_left3A_1434 : vector<16xi32>
    %add3A_1436 = arith.addi %shift_left3A_1429, %shift_left3A_1435 : vector<16xi32>
    %shift_right_arithmetic3A_1437 = arith.constant 13 : i32
    %shift_right_arithmetic3A_1438 = vector.broadcast %shift_right_arithmetic3A_1437 : i32 to vector<16xi32>
    %shift_right_arithmetic3A_1439 = arith.shrsi %and3A_1426, %shift_right_arithmetic3A_1438 : vector<16xi32>
    %shift_left3A_1440 = arith.constant 2 : i32
    %shift_left3A_1441 = vector.broadcast %shift_left3A_1440 : i32 to vector<16xi32>
    %shift_left3A_1442 = arith.shli %shift_right_arithmetic3A_1439, %shift_left3A_1441 : vector<16xi32>
    %add3A_1443 = arith.addi %add3A_1436, %shift_left3A_1442 : vector<16xi32>
    %mul3A_1444 = arith.constant 0 : i32
    %mul3A_1445 = vector.broadcast %mul3A_1444 : i32 to vector<16xi32>
    %mul3A_1446 = arith.muli %iota3A, %mul3A_1445 : vector<16xi32>
    %add3A_1447 = arith.constant 3 : i32
    %add3A_1448 = vector.broadcast %add3A_1447 : i32 to vector<16xi32>
    %add3A_1449 = arith.addi %mul3A_1446, %add3A_1448 : vector<16xi32>
    %mul3A_1450 = arith.constant 8 : i32
    %mul3A_1451 = vector.broadcast %mul3A_1450 : i32 to vector<16xi32>
    %mul3A_1452 = arith.muli %iota3A, %mul3A_1451 : vector<16xi32>
    %add3A_1453 = arith.constant 0 : i32
    %add3A_1454 = vector.broadcast %add3A_1453 : i32 to vector<16xi32>
    %add3A_1455 = arith.addi %mul3A_1452, %add3A_1454 : vector<16xi32>
    %add3A_1456 = arith.constant 0 : i32
    %add3A_1457 = vector.broadcast %add3A_1456 : i32 to vector<16xi32>
    %add3A_1458 = arith.addi %add3A_1443, %add3A_1457 : vector<16xi32>
    tpu.vector_store_idx %arg11[%add3A_1449, %add3A_1455], %add3A_1458 : memref<8x128xi32, #tpu.memory_space<vmem>>[vector<16xi32>, vector<16xi32>], vector<16xi32>,
    %mul3A_1459 = arith.constant 8 : i32
    %mul3A_1460 = vector.broadcast %mul3A_1459 : i32 to vector<16xi32>
    %mul3A_1461 = arith.muli %iota3A, %mul3A_1460 : vector<16xi32>
    %add3A_1462 = arith.constant 1 : i32
    %add3A_1463 = vector.broadcast %add3A_1462 : i32 to vector<16xi32>
    %add3A_1464 = arith.addi %mul3A_1461, %add3A_1463 : vector<16xi32>
    %add3A_1465 = arith.constant 1 : i32
    %add3A_1466 = vector.broadcast %add3A_1465 : i32 to vector<16xi32>
    %add3A_1467 = arith.addi %add3A_1443, %add3A_1466 : vector<16xi32>
    tpu.vector_store_idx %arg11[%add3A_1449, %add3A_1464], %add3A_1467 : memref<8x128xi32, #tpu.memory_space<vmem>>[vector<16xi32>, vector<16xi32>], vector<16xi32>,
    %mul3A_1468 = arith.constant 8 : i32
    %mul3A_1469 = vector.broadcast %mul3A_1468 : i32 to vector<16xi32>
    %mul3A_1470 = arith.muli %iota3A, %mul3A_1469 : vector<16xi32>
    %add3A_1471 = arith.constant 2 : i32
    %add3A_1472 = vector.broadcast %add3A_1471 : i32 to vector<16xi32>
    %add3A_1473 = arith.addi %mul3A_1470, %add3A_1472 : vector<16xi32>
    %add3A_1474 = arith.constant 2 : i32
    %add3A_1475 = vector.broadcast %add3A_1474 : i32 to vector<16xi32>
    %add3A_1476 = arith.addi %add3A_1443, %add3A_1475 : vector<16xi32>
    tpu.vector_store_idx %arg11[%add3A_1449, %add3A_1473], %add3A_1476 : memref<8x128xi32, #tpu.memory_space<vmem>>[vector<16xi32>, vector<16xi32>], vector<16xi32>,
    %mul3A_1477 = arith.constant 8 : i32
    %mul3A_1478 = vector.broadcast %mul3A_1477 : i32 to vector<16xi32>
    %mul3A_1479 = arith.muli %iota3A, %mul3A_1478 : vector<16xi32>
    %add3A_1480 = arith.constant 3 : i32
    %add3A_1481 = vector.broadcast %add3A_1480 : i32 to vector<16xi32>
    %add3A_1482 = arith.addi %mul3A_1479, %add3A_1481 : vector<16xi32>
    %add3A_1483 = arith.constant 3 : i32
    %add3A_1484 = vector.broadcast %add3A_1483 : i32 to vector<16xi32>
    %add3A_1485 = arith.addi %add3A_1443, %add3A_1484 : vector<16xi32>
    tpu.vector_store_idx %arg11[%add3A_1449, %add3A_1482], %add3A_1485 : memref<8x128xi32, #tpu.memory_space<vmem>>[vector<16xi32>, vector<16xi32>], vector<16xi32>,
    %mul3A_1486 = arith.constant 8 : i32
    %mul3A_1487 = vector.broadcast %mul3A_1486 : i32 to vector<16xi32>
    %mul3A_1488 = arith.muli %iota3A, %mul3A_1487 : vector<16xi32>
    %add3A_1489 = arith.constant 4 : i32
    %add3A_1490 = vector.broadcast %add3A_1489 : i32 to vector<16xi32>
    %add3A_1491 = arith.addi %mul3A_1488, %add3A_1490 : vector<16xi32>
    tpu.vector_store_idx %arg11[%add3A_1449, %add3A_1491], %add3A_1443 : memref<8x128xi32, #tpu.memory_space<vmem>>[vector<16xi32>, vector<16xi32>], vector<16xi32>,
    %mul3A_1492 = arith.constant 8 : i32
    %mul3A_1493 = vector.broadcast %mul3A_1492 : i32 to vector<16xi32>
    %mul3A_1494 = arith.muli %iota3A, %mul3A_1493 : vector<16xi32>
    %add3A_1495 = arith.constant 5 : i32
    %add3A_1496 = vector.broadcast %add3A_1495 : i32 to vector<16xi32>
    %add3A_1497 = arith.addi %mul3A_1494, %add3A_1496 : vector<16xi32>
    tpu.vector_store_idx %arg11[%add3A_1449, %add3A_1497], %add3A_1443 : memref<8x128xi32, #tpu.memory_space<vmem>>[vector<16xi32>, vector<16xi32>], vector<16xi32>,
    %mul3A_1498 = arith.constant 8 : i32
    %mul3A_1499 = vector.broadcast %mul3A_1498 : i32 to vector<16xi32>
    %mul3A_1500 = arith.muli %iota3A, %mul3A_1499 : vector<16xi32>
    %add3A_1501 = arith.constant 6 : i32
    %add3A_1502 = vector.broadcast %add3A_1501 : i32 to vector<16xi32>
    %add3A_1503 = arith.addi %mul3A_1500, %add3A_1502 : vector<16xi32>
    tpu.vector_store_idx %arg11[%add3A_1449, %add3A_1503], %add3A_1443 : memref<8x128xi32, #tpu.memory_space<vmem>>[vector<16xi32>, vector<16xi32>], vector<16xi32>,
    %mul3A_1504 = arith.constant 8 : i32
    %mul3A_1505 = vector.broadcast %mul3A_1504 : i32 to vector<16xi32>
    %mul3A_1506 = arith.muli %iota3A, %mul3A_1505 : vector<16xi32>
    %add3A_1507 = arith.constant 7 : i32
    %add3A_1508 = vector.broadcast %add3A_1507 : i32 to vector<16xi32>
    %add3A_1509 = arith.addi %mul3A_1506, %add3A_1508 : vector<16xi32>
    tpu.vector_store_idx %arg11[%add3A_1449, %add3A_1509], %add3A_1443 : memref<8x128xi32, #tpu.memory_space<vmem>>[vector<16xi32>, vector<16xi32>], vector<16xi32>,
    %shift_right_arithmetic3A_1510 = arith.constant 7 : i32
    %shift_right_arithmetic3A_1511 = vector.broadcast %shift_right_arithmetic3A_1510 : i32 to vector<16xi32>
    %shift_right_arithmetic3A_1512 = arith.shrsi %get3A_1420, %shift_right_arithmetic3A_1511 : vector<16xi32>
    %swap3A_1513 = arith.constant 48 : index
    %swap3A_1514 = tpu.vector_load %arg13[%swap3A_1513] {strides = array<i32>} : memref<128xi32, #tpu.memory_space<vmem>>, vector<16xi32>,
    tpu.vector_store %arg13[%swap3A_1513], %shift_right_arithmetic3A_1512 {strides = array<i32>} : memref<128xi32, #tpu.memory_space<vmem>>, vector<16xi32>,
    %get3A_1515 = arith.constant 64 : index
    %get3A_1516 = tpu.vector_load %arg9[%get3A_1515] {strides = array<i32>} : memref<128xi32, #tpu.memory_space<vmem>>, vector<16xi32>,
    %shift_right_arithmetic3A_1517 = arith.constant 14 : i32
    %shift_right_arithmetic3A_1518 = vector.broadcast %shift_right_arithmetic3A_1517 : i32 to vector<16xi32>
    %shift_right_arithmetic3A_1519 = arith.shrsi %get3A_1516, %shift_right_arithmetic3A_1518 : vector<16xi32>
    %and3A_1520 = arith.constant 16383 : i32
    %and3A_1521 = vector.broadcast %and3A_1520 : i32 to vector<16xi32>
    %and3A_1522 = arith.andi %get3A_1516, %and3A_1521 : vector<16xi32>
    %shift_left3A_1523 = arith.constant 16 : i32
    %shift_left3A_1524 = vector.broadcast %shift_left3A_1523 : i32 to vector<16xi32>
    %shift_left3A_1525 = arith.shli %shift_right_arithmetic3A_1519, %shift_left3A_1524 : vector<16xi32>
    %and3A_1526 = arith.constant 8191 : i32
    %and3A_1527 = vector.broadcast %and3A_1526 : i32 to vector<16xi32>
    %and3A_1528 = arith.andi %and3A_1522, %and3A_1527 : vector<16xi32>
    %shift_left3A_1529 = arith.constant 3 : i32
    %shift_left3A_1530 = vector.broadcast %shift_left3A_1529 : i32 to vector<16xi32>
    %shift_left3A_1531 = arith.shli %and3A_1528, %shift_left3A_1530 : vector<16xi32>
    %add3A_1532 = arith.addi %shift_left3A_1525, %shift_left3A_1531 : vector<16xi32>
    %shift_right_arithmetic3A_1533 = arith.constant 13 : i32
    %shift_right_arithmetic3A_1534 = vector.broadcast %shift_right_arithmetic3A_1533 : i32 to vector<16xi32>
    %shift_right_arithmetic3A_1535 = arith.shrsi %and3A_1522, %shift_right_arithmetic3A_1534 : vector<16xi32>
    %shift_left3A_1536 = arith.constant 2 : i32
    %shift_left3A_1537 = vector.broadcast %shift_left3A_1536 : i32 to vector<16xi32>
    %shift_left3A_1538 = arith.shli %shift_right_arithmetic3A_1535, %shift_left3A_1537 : vector<16xi32>
    %add3A_1539 = arith.addi %add3A_1532, %shift_left3A_1538 : vector<16xi32>
    %mul3A_1540 = arith.constant 0 : i32
    %mul3A_1541 = vector.broadcast %mul3A_1540 : i32 to vector<16xi32>
    %mul3A_1542 = arith.muli %iota3A, %mul3A_1541 : vector<16xi32>
    %add3A_1543 = arith.constant 4 : i32
    %add3A_1544 = vector.broadcast %add3A_1543 : i32 to vector<16xi32>
    %add3A_1545 = arith.addi %mul3A_1542, %add3A_1544 : vector<16xi32>
    %mul3A_1546 = arith.constant 8 : i32
    %mul3A_1547 = vector.broadcast %mul3A_1546 : i32 to vector<16xi32>
    %mul3A_1548 = arith.muli %iota3A, %mul3A_1547 : vector<16xi32>
    %add3A_1549 = arith.constant 0 : i32
    %add3A_1550 = vector.broadcast %add3A_1549 : i32 to vector<16xi32>
    %add3A_1551 = arith.addi %mul3A_1548, %add3A_1550 : vector<16xi32>
    %add3A_1552 = arith.constant 0 : i32
    %add3A_1553 = vector.broadcast %add3A_1552 : i32 to vector<16xi32>
    %add3A_1554 = arith.addi %add3A_1539, %add3A_1553 : vector<16xi32>
    tpu.vector_store_idx %arg11[%add3A_1545, %add3A_1551], %add3A_1554 : memref<8x128xi32, #tpu.memory_space<vmem>>[vector<16xi32>, vector<16xi32>], vector<16xi32>,
    %mul3A_1555 = arith.constant 8 : i32
    %mul3A_1556 = vector.broadcast %mul3A_1555 : i32 to vector<16xi32>
    %mul3A_1557 = arith.muli %iota3A, %mul3A_1556 : vector<16xi32>
    %add3A_1558 = arith.constant 1 : i32
    %add3A_1559 = vector.broadcast %add3A_1558 : i32 to vector<16xi32>
    %add3A_1560 = arith.addi %mul3A_1557, %add3A_1559 : vector<16xi32>
    %add3A_1561 = arith.constant 1 : i32
    %add3A_1562 = vector.broadcast %add3A_1561 : i32 to vector<16xi32>
    %add3A_1563 = arith.addi %add3A_1539, %add3A_1562 : vector<16xi32>
    tpu.vector_store_idx %arg11[%add3A_1545, %add3A_1560], %add3A_1563 : memref<8x128xi32, #tpu.memory_space<vmem>>[vector<16xi32>, vector<16xi32>], vector<16xi32>,
    %mul3A_1564 = arith.constant 8 : i32
    %mul3A_1565 = vector.broadcast %mul3A_1564 : i32 to vector<16xi32>
    %mul3A_1566 = arith.muli %iota3A, %mul3A_1565 : vector<16xi32>
    %add3A_1567 = arith.constant 2 : i32
    %add3A_1568 = vector.broadcast %add3A_1567 : i32 to vector<16xi32>
    %add3A_1569 = arith.addi %mul3A_1566, %add3A_1568 : vector<16xi32>
    %add3A_1570 = arith.constant 2 : i32
    %add3A_1571 = vector.broadcast %add3A_1570 : i32 to vector<16xi32>
    %add3A_1572 = arith.addi %add3A_1539, %add3A_1571 : vector<16xi32>
    tpu.vector_store_idx %arg11[%add3A_1545, %add3A_1569], %add3A_1572 : memref<8x128xi32, #tpu.memory_space<vmem>>[vector<16xi32>, vector<16xi32>], vector<16xi32>,
    %mul3A_1573 = arith.constant 8 : i32
    %mul3A_1574 = vector.broadcast %mul3A_1573 : i32 to vector<16xi32>
    %mul3A_1575 = arith.muli %iota3A, %mul3A_1574 : vector<16xi32>
    %add3A_1576 = arith.constant 3 : i32
    %add3A_1577 = vector.broadcast %add3A_1576 : i32 to vector<16xi32>
    %add3A_1578 = arith.addi %mul3A_1575, %add3A_1577 : vector<16xi32>
    %add3A_1579 = arith.constant 3 : i32
    %add3A_1580 = vector.broadcast %add3A_1579 : i32 to vector<16xi32>
    %add3A_1581 = arith.addi %add3A_1539, %add3A_1580 : vector<16xi32>
    tpu.vector_store_idx %arg11[%add3A_1545, %add3A_1578], %add3A_1581 : memref<8x128xi32, #tpu.memory_space<vmem>>[vector<16xi32>, vector<16xi32>], vector<16xi32>,
    %mul3A_1582 = arith.constant 8 : i32
    %mul3A_1583 = vector.broadcast %mul3A_1582 : i32 to vector<16xi32>
    %mul3A_1584 = arith.muli %iota3A, %mul3A_1583 : vector<16xi32>
    %add3A_1585 = arith.constant 4 : i32
    %add3A_1586 = vector.broadcast %add3A_1585 : i32 to vector<16xi32>
    %add3A_1587 = arith.addi %mul3A_1584, %add3A_1586 : vector<16xi32>
    tpu.vector_store_idx %arg11[%add3A_1545, %add3A_1587], %add3A_1539 : memref<8x128xi32, #tpu.memory_space<vmem>>[vector<16xi32>, vector<16xi32>], vector<16xi32>,
    %mul3A_1588 = arith.constant 8 : i32
    %mul3A_1589 = vector.broadcast %mul3A_1588 : i32 to vector<16xi32>
    %mul3A_1590 = arith.muli %iota3A, %mul3A_1589 : vector<16xi32>
    %add3A_1591 = arith.constant 5 : i32
    %add3A_1592 = vector.broadcast %add3A_1591 : i32 to vector<16xi32>
    %add3A_1593 = arith.addi %mul3A_1590, %add3A_1592 : vector<16xi32>
    tpu.vector_store_idx %arg11[%add3A_1545, %add3A_1593], %add3A_1539 : memref<8x128xi32, #tpu.memory_space<vmem>>[vector<16xi32>, vector<16xi32>], vector<16xi32>,
    %mul3A_1594 = arith.constant 8 : i32
    %mul3A_1595 = vector.broadcast %mul3A_1594 : i32 to vector<16xi32>
    %mul3A_1596 = arith.muli %iota3A, %mul3A_1595 : vector<16xi32>
    %add3A_1597 = arith.constant 6 : i32
    %add3A_1598 = vector.broadcast %add3A_1597 : i32 to vector<16xi32>
    %add3A_1599 = arith.addi %mul3A_1596, %add3A_1598 : vector<16xi32>
    tpu.vector_store_idx %arg11[%add3A_1545, %add3A_1599], %add3A_1539 : memref<8x128xi32, #tpu.memory_space<vmem>>[vector<16xi32>, vector<16xi32>], vector<16xi32>,
    %mul3A_1600 = arith.constant 8 : i32
    %mul3A_1601 = vector.broadcast %mul3A_1600 : i32 to vector<16xi32>
    %mul3A_1602 = arith.muli %iota3A, %mul3A_1601 : vector<16xi32>
    %add3A_1603 = arith.constant 7 : i32
    %add3A_1604 = vector.broadcast %add3A_1603 : i32 to vector<16xi32>
    %add3A_1605 = arith.addi %mul3A_1602, %add3A_1604 : vector<16xi32>
    tpu.vector_store_idx %arg11[%add3A_1545, %add3A_1605], %add3A_1539 : memref<8x128xi32, #tpu.memory_space<vmem>>[vector<16xi32>, vector<16xi32>], vector<16xi32>,
    %shift_right_arithmetic3A_1606 = arith.constant 7 : i32
    %shift_right_arithmetic3A_1607 = vector.broadcast %shift_right_arithmetic3A_1606 : i32 to vector<16xi32>
    %shift_right_arithmetic3A_1608 = arith.shrsi %get3A_1516, %shift_right_arithmetic3A_1607 : vector<16xi32>
    %swap3A_1609 = arith.constant 64 : index
    %swap3A_1610 = tpu.vector_load %arg13[%swap3A_1609] {strides = array<i32>} : memref<128xi32, #tpu.memory_space<vmem>>, vector<16xi32>,
    tpu.vector_store %arg13[%swap3A_1609], %shift_right_arithmetic3A_1608 {strides = array<i32>} : memref<128xi32, #tpu.memory_space<vmem>>, vector<16xi32>,
    %get3A_1611 = arith.constant 80 : index
    %get3A_1612 = tpu.vector_load %arg9[%get3A_1611] {strides = array<i32>} : memref<128xi32, #tpu.memory_space<vmem>>, vector<16xi32>,
    %shift_right_arithmetic3A_1613 = arith.constant 14 : i32
    %shift_right_arithmetic3A_1614 = vector.broadcast %shift_right_arithmetic3A_1613 : i32 to vector<16xi32>
    %shift_right_arithmetic3A_1615 = arith.shrsi %get3A_1612, %shift_right_arithmetic3A_1614 : vector<16xi32>
    %and3A_1616 = arith.constant 16383 : i32
    %and3A_1617 = vector.broadcast %and3A_1616 : i32 to vector<16xi32>
    %and3A_1618 = arith.andi %get3A_1612, %and3A_1617 : vector<16xi32>
    %shift_left3A_1619 = arith.constant 16 : i32
    %shift_left3A_1620 = vector.broadcast %shift_left3A_1619 : i32 to vector<16xi32>
    %shift_left3A_1621 = arith.shli %shift_right_arithmetic3A_1615, %shift_left3A_1620 : vector<16xi32>
    %and3A_1622 = arith.constant 8191 : i32
    %and3A_1623 = vector.broadcast %and3A_1622 : i32 to vector<16xi32>
    %and3A_1624 = arith.andi %and3A_1618, %and3A_1623 : vector<16xi32>
    %shift_left3A_1625 = arith.constant 3 : i32
    %shift_left3A_1626 = vector.broadcast %shift_left3A_1625 : i32 to vector<16xi32>
    %shift_left3A_1627 = arith.shli %and3A_1624, %shift_left3A_1626 : vector<16xi32>
    %add3A_1628 = arith.addi %shift_left3A_1621, %shift_left3A_1627 : vector<16xi32>
    %shift_right_arithmetic3A_1629 = arith.constant 13 : i32
    %shift_right_arithmetic3A_1630 = vector.broadcast %shift_right_arithmetic3A_1629 : i32 to vector<16xi32>
    %shift_right_arithmetic3A_1631 = arith.shrsi %and3A_1618, %shift_right_arithmetic3A_1630 : vector<16xi32>
    %shift_left3A_1632 = arith.constant 2 : i32
    %shift_left3A_1633 = vector.broadcast %shift_left3A_1632 : i32 to vector<16xi32>
    %shift_left3A_1634 = arith.shli %shift_right_arithmetic3A_1631, %shift_left3A_1633 : vector<16xi32>
    %add3A_1635 = arith.addi %add3A_1628, %shift_left3A_1634 : vector<16xi32>
    %mul3A_1636 = arith.constant 0 : i32
    %mul3A_1637 = vector.broadcast %mul3A_1636 : i32 to vector<16xi32>
    %mul3A_1638 = arith.muli %iota3A, %mul3A_1637 : vector<16xi32>
    %add3A_1639 = arith.constant 5 : i32
    %add3A_1640 = vector.broadcast %add3A_1639 : i32 to vector<16xi32>
    %add3A_1641 = arith.addi %mul3A_1638, %add3A_1640 : vector<16xi32>
    %mul3A_1642 = arith.constant 8 : i32
    %mul3A_1643 = vector.broadcast %mul3A_1642 : i32 to vector<16xi32>
    %mul3A_1644 = arith.muli %iota3A, %mul3A_1643 : vector<16xi32>
    %add3A_1645 = arith.constant 0 : i32
    %add3A_1646 = vector.broadcast %add3A_1645 : i32 to vector<16xi32>
    %add3A_1647 = arith.addi %mul3A_1644, %add3A_1646 : vector<16xi32>
    %add3A_1648 = arith.constant 0 : i32
    %add3A_1649 = vector.broadcast %add3A_1648 : i32 to vector<16xi32>
    %add3A_1650 = arith.addi %add3A_1635, %add3A_1649 : vector<16xi32>
    tpu.vector_store_idx %arg11[%add3A_1641, %add3A_1647], %add3A_1650 : memref<8x128xi32, #tpu.memory_space<vmem>>[vector<16xi32>, vector<16xi32>], vector<16xi32>,
    %mul3A_1651 = arith.constant 8 : i32
    %mul3A_1652 = vector.broadcast %mul3A_1651 : i32 to vector<16xi32>
    %mul3A_1653 = arith.muli %iota3A, %mul3A_1652 : vector<16xi32>
    %add3A_1654 = arith.constant 1 : i32
    %add3A_1655 = vector.broadcast %add3A_1654 : i32 to vector<16xi32>
    %add3A_1656 = arith.addi %mul3A_1653, %add3A_1655 : vector<16xi32>
    %add3A_1657 = arith.constant 1 : i32
    %add3A_1658 = vector.broadcast %add3A_1657 : i32 to vector<16xi32>
    %add3A_1659 = arith.addi %add3A_1635, %add3A_1658 : vector<16xi32>
    tpu.vector_store_idx %arg11[%add3A_1641, %add3A_1656], %add3A_1659 : memref<8x128xi32, #tpu.memory_space<vmem>>[vector<16xi32>, vector<16xi32>], vector<16xi32>,
    %mul3A_1660 = arith.constant 8 : i32
    %mul3A_1661 = vector.broadcast %mul3A_1660 : i32 to vector<16xi32>
    %mul3A_1662 = arith.muli %iota3A, %mul3A_1661 : vector<16xi32>
    %add3A_1663 = arith.constant 2 : i32
    %add3A_1664 = vector.broadcast %add3A_1663 : i32 to vector<16xi32>
    %add3A_1665 = arith.addi %mul3A_1662, %add3A_1664 : vector<16xi32>
    %add3A_1666 = arith.constant 2 : i32
    %add3A_1667 = vector.broadcast %add3A_1666 : i32 to vector<16xi32>
    %add3A_1668 = arith.addi %add3A_1635, %add3A_1667 : vector<16xi32>
    tpu.vector_store_idx %arg11[%add3A_1641, %add3A_1665], %add3A_1668 : memref<8x128xi32, #tpu.memory_space<vmem>>[vector<16xi32>, vector<16xi32>], vector<16xi32>,
    %mul3A_1669 = arith.constant 8 : i32
    %mul3A_1670 = vector.broadcast %mul3A_1669 : i32 to vector<16xi32>
    %mul3A_1671 = arith.muli %iota3A, %mul3A_1670 : vector<16xi32>
    %add3A_1672 = arith.constant 3 : i32
    %add3A_1673 = vector.broadcast %add3A_1672 : i32 to vector<16xi32>
    %add3A_1674 = arith.addi %mul3A_1671, %add3A_1673 : vector<16xi32>
    %add3A_1675 = arith.constant 3 : i32
    %add3A_1676 = vector.broadcast %add3A_1675 : i32 to vector<16xi32>
    %add3A_1677 = arith.addi %add3A_1635, %add3A_1676 : vector<16xi32>
    tpu.vector_store_idx %arg11[%add3A_1641, %add3A_1674], %add3A_1677 : memref<8x128xi32, #tpu.memory_space<vmem>>[vector<16xi32>, vector<16xi32>], vector<16xi32>,
    %mul3A_1678 = arith.constant 8 : i32
    %mul3A_1679 = vector.broadcast %mul3A_1678 : i32 to vector<16xi32>
    %mul3A_1680 = arith.muli %iota3A, %mul3A_1679 : vector<16xi32>
    %add3A_1681 = arith.constant 4 : i32
    %add3A_1682 = vector.broadcast %add3A_1681 : i32 to vector<16xi32>
    %add3A_1683 = arith.addi %mul3A_1680, %add3A_1682 : vector<16xi32>
    tpu.vector_store_idx %arg11[%add3A_1641, %add3A_1683], %add3A_1635 : memref<8x128xi32, #tpu.memory_space<vmem>>[vector<16xi32>, vector<16xi32>], vector<16xi32>,
    %mul3A_1684 = arith.constant 8 : i32
    %mul3A_1685 = vector.broadcast %mul3A_1684 : i32 to vector<16xi32>
    %mul3A_1686 = arith.muli %iota3A, %mul3A_1685 : vector<16xi32>
    %add3A_1687 = arith.constant 5 : i32
    %add3A_1688 = vector.broadcast %add3A_1687 : i32 to vector<16xi32>
    %add3A_1689 = arith.addi %mul3A_1686, %add3A_1688 : vector<16xi32>
    tpu.vector_store_idx %arg11[%add3A_1641, %add3A_1689], %add3A_1635 : memref<8x128xi32, #tpu.memory_space<vmem>>[vector<16xi32>, vector<16xi32>], vector<16xi32>,
    %mul3A_1690 = arith.constant 8 : i32
    %mul3A_1691 = vector.broadcast %mul3A_1690 : i32 to vector<16xi32>
    %mul3A_1692 = arith.muli %iota3A, %mul3A_1691 : vector<16xi32>
    %add3A_1693 = arith.constant 6 : i32
    %add3A_1694 = vector.broadcast %add3A_1693 : i32 to vector<16xi32>
    %add3A_1695 = arith.addi %mul3A_1692, %add3A_1694 : vector<16xi32>
    tpu.vector_store_idx %arg11[%add3A_1641, %add3A_1695], %add3A_1635 : memref<8x128xi32, #tpu.memory_space<vmem>>[vector<16xi32>, vector<16xi32>], vector<16xi32>,
    %mul3A_1696 = arith.constant 8 : i32
    %mul3A_1697 = vector.broadcast %mul3A_1696 : i32 to vector<16xi32>
    %mul3A_1698 = arith.muli %iota3A, %mul3A_1697 : vector<16xi32>
    %add3A_1699 = arith.constant 7 : i32
    %add3A_1700 = vector.broadcast %add3A_1699 : i32 to vector<16xi32>
    %add3A_1701 = arith.addi %mul3A_1698, %add3A_1700 : vector<16xi32>
    tpu.vector_store_idx %arg11[%add3A_1641, %add3A_1701], %add3A_1635 : memref<8x128xi32, #tpu.memory_space<vmem>>[vector<16xi32>, vector<16xi32>], vector<16xi32>,
    %shift_right_arithmetic3A_1702 = arith.constant 7 : i32
    %shift_right_arithmetic3A_1703 = vector.broadcast %shift_right_arithmetic3A_1702 : i32 to vector<16xi32>
    %shift_right_arithmetic3A_1704 = arith.shrsi %get3A_1612, %shift_right_arithmetic3A_1703 : vector<16xi32>
    %swap3A_1705 = arith.constant 80 : index
    %swap3A_1706 = tpu.vector_load %arg13[%swap3A_1705] {strides = array<i32>} : memref<128xi32, #tpu.memory_space<vmem>>, vector<16xi32>,
    tpu.vector_store %arg13[%swap3A_1705], %shift_right_arithmetic3A_1704 {strides = array<i32>} : memref<128xi32, #tpu.memory_space<vmem>>, vector<16xi32>,
    %get3A_1707 = arith.constant 96 : index
    %get3A_1708 = tpu.vector_load %arg9[%get3A_1707] {strides = array<i32>} : memref<128xi32, #tpu.memory_space<vmem>>, vector<16xi32>,
    %shift_right_arithmetic3A_1709 = arith.constant 14 : i32
    %shift_right_arithmetic3A_1710 = vector.broadcast %shift_right_arithmetic3A_1709 : i32 to vector<16xi32>
    %shift_right_arithmetic3A_1711 = arith.shrsi %get3A_1708, %shift_right_arithmetic3A_1710 : vector<16xi32>
    %and3A_1712 = arith.constant 16383 : i32
    %and3A_1713 = vector.broadcast %and3A_1712 : i32 to vector<16xi32>
    %and3A_1714 = arith.andi %get3A_1708, %and3A_1713 : vector<16xi32>
    %shift_left3A_1715 = arith.constant 16 : i32
    %shift_left3A_1716 = vector.broadcast %shift_left3A_1715 : i32 to vector<16xi32>
    %shift_left3A_1717 = arith.shli %shift_right_arithmetic3A_1711, %shift_left3A_1716 : vector<16xi32>
    %and3A_1718 = arith.constant 8191 : i32
    %and3A_1719 = vector.broadcast %and3A_1718 : i32 to vector<16xi32>
    %and3A_1720 = arith.andi %and3A_1714, %and3A_1719 : vector<16xi32>
    %shift_left3A_1721 = arith.constant 3 : i32
    %shift_left3A_1722 = vector.broadcast %shift_left3A_1721 : i32 to vector<16xi32>
    %shift_left3A_1723 = arith.shli %and3A_1720, %shift_left3A_1722 : vector<16xi32>
    %add3A_1724 = arith.addi %shift_left3A_1717, %shift_left3A_1723 : vector<16xi32>
    %shift_right_arithmetic3A_1725 = arith.constant 13 : i32
    %shift_right_arithmetic3A_1726 = vector.broadcast %shift_right_arithmetic3A_1725 : i32 to vector<16xi32>
    %shift_right_arithmetic3A_1727 = arith.shrsi %and3A_1714, %shift_right_arithmetic3A_1726 : vector<16xi32>
    %shift_left3A_1728 = arith.constant 2 : i32
    %shift_left3A_1729 = vector.broadcast %shift_left3A_1728 : i32 to vector<16xi32>
    %shift_left3A_1730 = arith.shli %shift_right_arithmetic3A_1727, %shift_left3A_1729 : vector<16xi32>
    %add3A_1731 = arith.addi %add3A_1724, %shift_left3A_1730 : vector<16xi32>
    %mul3A_1732 = arith.constant 0 : i32
    %mul3A_1733 = vector.broadcast %mul3A_1732 : i32 to vector<16xi32>
    %mul3A_1734 = arith.muli %iota3A, %mul3A_1733 : vector<16xi32>
    %add3A_1735 = arith.constant 6 : i32
    %add3A_1736 = vector.broadcast %add3A_1735 : i32 to vector<16xi32>
    %add3A_1737 = arith.addi %mul3A_1734, %add3A_1736 : vector<16xi32>
    %mul3A_1738 = arith.constant 8 : i32
    %mul3A_1739 = vector.broadcast %mul3A_1738 : i32 to vector<16xi32>
    %mul3A_1740 = arith.muli %iota3A, %mul3A_1739 : vector<16xi32>
    %add3A_1741 = arith.constant 0 : i32
    %add3A_1742 = vector.broadcast %add3A_1741 : i32 to vector<16xi32>
    %add3A_1743 = arith.addi %mul3A_1740, %add3A_1742 : vector<16xi32>
    %add3A_1744 = arith.constant 0 : i32
    %add3A_1745 = vector.broadcast %add3A_1744 : i32 to vector<16xi32>
    %add3A_1746 = arith.addi %add3A_1731, %add3A_1745 : vector<16xi32>
    tpu.vector_store_idx %arg11[%add3A_1737, %add3A_1743], %add3A_1746 : memref<8x128xi32, #tpu.memory_space<vmem>>[vector<16xi32>, vector<16xi32>], vector<16xi32>,
    %mul3A_1747 = arith.constant 8 : i32
    %mul3A_1748 = vector.broadcast %mul3A_1747 : i32 to vector<16xi32>
    %mul3A_1749 = arith.muli %iota3A, %mul3A_1748 : vector<16xi32>
    %add3A_1750 = arith.constant 1 : i32
    %add3A_1751 = vector.broadcast %add3A_1750 : i32 to vector<16xi32>
    %add3A_1752 = arith.addi %mul3A_1749, %add3A_1751 : vector<16xi32>
    %add3A_1753 = arith.constant 1 : i32
    %add3A_1754 = vector.broadcast %add3A_1753 : i32 to vector<16xi32>
    %add3A_1755 = arith.addi %add3A_1731, %add3A_1754 : vector<16xi32>
    tpu.vector_store_idx %arg11[%add3A_1737, %add3A_1752], %add3A_1755 : memref<8x128xi32, #tpu.memory_space<vmem>>[vector<16xi32>, vector<16xi32>], vector<16xi32>,
    %mul3A_1756 = arith.constant 8 : i32
    %mul3A_1757 = vector.broadcast %mul3A_1756 : i32 to vector<16xi32>
    %mul3A_1758 = arith.muli %iota3A, %mul3A_1757 : vector<16xi32>
    %add3A_1759 = arith.constant 2 : i32
    %add3A_1760 = vector.broadcast %add3A_1759 : i32 to vector<16xi32>
    %add3A_1761 = arith.addi %mul3A_1758, %add3A_1760 : vector<16xi32>
    %add3A_1762 = arith.constant 2 : i32
    %add3A_1763 = vector.broadcast %add3A_1762 : i32 to vector<16xi32>
    %add3A_1764 = arith.addi %add3A_1731, %add3A_1763 : vector<16xi32>
    tpu.vector_store_idx %arg11[%add3A_1737, %add3A_1761], %add3A_1764 : memref<8x128xi32, #tpu.memory_space<vmem>>[vector<16xi32>, vector<16xi32>], vector<16xi32>,
    %mul3A_1765 = arith.constant 8 : i32
    %mul3A_1766 = vector.broadcast %mul3A_1765 : i32 to vector<16xi32>
    %mul3A_1767 = arith.muli %iota3A, %mul3A_1766 : vector<16xi32>
    %add3A_1768 = arith.constant 3 : i32
    %add3A_1769 = vector.broadcast %add3A_1768 : i32 to vector<16xi32>
    %add3A_1770 = arith.addi %mul3A_1767, %add3A_1769 : vector<16xi32>
    %add3A_1771 = arith.constant 3 : i32
    %add3A_1772 = vector.broadcast %add3A_1771 : i32 to vector<16xi32>
    %add3A_1773 = arith.addi %add3A_1731, %add3A_1772 : vector<16xi32>
    tpu.vector_store_idx %arg11[%add3A_1737, %add3A_1770], %add3A_1773 : memref<8x128xi32, #tpu.memory_space<vmem>>[vector<16xi32>, vector<16xi32>], vector<16xi32>,
    %mul3A_1774 = arith.constant 8 : i32
    %mul3A_1775 = vector.broadcast %mul3A_1774 : i32 to vector<16xi32>
    %mul3A_1776 = arith.muli %iota3A, %mul3A_1775 : vector<16xi32>
    %add3A_1777 = arith.constant 4 : i32
    %add3A_1778 = vector.broadcast %add3A_1777 : i32 to vector<16xi32>
    %add3A_1779 = arith.addi %mul3A_1776, %add3A_1778 : vector<16xi32>
    tpu.vector_store_idx %arg11[%add3A_1737, %add3A_1779], %add3A_1731 : memref<8x128xi32, #tpu.memory_space<vmem>>[vector<16xi32>, vector<16xi32>], vector<16xi32>,
    %mul3A_1780 = arith.constant 8 : i32
    %mul3A_1781 = vector.broadcast %mul3A_1780 : i32 to vector<16xi32>
    %mul3A_1782 = arith.muli %iota3A, %mul3A_1781 : vector<16xi32>
    %add3A_1783 = arith.constant 5 : i32
    %add3A_1784 = vector.broadcast %add3A_1783 : i32 to vector<16xi32>
    %add3A_1785 = arith.addi %mul3A_1782, %add3A_1784 : vector<16xi32>
    tpu.vector_store_idx %arg11[%add3A_1737, %add3A_1785], %add3A_1731 : memref<8x128xi32, #tpu.memory_space<vmem>>[vector<16xi32>, vector<16xi32>], vector<16xi32>,
    %mul3A_1786 = arith.constant 8 : i32
    %mul3A_1787 = vector.broadcast %mul3A_1786 : i32 to vector<16xi32>
    %mul3A_1788 = arith.muli %iota3A, %mul3A_1787 : vector<16xi32>
    %add3A_1789 = arith.constant 6 : i32
    %add3A_1790 = vector.broadcast %add3A_1789 : i32 to vector<16xi32>
    %add3A_1791 = arith.addi %mul3A_1788, %add3A_1790 : vector<16xi32>
    tpu.vector_store_idx %arg11[%add3A_1737, %add3A_1791], %add3A_1731 : memref<8x128xi32, #tpu.memory_space<vmem>>[vector<16xi32>, vector<16xi32>], vector<16xi32>,
    %mul3A_1792 = arith.constant 8 : i32
    %mul3A_1793 = vector.broadcast %mul3A_1792 : i32 to vector<16xi32>
    %mul3A_1794 = arith.muli %iota3A, %mul3A_1793 : vector<16xi32>
    %add3A_1795 = arith.constant 7 : i32
    %add3A_1796 = vector.broadcast %add3A_1795 : i32 to vector<16xi32>
    %add3A_1797 = arith.addi %mul3A_1794, %add3A_1796 : vector<16xi32>
    tpu.vector_store_idx %arg11[%add3A_1737, %add3A_1797], %add3A_1731 : memref<8x128xi32, #tpu.memory_space<vmem>>[vector<16xi32>, vector<16xi32>], vector<16xi32>,
    %shift_right_arithmetic3A_1798 = arith.constant 7 : i32
    %shift_right_arithmetic3A_1799 = vector.broadcast %shift_right_arithmetic3A_1798 : i32 to vector<16xi32>
    %shift_right_arithmetic3A_1800 = arith.shrsi %get3A_1708, %shift_right_arithmetic3A_1799 : vector<16xi32>
    %swap3A_1801 = arith.constant 96 : index
    %swap3A_1802 = tpu.vector_load %arg13[%swap3A_1801] {strides = array<i32>} : memref<128xi32, #tpu.memory_space<vmem>>, vector<16xi32>,
    tpu.vector_store %arg13[%swap3A_1801], %shift_right_arithmetic3A_1800 {strides = array<i32>} : memref<128xi32, #tpu.memory_space<vmem>>, vector<16xi32>,
    %get3A_1803 = arith.constant 112 : index
    %get3A_1804 = tpu.vector_load %arg9[%get3A_1803] {strides = array<i32>} : memref<128xi32, #tpu.memory_space<vmem>>, vector<16xi32>,
    %shift_right_arithmetic3A_1805 = arith.constant 14 : i32
    %shift_right_arithmetic3A_1806 = vector.broadcast %shift_right_arithmetic3A_1805 : i32 to vector<16xi32>
    %shift_right_arithmetic3A_1807 = arith.shrsi %get3A_1804, %shift_right_arithmetic3A_1806 : vector<16xi32>
    %and3A_1808 = arith.constant 16383 : i32
    %and3A_1809 = vector.broadcast %and3A_1808 : i32 to vector<16xi32>
    %and3A_1810 = arith.andi %get3A_1804, %and3A_1809 : vector<16xi32>
    %shift_left3A_1811 = arith.constant 16 : i32
    %shift_left3A_1812 = vector.broadcast %shift_left3A_1811 : i32 to vector<16xi32>
    %shift_left3A_1813 = arith.shli %shift_right_arithmetic3A_1807, %shift_left3A_1812 : vector<16xi32>
    %and3A_1814 = arith.constant 8191 : i32
    %and3A_1815 = vector.broadcast %and3A_1814 : i32 to vector<16xi32>
    %and3A_1816 = arith.andi %and3A_1810, %and3A_1815 : vector<16xi32>
    %shift_left3A_1817 = arith.constant 3 : i32
    %shift_left3A_1818 = vector.broadcast %shift_left3A_1817 : i32 to vector<16xi32>
    %shift_left3A_1819 = arith.shli %and3A_1816, %shift_left3A_1818 : vector<16xi32>
    %add3A_1820 = arith.addi %shift_left3A_1813, %shift_left3A_1819 : vector<16xi32>
    %shift_right_arithmetic3A_1821 = arith.constant 13 : i32
    %shift_right_arithmetic3A_1822 = vector.broadcast %shift_right_arithmetic3A_1821 : i32 to vector<16xi32>
    %shift_right_arithmetic3A_1823 = arith.shrsi %and3A_1810, %shift_right_arithmetic3A_1822 : vector<16xi32>
    %shift_left3A_1824 = arith.constant 2 : i32
    %shift_left3A_1825 = vector.broadcast %shift_left3A_1824 : i32 to vector<16xi32>
    %shift_left3A_1826 = arith.shli %shift_right_arithmetic3A_1823, %shift_left3A_1825 : vector<16xi32>
    %add3A_1827 = arith.addi %add3A_1820, %shift_left3A_1826 : vector<16xi32>
    %mul3A_1828 = arith.constant 0 : i32
    %mul3A_1829 = vector.broadcast %mul3A_1828 : i32 to vector<16xi32>
    %mul3A_1830 = arith.muli %iota3A, %mul3A_1829 : vector<16xi32>
    %add3A_1831 = arith.constant 7 : i32
    %add3A_1832 = vector.broadcast %add3A_1831 : i32 to vector<16xi32>
    %add3A_1833 = arith.addi %mul3A_1830, %add3A_1832 : vector<16xi32>
    %mul3A_1834 = arith.constant 8 : i32
    %mul3A_1835 = vector.broadcast %mul3A_1834 : i32 to vector<16xi32>
    %mul3A_1836 = arith.muli %iota3A, %mul3A_1835 : vector<16xi32>
    %add3A_1837 = arith.constant 0 : i32
    %add3A_1838 = vector.broadcast %add3A_1837 : i32 to vector<16xi32>
    %add3A_1839 = arith.addi %mul3A_1836, %add3A_1838 : vector<16xi32>
    %add3A_1840 = arith.constant 0 : i32
    %add3A_1841 = vector.broadcast %add3A_1840 : i32 to vector<16xi32>
    %add3A_1842 = arith.addi %add3A_1827, %add3A_1841 : vector<16xi32>
    tpu.vector_store_idx %arg11[%add3A_1833, %add3A_1839], %add3A_1842 : memref<8x128xi32, #tpu.memory_space<vmem>>[vector<16xi32>, vector<16xi32>], vector<16xi32>,
    %mul3A_1843 = arith.constant 8 : i32
    %mul3A_1844 = vector.broadcast %mul3A_1843 : i32 to vector<16xi32>
    %mul3A_1845 = arith.muli %iota3A, %mul3A_1844 : vector<16xi32>
    %add3A_1846 = arith.constant 1 : i32
    %add3A_1847 = vector.broadcast %add3A_1846 : i32 to vector<16xi32>
    %add3A_1848 = arith.addi %mul3A_1845, %add3A_1847 : vector<16xi32>
    %add3A_1849 = arith.constant 1 : i32
    %add3A_1850 = vector.broadcast %add3A_1849 : i32 to vector<16xi32>
    %add3A_1851 = arith.addi %add3A_1827, %add3A_1850 : vector<16xi32>
    tpu.vector_store_idx %arg11[%add3A_1833, %add3A_1848], %add3A_1851 : memref<8x128xi32, #tpu.memory_space<vmem>>[vector<16xi32>, vector<16xi32>], vector<16xi32>,
    %mul3A_1852 = arith.constant 8 : i32
    %mul3A_1853 = vector.broadcast %mul3A_1852 : i32 to vector<16xi32>
    %mul3A_1854 = arith.muli %iota3A, %mul3A_1853 : vector<16xi32>
    %add3A_1855 = arith.constant 2 : i32
    %add3A_1856 = vector.broadcast %add3A_1855 : i32 to vector<16xi32>
    %add3A_1857 = arith.addi %mul3A_1854, %add3A_1856 : vector<16xi32>
    %add3A_1858 = arith.constant 2 : i32
    %add3A_1859 = vector.broadcast %add3A_1858 : i32 to vector<16xi32>
    %add3A_1860 = arith.addi %add3A_1827, %add3A_1859 : vector<16xi32>
    tpu.vector_store_idx %arg11[%add3A_1833, %add3A_1857], %add3A_1860 : memref<8x128xi32, #tpu.memory_space<vmem>>[vector<16xi32>, vector<16xi32>], vector<16xi32>,
    %mul3A_1861 = arith.constant 8 : i32
    %mul3A_1862 = vector.broadcast %mul3A_1861 : i32 to vector<16xi32>
    %mul3A_1863 = arith.muli %iota3A, %mul3A_1862 : vector<16xi32>
    %add3A_1864 = arith.constant 3 : i32
    %add3A_1865 = vector.broadcast %add3A_1864 : i32 to vector<16xi32>
    %add3A_1866 = arith.addi %mul3A_1863, %add3A_1865 : vector<16xi32>
    %add3A_1867 = arith.constant 3 : i32
    %add3A_1868 = vector.broadcast %add3A_1867 : i32 to vector<16xi32>
    %add3A_1869 = arith.addi %add3A_1827, %add3A_1868 : vector<16xi32>
    tpu.vector_store_idx %arg11[%add3A_1833, %add3A_1866], %add3A_1869 : memref<8x128xi32, #tpu.memory_space<vmem>>[vector<16xi32>, vector<16xi32>], vector<16xi32>,
    %mul3A_1870 = arith.constant 8 : i32
    %mul3A_1871 = vector.broadcast %mul3A_1870 : i32 to vector<16xi32>
    %mul3A_1872 = arith.muli %iota3A, %mul3A_1871 : vector<16xi32>
    %add3A_1873 = arith.constant 4 : i32
    %add3A_1874 = vector.broadcast %add3A_1873 : i32 to vector<16xi32>
    %add3A_1875 = arith.addi %mul3A_1872, %add3A_1874 : vector<16xi32>
    tpu.vector_store_idx %arg11[%add3A_1833, %add3A_1875], %add3A_1827 : memref<8x128xi32, #tpu.memory_space<vmem>>[vector<16xi32>, vector<16xi32>], vector<16xi32>,
    %mul3A_1876 = arith.constant 8 : i32
    %mul3A_1877 = vector.broadcast %mul3A_1876 : i32 to vector<16xi32>
    %mul3A_1878 = arith.muli %iota3A, %mul3A_1877 : vector<16xi32>
    %add3A_1879 = arith.constant 5 : i32
    %add3A_1880 = vector.broadcast %add3A_1879 : i32 to vector<16xi32>
    %add3A_1881 = arith.addi %mul3A_1878, %add3A_1880 : vector<16xi32>
    tpu.vector_store_idx %arg11[%add3A_1833, %add3A_1881], %add3A_1827 : memref<8x128xi32, #tpu.memory_space<vmem>>[vector<16xi32>, vector<16xi32>], vector<16xi32>,
    %mul3A_1882 = arith.constant 8 : i32
    %mul3A_1883 = vector.broadcast %mul3A_1882 : i32 to vector<16xi32>
    %mul3A_1884 = arith.muli %iota3A, %mul3A_1883 : vector<16xi32>
    %add3A_1885 = arith.constant 6 : i32
    %add3A_1886 = vector.broadcast %add3A_1885 : i32 to vector<16xi32>
    %add3A_1887 = arith.addi %mul3A_1884, %add3A_1886 : vector<16xi32>
    tpu.vector_store_idx %arg11[%add3A_1833, %add3A_1887], %add3A_1827 : memref<8x128xi32, #tpu.memory_space<vmem>>[vector<16xi32>, vector<16xi32>], vector<16xi32>,
    %mul3A_1888 = arith.constant 8 : i32
    %mul3A_1889 = vector.broadcast %mul3A_1888 : i32 to vector<16xi32>
    %mul3A_1890 = arith.muli %iota3A, %mul3A_1889 : vector<16xi32>
    %add3A_1891 = arith.constant 7 : i32
    %add3A_1892 = vector.broadcast %add3A_1891 : i32 to vector<16xi32>
    %add3A_1893 = arith.addi %mul3A_1890, %add3A_1892 : vector<16xi32>
    tpu.vector_store_idx %arg11[%add3A_1833, %add3A_1893], %add3A_1827 : memref<8x128xi32, #tpu.memory_space<vmem>>[vector<16xi32>, vector<16xi32>], vector<16xi32>,
    %shift_right_arithmetic3A_1894 = arith.constant 7 : i32
    %shift_right_arithmetic3A_1895 = vector.broadcast %shift_right_arithmetic3A_1894 : i32 to vector<16xi32>
    %shift_right_arithmetic3A_1896 = arith.shrsi %get3A_1804, %shift_right_arithmetic3A_1895 : vector<16xi32>
    %swap3A_1897 = arith.constant 112 : index
    %swap3A_1898 = tpu.vector_load %arg13[%swap3A_1897] {strides = array<i32>} : memref<128xi32, #tpu.memory_space<vmem>>, vector<16xi32>,
    tpu.vector_store %arg13[%swap3A_1897], %shift_right_arithmetic3A_1896 {strides = array<i32>} : memref<128xi32, #tpu.memory_space<vmem>>, vector<16xi32>,
    %dma_start3A_1899 = arith.constant 0 : i32
    %dma_start3A_1900 = arith.constant 0 : i32
    %dma_start3A_1901 = arith.constant 0 : i32
    %dma_start3A_1902 = tpu.memref_slice %arg15[%dma_start3A_1900, %dma_start3A_1901] : memref<1024x16xf32, #tpu.memory_space<vmem>> -> memref<128x16xf32, #tpu.memory_space<vmem>>
    %dma_start3A_1903 = arith.constant 0 : i32
    %dma_start3A_1904 = tpu.memref_slice %arg11[%dma_start3A_1899, %dma_start3A_1903] : memref<8x128xi32, #tpu.memory_space<vmem>> -> memref<1x128xi32, #tpu.memory_space<vmem>>
    %dma_start3A_1905 = tpu.memref_squeeze %dma_start3A_1904 : memref<1x128xi32, #tpu.memory_space<vmem>> -> memref<128xi32, #tpu.memory_space<vmem>>
    %dma_start3A_1906 = arith.constant 0 : i32
    %dma_start3A_1907 = arith.constant 0 : i32
    %dma_start3A_1908 = tpu.memref_slice %arg4[%dma_start3A_1906, %dma_start3A_1907] : memref<851968x16xf32, #tpu.memory_space<hbm>> -> memref<851968x16xf32, #tpu.memory_space<hbm>>
    tpu.enqueue_indirect_dma source(%dma_start3A_1908 : memref<851968x16xf32, #tpu.memory_space<hbm>>) target(%dma_start3A_1902 : memref<128x16xf32, #tpu.memory_space<vmem>>) offsets(%dma_start3A_1905 : memref<128xi32, #tpu.memory_space<vmem>>) semaphore(%arg19 : memref<!tpu.dma_semaphore, #tpu.memory_space<semaphore_mem>>)
    %dma_start3A_1909 = arith.constant 1 : i32
    %dma_start3A_1910 = arith.constant 128 : i32
    %dma_start3A_1911 = arith.constant 0 : i32
    %dma_start3A_1912 = tpu.memref_slice %arg15[%dma_start3A_1910, %dma_start3A_1911] : memref<1024x16xf32, #tpu.memory_space<vmem>> -> memref<128x16xf32, #tpu.memory_space<vmem>>
    %dma_start3A_1913 = arith.constant 0 : i32
    %dma_start3A_1914 = tpu.memref_slice %arg11[%dma_start3A_1909, %dma_start3A_1913] : memref<8x128xi32, #tpu.memory_space<vmem>> -> memref<1x128xi32, #tpu.memory_space<vmem>>
    %dma_start3A_1915 = tpu.memref_squeeze %dma_start3A_1914 : memref<1x128xi32, #tpu.memory_space<vmem>> -> memref<128xi32, #tpu.memory_space<vmem>>
    %dma_start3A_1916 = arith.constant 0 : i32
    %dma_start3A_1917 = arith.constant 0 : i32
    %dma_start3A_1918 = tpu.memref_slice %arg4[%dma_start3A_1916, %dma_start3A_1917] : memref<851968x16xf32, #tpu.memory_space<hbm>> -> memref<851968x16xf32, #tpu.memory_space<hbm>>
    tpu.enqueue_indirect_dma source(%dma_start3A_1918 : memref<851968x16xf32, #tpu.memory_space<hbm>>) target(%dma_start3A_1912 : memref<128x16xf32, #tpu.memory_space<vmem>>) offsets(%dma_start3A_1915 : memref<128xi32, #tpu.memory_space<vmem>>) semaphore(%arg19 : memref<!tpu.dma_semaphore, #tpu.memory_space<semaphore_mem>>)
    %dma_start3A_1919 = arith.constant 2 : i32
    %dma_start3A_1920 = arith.constant 256 : i32
    %dma_start3A_1921 = arith.constant 0 : i32
    %dma_start3A_1922 = tpu.memref_slice %arg15[%dma_start3A_1920, %dma_start3A_1921] : memref<1024x16xf32, #tpu.memory_space<vmem>> -> memref<128x16xf32, #tpu.memory_space<vmem>>
    %dma_start3A_1923 = arith.constant 0 : i32
    %dma_start3A_1924 = tpu.memref_slice %arg11[%dma_start3A_1919, %dma_start3A_1923] : memref<8x128xi32, #tpu.memory_space<vmem>> -> memref<1x128xi32, #tpu.memory_space<vmem>>
    %dma_start3A_1925 = tpu.memref_squeeze %dma_start3A_1924 : memref<1x128xi32, #tpu.memory_space<vmem>> -> memref<128xi32, #tpu.memory_space<vmem>>
    %dma_start3A_1926 = arith.constant 0 : i32
    %dma_start3A_1927 = arith.constant 0 : i32
    %dma_start3A_1928 = tpu.memref_slice %arg4[%dma_start3A_1926, %dma_start3A_1927] : memref<851968x16xf32, #tpu.memory_space<hbm>> -> memref<851968x16xf32, #tpu.memory_space<hbm>>
    tpu.enqueue_indirect_dma source(%dma_start3A_1928 : memref<851968x16xf32, #tpu.memory_space<hbm>>) target(%dma_start3A_1922 : memref<128x16xf32, #tpu.memory_space<vmem>>) offsets(%dma_start3A_1925 : memref<128xi32, #tpu.memory_space<vmem>>) semaphore(%arg19 : memref<!tpu.dma_semaphore, #tpu.memory_space<semaphore_mem>>)
    %dma_start3A_1929 = arith.constant 3 : i32
    %dma_start3A_1930 = arith.constant 384 : i32
    %dma_start3A_1931 = arith.constant 0 : i32
    %dma_start3A_1932 = tpu.memref_slice %arg15[%dma_start3A_1930, %dma_start3A_1931] : memref<1024x16xf32, #tpu.memory_space<vmem>> -> memref<128x16xf32, #tpu.memory_space<vmem>>
    %dma_start3A_1933 = arith.constant 0 : i32
    %dma_start3A_1934 = tpu.memref_slice %arg11[%dma_start3A_1929, %dma_start3A_1933] : memref<8x128xi32, #tpu.memory_space<vmem>> -> memref<1x128xi32, #tpu.memory_space<vmem>>
    %dma_start3A_1935 = tpu.memref_squeeze %dma_start3A_1934 : memref<1x128xi32, #tpu.memory_space<vmem>> -> memref<128xi32, #tpu.memory_space<vmem>>
    %dma_start3A_1936 = arith.constant 0 : i32
    %dma_start3A_1937 = arith.constant 0 : i32
    %dma_start3A_1938 = tpu.memref_slice %arg4[%dma_start3A_1936, %dma_start3A_1937] : memref<851968x16xf32, #tpu.memory_space<hbm>> -> memref<851968x16xf32, #tpu.memory_space<hbm>>
    tpu.enqueue_indirect_dma source(%dma_start3A_1938 : memref<851968x16xf32, #tpu.memory_space<hbm>>) target(%dma_start3A_1932 : memref<128x16xf32, #tpu.memory_space<vmem>>) offsets(%dma_start3A_1935 : memref<128xi32, #tpu.memory_space<vmem>>) semaphore(%arg19 : memref<!tpu.dma_semaphore, #tpu.memory_space<semaphore_mem>>)
    %dma_start3A_1939 = arith.constant 4 : i32
    %dma_start3A_1940 = arith.constant 512 : i32
    %dma_start3A_1941 = arith.constant 0 : i32
    %dma_start3A_1942 = tpu.memref_slice %arg15[%dma_start3A_1940, %dma_start3A_1941] : memref<1024x16xf32, #tpu.memory_space<vmem>> -> memref<128x16xf32, #tpu.memory_space<vmem>>
    %dma_start3A_1943 = arith.constant 0 : i32
    %dma_start3A_1944 = tpu.memref_slice %arg11[%dma_start3A_1939, %dma_start3A_1943] : memref<8x128xi32, #tpu.memory_space<vmem>> -> memref<1x128xi32, #tpu.memory_space<vmem>>
    %dma_start3A_1945 = tpu.memref_squeeze %dma_start3A_1944 : memref<1x128xi32, #tpu.memory_space<vmem>> -> memref<128xi32, #tpu.memory_space<vmem>>
    %dma_start3A_1946 = arith.constant 0 : i32
    %dma_start3A_1947 = arith.constant 0 : i32
    %dma_start3A_1948 = tpu.memref_slice %arg4[%dma_start3A_1946, %dma_start3A_1947] : memref<851968x16xf32, #tpu.memory_space<hbm>> -> memref<851968x16xf32, #tpu.memory_space<hbm>>
    tpu.enqueue_indirect_dma source(%dma_start3A_1948 : memref<851968x16xf32, #tpu.memory_space<hbm>>) target(%dma_start3A_1942 : memref<128x16xf32, #tpu.memory_space<vmem>>) offsets(%dma_start3A_1945 : memref<128xi32, #tpu.memory_space<vmem>>) semaphore(%arg19 : memref<!tpu.dma_semaphore, #tpu.memory_space<semaphore_mem>>)
    %dma_start3A_1949 = arith.constant 5 : i32
    %dma_start3A_1950 = arith.constant 640 : i32
    %dma_start3A_1951 = arith.constant 0 : i32
    %dma_start3A_1952 = tpu.memref_slice %arg15[%dma_start3A_1950, %dma_start3A_1951] : memref<1024x16xf32, #tpu.memory_space<vmem>> -> memref<128x16xf32, #tpu.memory_space<vmem>>
    %dma_start3A_1953 = arith.constant 0 : i32
    %dma_start3A_1954 = tpu.memref_slice %arg11[%dma_start3A_1949, %dma_start3A_1953] : memref<8x128xi32, #tpu.memory_space<vmem>> -> memref<1x128xi32, #tpu.memory_space<vmem>>
    %dma_start3A_1955 = tpu.memref_squeeze %dma_start3A_1954 : memref<1x128xi32, #tpu.memory_space<vmem>> -> memref<128xi32, #tpu.memory_space<vmem>>
    %dma_start3A_1956 = arith.constant 0 : i32
    %dma_start3A_1957 = arith.constant 0 : i32
    %dma_start3A_1958 = tpu.memref_slice %arg4[%dma_start3A_1956, %dma_start3A_1957] : memref<851968x16xf32, #tpu.memory_space<hbm>> -> memref<851968x16xf32, #tpu.memory_space<hbm>>
    tpu.enqueue_indirect_dma source(%dma_start3A_1958 : memref<851968x16xf32, #tpu.memory_space<hbm>>) target(%dma_start3A_1952 : memref<128x16xf32, #tpu.memory_space<vmem>>) offsets(%dma_start3A_1955 : memref<128xi32, #tpu.memory_space<vmem>>) semaphore(%arg19 : memref<!tpu.dma_semaphore, #tpu.memory_space<semaphore_mem>>)
    %dma_start3A_1959 = arith.constant 6 : i32
    %dma_start3A_1960 = arith.constant 768 : i32
    %dma_start3A_1961 = arith.constant 0 : i32
    %dma_start3A_1962 = tpu.memref_slice %arg15[%dma_start3A_1960, %dma_start3A_1961] : memref<1024x16xf32, #tpu.memory_space<vmem>> -> memref<128x16xf32, #tpu.memory_space<vmem>>
    %dma_start3A_1963 = arith.constant 0 : i32
    %dma_start3A_1964 = tpu.memref_slice %arg11[%dma_start3A_1959, %dma_start3A_1963] : memref<8x128xi32, #tpu.memory_space<vmem>> -> memref<1x128xi32, #tpu.memory_space<vmem>>
    %dma_start3A_1965 = tpu.memref_squeeze %dma_start3A_1964 : memref<1x128xi32, #tpu.memory_space<vmem>> -> memref<128xi32, #tpu.memory_space<vmem>>
    %dma_start3A_1966 = arith.constant 0 : i32
    %dma_start3A_1967 = arith.constant 0 : i32
    %dma_start3A_1968 = tpu.memref_slice %arg4[%dma_start3A_1966, %dma_start3A_1967] : memref<851968x16xf32, #tpu.memory_space<hbm>> -> memref<851968x16xf32, #tpu.memory_space<hbm>>
    tpu.enqueue_indirect_dma source(%dma_start3A_1968 : memref<851968x16xf32, #tpu.memory_space<hbm>>) target(%dma_start3A_1962 : memref<128x16xf32, #tpu.memory_space<vmem>>) offsets(%dma_start3A_1965 : memref<128xi32, #tpu.memory_space<vmem>>) semaphore(%arg19 : memref<!tpu.dma_semaphore, #tpu.memory_space<semaphore_mem>>)
    %dma_start3A_1969 = arith.constant 7 : i32
    %dma_start3A_1970 = arith.constant 896 : i32
    %dma_start3A_1971 = arith.constant 0 : i32
    %dma_start3A_1972 = tpu.memref_slice %arg15[%dma_start3A_1970, %dma_start3A_1971] : memref<1024x16xf32, #tpu.memory_space<vmem>> -> memref<128x16xf32, #tpu.memory_space<vmem>>
    %dma_start3A_1973 = arith.constant 0 : i32
    %dma_start3A_1974 = tpu.memref_slice %arg11[%dma_start3A_1969, %dma_start3A_1973] : memref<8x128xi32, #tpu.memory_space<vmem>> -> memref<1x128xi32, #tpu.memory_space<vmem>>
    %dma_start3A_1975 = tpu.memref_squeeze %dma_start3A_1974 : memref<1x128xi32, #tpu.memory_space<vmem>> -> memref<128xi32, #tpu.memory_space<vmem>>
    %dma_start3A_1976 = arith.constant 0 : i32
    %dma_start3A_1977 = arith.constant 0 : i32
    %dma_start3A_1978 = tpu.memref_slice %arg4[%dma_start3A_1976, %dma_start3A_1977] : memref<851968x16xf32, #tpu.memory_space<hbm>> -> memref<851968x16xf32, #tpu.memory_space<hbm>>
    tpu.enqueue_indirect_dma source(%dma_start3A_1978 : memref<851968x16xf32, #tpu.memory_space<hbm>>) target(%dma_start3A_1972 : memref<128x16xf32, #tpu.memory_space<vmem>>) offsets(%dma_start3A_1975 : memref<128xi32, #tpu.memory_space<vmem>>) semaphore(%arg19 : memref<!tpu.dma_semaphore, #tpu.memory_space<semaphore_mem>>)
    %dma_start3A_1979 = arith.constant 0 : i32
    %dma_start3A_1980 = arith.constant 0 : i32
    %dma_start3A_1981 = tpu.memref_slice %arg5[%dma_start3A_1979, %dma_start3A_1980] : memref<1563x128xf32, #tpu.memory_space<hbm>> -> memref<1563x128xf32, #tpu.memory_space<hbm>>
    tpu.enqueue_indirect_dma source(%dma_start3A_1981 : memref<1563x128xf32, #tpu.memory_space<hbm>>) target(%arg17 : memref<128x128xf32, #tpu.memory_space<vmem>>) offsets(%arg13 : memref<128xi32, #tpu.memory_space<vmem>>) semaphore(%arg19 : memref<!tpu.dma_semaphore, #tpu.memory_space<semaphore_mem>>)
    %dma_wait3A_1982 = arith.constant 0 : i32
    %dma_wait3A_1983 = arith.constant 0 : i32
    %dma_wait3A_1984 = arith.constant 0 : i32
    %dma_wait3A_1985 = tpu.memref_slice %arg15[%dma_wait3A_1983, %dma_wait3A_1984] : memref<1024x16xf32, #tpu.memory_space<vmem>> -> memref<128x16xf32, #tpu.memory_space<vmem>>
    %dma_wait3A_1986 = arith.constant 0 : i32
    %dma_wait3A_1987 = tpu.memref_slice %arg11[%dma_wait3A_1982, %dma_wait3A_1986] : memref<8x128xi32, #tpu.memory_space<vmem>> -> memref<1x128xi32, #tpu.memory_space<vmem>>
    %dma_wait3A_1988 = tpu.memref_squeeze %dma_wait3A_1987 : memref<1x128xi32, #tpu.memory_space<vmem>> -> memref<128xi32, #tpu.memory_space<vmem>>
    %dma_wait3A_1989 = arith.constant 0 : i32
    %dma_wait3A_1990 = arith.constant 0 : i32
    %dma_wait3A_1991 = tpu.memref_slice %arg4[%dma_wait3A_1989, %dma_wait3A_1990] : memref<851968x16xf32, #tpu.memory_space<hbm>> -> memref<851968x16xf32, #tpu.memory_space<hbm>>
    tpu.wait_indirect_dma semaphore(%arg19 : memref<!tpu.dma_semaphore, #tpu.memory_space<semaphore_mem>>) src(%dma_wait3A_1991 : memref<851968x16xf32, #tpu.memory_space<hbm>>) dst(%dma_wait3A_1985 : memref<128x16xf32, #tpu.memory_space<vmem>>)
    %dma_wait3A_1992 = arith.constant 1 : i32
    %dma_wait3A_1993 = arith.constant 128 : i32
    %dma_wait3A_1994 = arith.constant 0 : i32
    %dma_wait3A_1995 = tpu.memref_slice %arg15[%dma_wait3A_1993, %dma_wait3A_1994] : memref<1024x16xf32, #tpu.memory_space<vmem>> -> memref<128x16xf32, #tpu.memory_space<vmem>>
    %dma_wait3A_1996 = arith.constant 0 : i32
    %dma_wait3A_1997 = tpu.memref_slice %arg11[%dma_wait3A_1992, %dma_wait3A_1996] : memref<8x128xi32, #tpu.memory_space<vmem>> -> memref<1x128xi32, #tpu.memory_space<vmem>>
    %dma_wait3A_1998 = tpu.memref_squeeze %dma_wait3A_1997 : memref<1x128xi32, #tpu.memory_space<vmem>> -> memref<128xi32, #tpu.memory_space<vmem>>
    %dma_wait3A_1999 = arith.constant 0 : i32
    %dma_wait3A_2000 = arith.constant 0 : i32
    %dma_wait3A_2001 = tpu.memref_slice %arg4[%dma_wait3A_1999, %dma_wait3A_2000] : memref<851968x16xf32, #tpu.memory_space<hbm>> -> memref<851968x16xf32, #tpu.memory_space<hbm>>
    tpu.wait_indirect_dma semaphore(%arg19 : memref<!tpu.dma_semaphore, #tpu.memory_space<semaphore_mem>>) src(%dma_wait3A_2001 : memref<851968x16xf32, #tpu.memory_space<hbm>>) dst(%dma_wait3A_1995 : memref<128x16xf32, #tpu.memory_space<vmem>>)
    %dma_wait3A_2002 = arith.constant 2 : i32
    %dma_wait3A_2003 = arith.constant 256 : i32
    %dma_wait3A_2004 = arith.constant 0 : i32
    %dma_wait3A_2005 = tpu.memref_slice %arg15[%dma_wait3A_2003, %dma_wait3A_2004] : memref<1024x16xf32, #tpu.memory_space<vmem>> -> memref<128x16xf32, #tpu.memory_space<vmem>>
    %dma_wait3A_2006 = arith.constant 0 : i32
    %dma_wait3A_2007 = tpu.memref_slice %arg11[%dma_wait3A_2002, %dma_wait3A_2006] : memref<8x128xi32, #tpu.memory_space<vmem>> -> memref<1x128xi32, #tpu.memory_space<vmem>>
    %dma_wait3A_2008 = tpu.memref_squeeze %dma_wait3A_2007 : memref<1x128xi32, #tpu.memory_space<vmem>> -> memref<128xi32, #tpu.memory_space<vmem>>
    %dma_wait3A_2009 = arith.constant 0 : i32
    %dma_wait3A_2010 = arith.constant 0 : i32
    %dma_wait3A_2011 = tpu.memref_slice %arg4[%dma_wait3A_2009, %dma_wait3A_2010] : memref<851968x16xf32, #tpu.memory_space<hbm>> -> memref<851968x16xf32, #tpu.memory_space<hbm>>
    tpu.wait_indirect_dma semaphore(%arg19 : memref<!tpu.dma_semaphore, #tpu.memory_space<semaphore_mem>>) src(%dma_wait3A_2011 : memref<851968x16xf32, #tpu.memory_space<hbm>>) dst(%dma_wait3A_2005 : memref<128x16xf32, #tpu.memory_space<vmem>>)
    %dma_wait3A_2012 = arith.constant 3 : i32
    %dma_wait3A_2013 = arith.constant 384 : i32
    %dma_wait3A_2014 = arith.constant 0 : i32
    %dma_wait3A_2015 = tpu.memref_slice %arg15[%dma_wait3A_2013, %dma_wait3A_2014] : memref<1024x16xf32, #tpu.memory_space<vmem>> -> memref<128x16xf32, #tpu.memory_space<vmem>>
    %dma_wait3A_2016 = arith.constant 0 : i32
    %dma_wait3A_2017 = tpu.memref_slice %arg11[%dma_wait3A_2012, %dma_wait3A_2016] : memref<8x128xi32, #tpu.memory_space<vmem>> -> memref<1x128xi32, #tpu.memory_space<vmem>>
    %dma_wait3A_2018 = tpu.memref_squeeze %dma_wait3A_2017 : memref<1x128xi32, #tpu.memory_space<vmem>> -> memref<128xi32, #tpu.memory_space<vmem>>
    %dma_wait3A_2019 = arith.constant 0 : i32
    %dma_wait3A_2020 = arith.constant 0 : i32
    %dma_wait3A_2021 = tpu.memref_slice %arg4[%dma_wait3A_2019, %dma_wait3A_2020] : memref<851968x16xf32, #tpu.memory_space<hbm>> -> memref<851968x16xf32, #tpu.memory_space<hbm>>
    tpu.wait_indirect_dma semaphore(%arg19 : memref<!tpu.dma_semaphore, #tpu.memory_space<semaphore_mem>>) src(%dma_wait3A_2021 : memref<851968x16xf32, #tpu.memory_space<hbm>>) dst(%dma_wait3A_2015 : memref<128x16xf32, #tpu.memory_space<vmem>>)
    %dma_wait3A_2022 = arith.constant 4 : i32
    %dma_wait3A_2023 = arith.constant 512 : i32
    %dma_wait3A_2024 = arith.constant 0 : i32
    %dma_wait3A_2025 = tpu.memref_slice %arg15[%dma_wait3A_2023, %dma_wait3A_2024] : memref<1024x16xf32, #tpu.memory_space<vmem>> -> memref<128x16xf32, #tpu.memory_space<vmem>>
    %dma_wait3A_2026 = arith.constant 0 : i32
    %dma_wait3A_2027 = tpu.memref_slice %arg11[%dma_wait3A_2022, %dma_wait3A_2026] : memref<8x128xi32, #tpu.memory_space<vmem>> -> memref<1x128xi32, #tpu.memory_space<vmem>>
    %dma_wait3A_2028 = tpu.memref_squeeze %dma_wait3A_2027 : memref<1x128xi32, #tpu.memory_space<vmem>> -> memref<128xi32, #tpu.memory_space<vmem>>
    %dma_wait3A_2029 = arith.constant 0 : i32
    %dma_wait3A_2030 = arith.constant 0 : i32
    %dma_wait3A_2031 = tpu.memref_slice %arg4[%dma_wait3A_2029, %dma_wait3A_2030] : memref<851968x16xf32, #tpu.memory_space<hbm>> -> memref<851968x16xf32, #tpu.memory_space<hbm>>
    tpu.wait_indirect_dma semaphore(%arg19 : memref<!tpu.dma_semaphore, #tpu.memory_space<semaphore_mem>>) src(%dma_wait3A_2031 : memref<851968x16xf32, #tpu.memory_space<hbm>>) dst(%dma_wait3A_2025 : memref<128x16xf32, #tpu.memory_space<vmem>>)
    %dma_wait3A_2032 = arith.constant 5 : i32
    %dma_wait3A_2033 = arith.constant 640 : i32
    %dma_wait3A_2034 = arith.constant 0 : i32
    %dma_wait3A_2035 = tpu.memref_slice %arg15[%dma_wait3A_2033, %dma_wait3A_2034] : memref<1024x16xf32, #tpu.memory_space<vmem>> -> memref<128x16xf32, #tpu.memory_space<vmem>>
    %dma_wait3A_2036 = arith.constant 0 : i32
    %dma_wait3A_2037 = tpu.memref_slice %arg11[%dma_wait3A_2032, %dma_wait3A_2036] : memref<8x128xi32, #tpu.memory_space<vmem>> -> memref<1x128xi32, #tpu.memory_space<vmem>>
    %dma_wait3A_2038 = tpu.memref_squeeze %dma_wait3A_2037 : memref<1x128xi32, #tpu.memory_space<vmem>> -> memref<128xi32, #tpu.memory_space<vmem>>
    %dma_wait3A_2039 = arith.constant 0 : i32
    %dma_wait3A_2040 = arith.constant 0 : i32
    %dma_wait3A_2041 = tpu.memref_slice %arg4[%dma_wait3A_2039, %dma_wait3A_2040] : memref<851968x16xf32, #tpu.memory_space<hbm>> -> memref<851968x16xf32, #tpu.memory_space<hbm>>
    tpu.wait_indirect_dma semaphore(%arg19 : memref<!tpu.dma_semaphore, #tpu.memory_space<semaphore_mem>>) src(%dma_wait3A_2041 : memref<851968x16xf32, #tpu.memory_space<hbm>>) dst(%dma_wait3A_2035 : memref<128x16xf32, #tpu.memory_space<vmem>>)
    %dma_wait3A_2042 = arith.constant 6 : i32
    %dma_wait3A_2043 = arith.constant 768 : i32
    %dma_wait3A_2044 = arith.constant 0 : i32
    %dma_wait3A_2045 = tpu.memref_slice %arg15[%dma_wait3A_2043, %dma_wait3A_2044] : memref<1024x16xf32, #tpu.memory_space<vmem>> -> memref<128x16xf32, #tpu.memory_space<vmem>>
    %dma_wait3A_2046 = arith.constant 0 : i32
    %dma_wait3A_2047 = tpu.memref_slice %arg11[%dma_wait3A_2042, %dma_wait3A_2046] : memref<8x128xi32, #tpu.memory_space<vmem>> -> memref<1x128xi32, #tpu.memory_space<vmem>>
    %dma_wait3A_2048 = tpu.memref_squeeze %dma_wait3A_2047 : memref<1x128xi32, #tpu.memory_space<vmem>> -> memref<128xi32, #tpu.memory_space<vmem>>
    %dma_wait3A_2049 = arith.constant 0 : i32
    %dma_wait3A_2050 = arith.constant 0 : i32
    %dma_wait3A_2051 = tpu.memref_slice %arg4[%dma_wait3A_2049, %dma_wait3A_2050] : memref<851968x16xf32, #tpu.memory_space<hbm>> -> memref<851968x16xf32, #tpu.memory_space<hbm>>
    tpu.wait_indirect_dma semaphore(%arg19 : memref<!tpu.dma_semaphore, #tpu.memory_space<semaphore_mem>>) src(%dma_wait3A_2051 : memref<851968x16xf32, #tpu.memory_space<hbm>>) dst(%dma_wait3A_2045 : memref<128x16xf32, #tpu.memory_space<vmem>>)
    %dma_wait3A_2052 = arith.constant 7 : i32
    %dma_wait3A_2053 = arith.constant 896 : i32
    %dma_wait3A_2054 = arith.constant 0 : i32
    %dma_wait3A_2055 = tpu.memref_slice %arg15[%dma_wait3A_2053, %dma_wait3A_2054] : memref<1024x16xf32, #tpu.memory_space<vmem>> -> memref<128x16xf32, #tpu.memory_space<vmem>>
    %dma_wait3A_2056 = arith.constant 0 : i32
    %dma_wait3A_2057 = tpu.memref_slice %arg11[%dma_wait3A_2052, %dma_wait3A_2056] : memref<8x128xi32, #tpu.memory_space<vmem>> -> memref<1x128xi32, #tpu.memory_space<vmem>>
    %dma_wait3A_2058 = tpu.memref_squeeze %dma_wait3A_2057 : memref<1x128xi32, #tpu.memory_space<vmem>> -> memref<128xi32, #tpu.memory_space<vmem>>
    %dma_wait3A_2059 = arith.constant 0 : i32
    %dma_wait3A_2060 = arith.constant 0 : i32
    %dma_wait3A_2061 = tpu.memref_slice %arg4[%dma_wait3A_2059, %dma_wait3A_2060] : memref<851968x16xf32, #tpu.memory_space<hbm>> -> memref<851968x16xf32, #tpu.memory_space<hbm>>
    tpu.wait_indirect_dma semaphore(%arg19 : memref<!tpu.dma_semaphore, #tpu.memory_space<semaphore_mem>>) src(%dma_wait3A_2061 : memref<851968x16xf32, #tpu.memory_space<hbm>>) dst(%dma_wait3A_2055 : memref<128x16xf32, #tpu.memory_space<vmem>>)
    %dma_wait3A_2062 = arith.constant 0 : i32
    %dma_wait3A_2063 = arith.constant 0 : i32
    %dma_wait3A_2064 = tpu.memref_slice %arg5[%dma_wait3A_2062, %dma_wait3A_2063] : memref<1563x128xf32, #tpu.memory_space<hbm>> -> memref<1563x128xf32, #tpu.memory_space<hbm>>
    tpu.wait_indirect_dma semaphore(%arg19 : memref<!tpu.dma_semaphore, #tpu.memory_space<semaphore_mem>>) src(%dma_wait3A_2064 : memref<1563x128xf32, #tpu.memory_space<hbm>>) dst(%arg17 : memref<128x128xf32, #tpu.memory_space<vmem>>)
    %add3A_2065 = arith.constant 0 : i32
    %add3A_2066 = vector.broadcast %add3A_2065 : i32 to vector<16xi32>
    %add3A_2067 = arith.addi %iota3A, %add3A_2066 : vector<16xi32>
    %get3A_2068 = arith.constant 0 : index
    %get3A_2069 = tpu.vector_load %arg9[%get3A_2068] {strides = array<i32>} : memref<128xi32, #tpu.memory_space<vmem>>, vector<16xi32>,
    %and3A_2070 = arith.constant 127 : i32
    %and3A_2071 = vector.broadcast %and3A_2070 : i32 to vector<16xi32>
    %and3A_2072 = arith.andi %get3A_2069, %and3A_2071 : vector<16xi32>
    %gather3A_2073 = tpu.vector_load_idx %arg17[%add3A_2067, %and3A_2072] : memref<128x128xf32, #tpu.memory_space<vmem>>[vector<16xi32>, vector<16xi32>], vector<16xf32>,
    %mul3A_2074 = arith.constant 8 : i32
    %mul3A_2075 = vector.broadcast %mul3A_2074 : i32 to vector<16xi32>
    %mul3A_2076 = arith.muli %add3A_2067, %mul3A_2075 : vector<16xi32>
    %add3A_2077 = arith.constant 4 : i32
    %add3A_2078 = vector.broadcast %add3A_2077 : i32 to vector<16xi32>
    %add3A_2079 = arith.addi %mul3A_2076, %add3A_2078 : vector<16xi32>
    %mul3A_2080 = arith.constant 0 : i32
    %mul3A_2081 = vector.broadcast %mul3A_2080 : i32 to vector<16xi32>
    %mul3A_2082 = arith.muli %iota3A, %mul3A_2081 : vector<16xi32>
    tpu.vector_store_idx %arg15[%add3A_2079, %mul3A_2082], %gather3A_2073 : memref<1024x16xf32, #tpu.memory_space<vmem>>[vector<16xi32>, vector<16xi32>], vector<16xf32>,
    %add3A_2083 = arith.constant 16 : i32
    %add3A_2084 = vector.broadcast %add3A_2083 : i32 to vector<16xi32>
    %add3A_2085 = arith.addi %iota3A, %add3A_2084 : vector<16xi32>
    %get3A_2086 = arith.constant 16 : index
    %get3A_2087 = tpu.vector_load %arg9[%get3A_2086] {strides = array<i32>} : memref<128xi32, #tpu.memory_space<vmem>>, vector<16xi32>,
    %and3A_2088 = arith.constant 127 : i32
    %and3A_2089 = vector.broadcast %and3A_2088 : i32 to vector<16xi32>
    %and3A_2090 = arith.andi %get3A_2087, %and3A_2089 : vector<16xi32>
    %gather3A_2091 = tpu.vector_load_idx %arg17[%add3A_2085, %and3A_2090] : memref<128x128xf32, #tpu.memory_space<vmem>>[vector<16xi32>, vector<16xi32>], vector<16xf32>,
    %mul3A_2092 = arith.constant 8 : i32
    %mul3A_2093 = vector.broadcast %mul3A_2092 : i32 to vector<16xi32>
    %mul3A_2094 = arith.muli %add3A_2085, %mul3A_2093 : vector<16xi32>
    %add3A_2095 = arith.constant 4 : i32
    %add3A_2096 = vector.broadcast %add3A_2095 : i32 to vector<16xi32>
    %add3A_2097 = arith.addi %mul3A_2094, %add3A_2096 : vector<16xi32>
    %mul3A_2098 = arith.constant 0 : i32
    %mul3A_2099 = vector.broadcast %mul3A_2098 : i32 to vector<16xi32>
    %mul3A_2100 = arith.muli %iota3A, %mul3A_2099 : vector<16xi32>
    tpu.vector_store_idx %arg15[%add3A_2097, %mul3A_2100], %gather3A_2091 : memref<1024x16xf32, #tpu.memory_space<vmem>>[vector<16xi32>, vector<16xi32>], vector<16xf32>,
    %add3A_2101 = arith.constant 32 : i32
    %add3A_2102 = vector.broadcast %add3A_2101 : i32 to vector<16xi32>
    %add3A_2103 = arith.addi %iota3A, %add3A_2102 : vector<16xi32>
    %get3A_2104 = arith.constant 32 : index
    %get3A_2105 = tpu.vector_load %arg9[%get3A_2104] {strides = array<i32>} : memref<128xi32, #tpu.memory_space<vmem>>, vector<16xi32>,
    %and3A_2106 = arith.constant 127 : i32
    %and3A_2107 = vector.broadcast %and3A_2106 : i32 to vector<16xi32>
    %and3A_2108 = arith.andi %get3A_2105, %and3A_2107 : vector<16xi32>
    %gather3A_2109 = tpu.vector_load_idx %arg17[%add3A_2103, %and3A_2108] : memref<128x128xf32, #tpu.memory_space<vmem>>[vector<16xi32>, vector<16xi32>], vector<16xf32>,
    %mul3A_2110 = arith.constant 8 : i32
    %mul3A_2111 = vector.broadcast %mul3A_2110 : i32 to vector<16xi32>
    %mul3A_2112 = arith.muli %add3A_2103, %mul3A_2111 : vector<16xi32>
    %add3A_2113 = arith.constant 4 : i32
    %add3A_2114 = vector.broadcast %add3A_2113 : i32 to vector<16xi32>
    %add3A_2115 = arith.addi %mul3A_2112, %add3A_2114 : vector<16xi32>
    %mul3A_2116 = arith.constant 0 : i32
    %mul3A_2117 = vector.broadcast %mul3A_2116 : i32 to vector<16xi32>
    %mul3A_2118 = arith.muli %iota3A, %mul3A_2117 : vector<16xi32>
    tpu.vector_store_idx %arg15[%add3A_2115, %mul3A_2118], %gather3A_2109 : memref<1024x16xf32, #tpu.memory_space<vmem>>[vector<16xi32>, vector<16xi32>], vector<16xf32>,
    %add3A_2119 = arith.constant 48 : i32
    %add3A_2120 = vector.broadcast %add3A_2119 : i32 to vector<16xi32>
    %add3A_2121 = arith.addi %iota3A, %add3A_2120 : vector<16xi32>
    %get3A_2122 = arith.constant 48 : index
    %get3A_2123 = tpu.vector_load %arg9[%get3A_2122] {strides = array<i32>} : memref<128xi32, #tpu.memory_space<vmem>>, vector<16xi32>,
    %and3A_2124 = arith.constant 127 : i32
    %and3A_2125 = vector.broadcast %and3A_2124 : i32 to vector<16xi32>
    %and3A_2126 = arith.andi %get3A_2123, %and3A_2125 : vector<16xi32>
    %gather3A_2127 = tpu.vector_load_idx %arg17[%add3A_2121, %and3A_2126] : memref<128x128xf32, #tpu.memory_space<vmem>>[vector<16xi32>, vector<16xi32>], vector<16xf32>,
    %mul3A_2128 = arith.constant 8 : i32
    %mul3A_2129 = vector.broadcast %mul3A_2128 : i32 to vector<16xi32>
    %mul3A_2130 = arith.muli %add3A_2121, %mul3A_2129 : vector<16xi32>
    %add3A_2131 = arith.constant 4 : i32
    %add3A_2132 = vector.broadcast %add3A_2131 : i32 to vector<16xi32>
    %add3A_2133 = arith.addi %mul3A_2130, %add3A_2132 : vector<16xi32>
    %mul3A_2134 = arith.constant 0 : i32
    %mul3A_2135 = vector.broadcast %mul3A_2134 : i32 to vector<16xi32>
    %mul3A_2136 = arith.muli %iota3A, %mul3A_2135 : vector<16xi32>
    tpu.vector_store_idx %arg15[%add3A_2133, %mul3A_2136], %gather3A_2127 : memref<1024x16xf32, #tpu.memory_space<vmem>>[vector<16xi32>, vector<16xi32>], vector<16xf32>,
    %add3A_2137 = arith.constant 64 : i32
    %add3A_2138 = vector.broadcast %add3A_2137 : i32 to vector<16xi32>
    %add3A_2139 = arith.addi %iota3A, %add3A_2138 : vector<16xi32>
    %get3A_2140 = arith.constant 64 : index
    %get3A_2141 = tpu.vector_load %arg9[%get3A_2140] {strides = array<i32>} : memref<128xi32, #tpu.memory_space<vmem>>, vector<16xi32>,
    %and3A_2142 = arith.constant 127 : i32
    %and3A_2143 = vector.broadcast %and3A_2142 : i32 to vector<16xi32>
    %and3A_2144 = arith.andi %get3A_2141, %and3A_2143 : vector<16xi32>
    %gather3A_2145 = tpu.vector_load_idx %arg17[%add3A_2139, %and3A_2144] : memref<128x128xf32, #tpu.memory_space<vmem>>[vector<16xi32>, vector<16xi32>], vector<16xf32>,
    %mul3A_2146 = arith.constant 8 : i32
    %mul3A_2147 = vector.broadcast %mul3A_2146 : i32 to vector<16xi32>
    %mul3A_2148 = arith.muli %add3A_2139, %mul3A_2147 : vector<16xi32>
    %add3A_2149 = arith.constant 4 : i32
    %add3A_2150 = vector.broadcast %add3A_2149 : i32 to vector<16xi32>
    %add3A_2151 = arith.addi %mul3A_2148, %add3A_2150 : vector<16xi32>
    %mul3A_2152 = arith.constant 0 : i32
    %mul3A_2153 = vector.broadcast %mul3A_2152 : i32 to vector<16xi32>
    %mul3A_2154 = arith.muli %iota3A, %mul3A_2153 : vector<16xi32>
    tpu.vector_store_idx %arg15[%add3A_2151, %mul3A_2154], %gather3A_2145 : memref<1024x16xf32, #tpu.memory_space<vmem>>[vector<16xi32>, vector<16xi32>], vector<16xf32>,
    %add3A_2155 = arith.constant 80 : i32
    %add3A_2156 = vector.broadcast %add3A_2155 : i32 to vector<16xi32>
    %add3A_2157 = arith.addi %iota3A, %add3A_2156 : vector<16xi32>
    %get3A_2158 = arith.constant 80 : index
    %get3A_2159 = tpu.vector_load %arg9[%get3A_2158] {strides = array<i32>} : memref<128xi32, #tpu.memory_space<vmem>>, vector<16xi32>,
    %and3A_2160 = arith.constant 127 : i32
    %and3A_2161 = vector.broadcast %and3A_2160 : i32 to vector<16xi32>
    %and3A_2162 = arith.andi %get3A_2159, %and3A_2161 : vector<16xi32>
    %gather3A_2163 = tpu.vector_load_idx %arg17[%add3A_2157, %and3A_2162] : memref<128x128xf32, #tpu.memory_space<vmem>>[vector<16xi32>, vector<16xi32>], vector<16xf32>,
    %mul3A_2164 = arith.constant 8 : i32
    %mul3A_2165 = vector.broadcast %mul3A_2164 : i32 to vector<16xi32>
    %mul3A_2166 = arith.muli %add3A_2157, %mul3A_2165 : vector<16xi32>
    %add3A_2167 = arith.constant 4 : i32
    %add3A_2168 = vector.broadcast %add3A_2167 : i32 to vector<16xi32>
    %add3A_2169 = arith.addi %mul3A_2166, %add3A_2168 : vector<16xi32>
    %mul3A_2170 = arith.constant 0 : i32
    %mul3A_2171 = vector.broadcast %mul3A_2170 : i32 to vector<16xi32>
    %mul3A_2172 = arith.muli %iota3A, %mul3A_2171 : vector<16xi32>
    tpu.vector_store_idx %arg15[%add3A_2169, %mul3A_2172], %gather3A_2163 : memref<1024x16xf32, #tpu.memory_space<vmem>>[vector<16xi32>, vector<16xi32>], vector<16xf32>,
    %add3A_2173 = arith.constant 96 : i32
    %add3A_2174 = vector.broadcast %add3A_2173 : i32 to vector<16xi32>
    %add3A_2175 = arith.addi %iota3A, %add3A_2174 : vector<16xi32>
    %get3A_2176 = arith.constant 96 : index
    %get3A_2177 = tpu.vector_load %arg9[%get3A_2176] {strides = array<i32>} : memref<128xi32, #tpu.memory_space<vmem>>, vector<16xi32>,
    %and3A_2178 = arith.constant 127 : i32
    %and3A_2179 = vector.broadcast %and3A_2178 : i32 to vector<16xi32>
    %and3A_2180 = arith.andi %get3A_2177, %and3A_2179 : vector<16xi32>
    %gather3A_2181 = tpu.vector_load_idx %arg17[%add3A_2175, %and3A_2180] : memref<128x128xf32, #tpu.memory_space<vmem>>[vector<16xi32>, vector<16xi32>], vector<16xf32>,
    %mul3A_2182 = arith.constant 8 : i32
    %mul3A_2183 = vector.broadcast %mul3A_2182 : i32 to vector<16xi32>
    %mul3A_2184 = arith.muli %add3A_2175, %mul3A_2183 : vector<16xi32>
    %add3A_2185 = arith.constant 4 : i32
    %add3A_2186 = vector.broadcast %add3A_2185 : i32 to vector<16xi32>
    %add3A_2187 = arith.addi %mul3A_2184, %add3A_2186 : vector<16xi32>
    %mul3A_2188 = arith.constant 0 : i32
    %mul3A_2189 = vector.broadcast %mul3A_2188 : i32 to vector<16xi32>
    %mul3A_2190 = arith.muli %iota3A, %mul3A_2189 : vector<16xi32>
    tpu.vector_store_idx %arg15[%add3A_2187, %mul3A_2190], %gather3A_2181 : memref<1024x16xf32, #tpu.memory_space<vmem>>[vector<16xi32>, vector<16xi32>], vector<16xf32>,
    %add3A_2191 = arith.constant 112 : i32
    %add3A_2192 = vector.broadcast %add3A_2191 : i32 to vector<16xi32>
    %add3A_2193 = arith.addi %iota3A, %add3A_2192 : vector<16xi32>
    %get3A_2194 = arith.constant 112 : index
    %get3A_2195 = tpu.vector_load %arg9[%get3A_2194] {strides = array<i32>} : memref<128xi32, #tpu.memory_space<vmem>>, vector<16xi32>,
    %and3A_2196 = arith.constant 127 : i32
    %and3A_2197 = vector.broadcast %and3A_2196 : i32 to vector<16xi32>
    %and3A_2198 = arith.andi %get3A_2195, %and3A_2197 : vector<16xi32>
    %gather3A_2199 = tpu.vector_load_idx %arg17[%add3A_2193, %and3A_2198] : memref<128x128xf32, #tpu.memory_space<vmem>>[vector<16xi32>, vector<16xi32>], vector<16xf32>,
    %mul3A_2200 = arith.constant 8 : i32
    %mul3A_2201 = vector.broadcast %mul3A_2200 : i32 to vector<16xi32>
    %mul3A_2202 = arith.muli %add3A_2193, %mul3A_2201 : vector<16xi32>
    %add3A_2203 = arith.constant 4 : i32
    %add3A_2204 = vector.broadcast %add3A_2203 : i32 to vector<16xi32>
    %add3A_2205 = arith.addi %mul3A_2202, %add3A_2204 : vector<16xi32>
    %mul3A_2206 = arith.constant 0 : i32
    %mul3A_2207 = vector.broadcast %mul3A_2206 : i32 to vector<16xi32>
    %mul3A_2208 = arith.muli %iota3A, %mul3A_2207 : vector<16xi32>
    tpu.vector_store_idx %arg15[%add3A_2205, %mul3A_2208], %gather3A_2199 : memref<1024x16xf32, #tpu.memory_space<vmem>>[vector<16xi32>, vector<16xi32>], vector<16xf32>,
    %mul3A_2209 = arith.constant 8 : i32
    %mul3A_2210 = arith.muli %mul3A_2, %mul3A_2209 : i32
    "tpu.region"() ({
      %run_scoped3A = tpu.sem_alloc : memref<!tpu.dma_semaphore, #tpu.memory_space<semaphore_mem>>
      %dma_start3A_2211 = arith.constant 0 : i32
      %dma_start3A_2212 = tpu.memref_slice %arg7[%mul3A_2210, %dma_start3A_2211] : memref<32768x16xf32, #tpu.memory_space<hbm>> -> memref<1024x16xf32, #tpu.memory_space<hbm>>
      %dma_start3A_2213 = arith.constant 0 : i32
      %dma_start3A_2214 = tpu.memref_slice %arg7[%mul3A_2210, %dma_start3A_2213] : memref<32768x16xf32, #tpu.memory_space<hbm>> -> memref<1024x16xf32, #tpu.memory_space<hbm>>
      tpu.enqueue_dma source(%arg15 : memref<1024x16xf32, #tpu.memory_space<vmem>>) target(%dma_start3A_2214 : memref<1024x16xf32, #tpu.memory_space<hbm>>) target_semaphore(%run_scoped3A : memref<!tpu.dma_semaphore, #tpu.memory_space<semaphore_mem>>)
      %dma_wait3A_2215 = arith.constant 0 : i32
      %dma_wait3A_2216 = tpu.memref_slice %arg7[%mul3A_2210, %dma_wait3A_2215] : memref<32768x16xf32, #tpu.memory_space<hbm>> -> memref<1024x16xf32, #tpu.memory_space<hbm>>
      %dma_wait3A_2217 = arith.constant 0 : i32
      %dma_wait3A_2218 = tpu.memref_slice %arg7[%mul3A_2210, %dma_wait3A_2217] : memref<32768x16xf32, #tpu.memory_space<hbm>> -> memref<1024x16xf32, #tpu.memory_space<hbm>>
      tpu.wait_dma2 semaphore(%run_scoped3A : memref<!tpu.dma_semaphore, #tpu.memory_space<semaphore_mem>>) src(%arg15 : memref<1024x16xf32, #tpu.memory_space<vmem>>) dst(%dma_wait3A_2218 : memref<1024x16xf32, #tpu.memory_space<hbm>>)
      tpu.yield
    }) : () -> ()
    return
  }
}

module attributes {stable_mosaic.version = 14 : i64} {
  func.func @_transpose_body(%arg0: i32, %arg1: memref<64x16384xf32, #tpu.memory_space<vmem>>, %arg2: memref<8192x128xf32, #tpu.memory_space<vmem>>) attributes {dimension_semantics = [#tpu.dimension_semantics<arbitrary>], iteration_bounds = array<i64: 13>, scalar_prefetch = 0 : i64, scratch_operands = 0 : i64, tpu.core_type = #tpu.core_type<tc>, window_params = [{transform_indices = @transform_0, window_bounds = array<i64: 64, 16384>}, {transform_indices = @transform_1, window_bounds = array<i64: 8192, 128>}]} {
    %iota3A = tpu.iota {dimensions = array<i32: 0>} : vector<64x64xi32>
    %iota3A_0 = tpu.iota {dimensions = array<i32: 1>} : vector<64x64xi32>
    %eq3A = arith.cmpi eq, %iota3A, %iota3A_0 : vector<64x64xi32>
    %convert_element_type3A = arith.extui %eq3A : vector<64x64xi1> to vector<64x64xi32>
    %convert_element_type3A_1 = arith.sitofp %convert_element_type3A : vector<64x64xi32> to vector<64x64xf32>
    %get3A = arith.constant 0 : index
    %get3A_2 = arith.constant 0 : index
    %get3A_3 = vector.load %arg1[%get3A, %get3A_2] : memref<64x16384xf32, #tpu.memory_space<vmem>>, vector<64x16384xf32>
    %dot_general3A = arith.constant dense<0.000000e+00> : vector<16384x64xf32>
    %dot_general3A_4 = tpu.matmul %get3A_3, %convert_element_type3A_1, %dot_general3A {dimension_numbers = #tpu.dot_dimension_numbers<[0], [0], [1], [1], [0, 1, 1, 1], [], []>, transpose_lhs_hint = false} : vector<64x16384xf32>, vector<64x64xf32>, vector<16384x64xf32> -> vector<16384x64xf32>
    %slice3A = vector.extract_strided_slice %dot_general3A_4 {offsets = [0, 0], sizes = [8192, 64], strides = [1, 1]} : vector<16384x64xf32> to vector<8192x64xf32>
    %swap3A = arith.constant 0 : index
    %swap3A_5 = arith.constant 0 : index
    %swap3A_6 = vector.load %arg2[%swap3A, %swap3A_5] : memref<8192x128xf32, #tpu.memory_space<vmem>>, vector<8192x64xf32>
    tpu.vector_store %arg2[%swap3A, %swap3A_5], %slice3A {strides = array<i32>} : memref<8192x128xf32, #tpu.memory_space<vmem>>, vector<8192x64xf32>,
    %slice3A_7 = vector.extract_strided_slice %dot_general3A_4 {offsets = [8192, 0], sizes = [8192, 64], strides = [1, 1]} : vector<16384x64xf32> to vector<8192x64xf32>
    %swap3A_8 = arith.constant 0 : index
    %swap3A_9 = arith.constant 64 : index
    %swap3A_10 = vector.load %arg2[%swap3A_8, %swap3A_9] : memref<8192x128xf32, #tpu.memory_space<vmem>>, vector<8192x64xf32>
    tpu.vector_store %arg2[%swap3A_8, %swap3A_9], %slice3A_7 {strides = array<i32>} : memref<8192x128xf32, #tpu.memory_space<vmem>>, vector<8192x64xf32>,
    return
  }
  func.func @transform_0(%arg0: i32) -> (i32, i32) {
    %c0_i32 = arith.constant 0 : i32
    %c0_i32_0 = arith.constant 0 : i32
    return %c0_i32, %arg0 : i32, i32
  }
  func.func @transform_1(%arg0: i32) -> (i32, i32) {
    %c0_i32 = arith.constant 0 : i32
    %c0_i32_0 = arith.constant 0 : i32
    return %arg0, %c0_i32 : i32, i32
  }
}

module attributes {stable_mosaic.version = 14 : i64} {
  func.func @_dense_body(%arg0: memref<4096x128xf32, #tpu.memory_space<vmem>>, %arg1: memref<4096x128xf32, #tpu.memory_space<vmem>>, %arg2: memref<1x1xf32, #tpu.memory_space<vmem>>, %arg3: memref<128x128xf32, #tpu.memory_space<vmem>>, %arg4: memref<1x128xf32, #tpu.memory_space<vmem>>, %arg5: memref<1x128xf32, #tpu.memory_space<vmem>>, %arg6: memref<1x128xf32, #tpu.memory_space<vmem>>, %arg7: memref<128x64xf32, #tpu.memory_space<vmem>>, %arg8: memref<1x64xf32, #tpu.memory_space<vmem>>, %arg9: memref<1x64xf32, #tpu.memory_space<vmem>>, %arg10: memref<1x64xf32, #tpu.memory_space<vmem>>, %arg11: memref<64x1xf32, #tpu.memory_space<vmem>>, %arg12: memref<1x1xf32, #tpu.memory_space<vmem>>, %arg13: memref<4096x1xf32, #tpu.memory_space<vmem>>) attributes {dimension_semantics = [], scalar_prefetch = 0 : i64, scratch_operands = 0 : i64, tpu.core_type = #tpu.core_type<tc>} {
    %get3A = arith.constant 0 : index
    %get3A_0 = arith.constant 0 : index
    %get3A_1 = vector.load %arg0[%get3A, %get3A_0] : memref<4096x128xf32, #tpu.memory_space<vmem>>, vector<4096x64xf32>
    %get3A_2 = arith.constant 0 : index
    %get3A_3 = arith.constant 0 : index
    %get3A_4 = vector.load %arg1[%get3A_2, %get3A_3] : memref<4096x128xf32, #tpu.memory_space<vmem>>, vector<4096x64xf32>
    %add3A = arith.addf %get3A_1, %get3A_4 : vector<4096x64xf32>
    %mul3A = arith.mulf %add3A, %add3A : vector<4096x64xf32>
    %mul3A_5 = arith.mulf %get3A_1, %get3A_1 : vector<4096x64xf32>
    %sub3A = arith.subf %mul3A, %mul3A_5 : vector<4096x64xf32>
    %mul3A_6 = arith.mulf %get3A_4, %get3A_4 : vector<4096x64xf32>
    %sub3A_7 = arith.subf %sub3A, %mul3A_6 : vector<4096x64xf32>
    %reduce_sum3A = arith.constant dense<0.000000e+00> : vector<4096xf32>
    %reduce_sum3A_8 = vector.multi_reduction <add>, %sub3A_7, %reduce_sum3A [1] : vector<4096x64xf32> to vector<4096xf32>
    %broadcast_in_dim3A = vector.shape_cast %reduce_sum3A_8 : vector<4096xf32> to vector<4096x1xf32>
    %mul3A_9 = arith.constant 5.000000e-01 : f32
    %mul3A_10 = vector.broadcast %mul3A_9 : f32 to vector<4096x1xf32>
    %mul3A_11 = arith.mulf %mul3A_10, %broadcast_in_dim3A : vector<4096x1xf32>
    %get3A_12 = arith.constant 0 : index
    %get3A_13 = arith.constant 64 : index
    %get3A_14 = vector.load %arg0[%get3A_12, %get3A_13] : memref<4096x128xf32, #tpu.memory_space<vmem>>, vector<4096x1xf32>
    %get3A_15 = arith.constant 0 : index
    %get3A_16 = arith.constant 64 : index
    %get3A_17 = vector.load %arg1[%get3A_15, %get3A_16] : memref<4096x128xf32, #tpu.memory_space<vmem>>, vector<4096x1xf32>
    %add3A_18 = arith.addf %get3A_14, %get3A_17 : vector<4096x1xf32>
    %get3A_19 = arith.constant 0 : index
    %get3A_20 = arith.constant 0 : index
    %get3A_21 = vector.load %arg2[%get3A_19, %get3A_20] : memref<1x1xf32, #tpu.memory_space<vmem>>, vector<1x1xf32>
    %add3A_22 = vector.broadcast %get3A_21 : vector<1x1xf32> to vector<4096x1xf32>
    %add3A_23 = arith.addf %add3A_18, %add3A_22 : vector<4096x1xf32>
    %get3A_24 = arith.constant 0 : index
    %get3A_25 = arith.constant 0 : index
    %get3A_26 = vector.load %arg3[%get3A_24, %get3A_25] : memref<128x128xf32, #tpu.memory_space<vmem>>, vector<64x128xf32>
    %dot_general3A = arith.constant dense<0.000000e+00> : vector<4096x128xf32>
    %dot_general3A_27 = tpu.matmul %get3A_1, %get3A_26, %dot_general3A {dimension_numbers = #tpu.dot_dimension_numbers<[1], [0], [0], [1], [0, 0, 1, 1], [], []>, transpose_lhs_hint = false} : vector<4096x64xf32>, vector<64x128xf32>, vector<4096x128xf32> -> vector<4096x128xf32>
    %get3A_28 = arith.constant 64 : index
    %get3A_29 = arith.constant 0 : index
    %get3A_30 = vector.load %arg3[%get3A_28, %get3A_29] : memref<128x128xf32, #tpu.memory_space<vmem>>, vector<64x128xf32>
    %dot_general3A_31 = arith.constant dense<0.000000e+00> : vector<4096x128xf32>
    %dot_general3A_32 = tpu.matmul %get3A_4, %get3A_30, %dot_general3A_31 {dimension_numbers = #tpu.dot_dimension_numbers<[1], [0], [0], [1], [0, 0, 1, 1], [], []>, transpose_lhs_hint = false} : vector<4096x64xf32>, vector<64x128xf32>, vector<4096x128xf32> -> vector<4096x128xf32>
    %add3A_33 = arith.addf %dot_general3A_27, %dot_general3A_32 : vector<4096x128xf32>
    %get3A_34 = arith.constant 0 : index
    %get3A_35 = arith.constant 0 : index
    %get3A_36 = vector.load %arg4[%get3A_34, %get3A_35] : memref<1x128xf32, #tpu.memory_space<vmem>>, vector<1x128xf32>
    %add3A_37 = vector.broadcast %get3A_36 : vector<1x128xf32> to vector<4096x128xf32>
    %add3A_38 = arith.addf %add3A_33, %add3A_37 : vector<4096x128xf32>
    %reduce_sum3A_39 = arith.constant dense<0.000000e+00> : vector<128xf32>
    %reduce_sum3A_40 = vector.multi_reduction <add>, %add3A_38, %reduce_sum3A_39 [0] : vector<4096x128xf32> to vector<128xf32>
    %broadcast_in_dim3A_41 = vector.shape_cast %reduce_sum3A_40 : vector<128xf32> to vector<1x128xf32>
    %div3A = arith.constant 4.096000e+03 : f32
    %div3A_42 = vector.broadcast %div3A : f32 to vector<1x128xf32>
    %div3A_43 = arith.divf %broadcast_in_dim3A_41, %div3A_42 : vector<1x128xf32>
    %sub3A_44 = vector.broadcast %div3A_43 : vector<1x128xf32> to vector<4096x128xf32>
    %sub3A_45 = arith.subf %add3A_38, %sub3A_44 : vector<4096x128xf32>
    %mul3A_46 = arith.mulf %sub3A_45, %sub3A_45 : vector<4096x128xf32>
    %reduce_sum3A_47 = arith.constant dense<0.000000e+00> : vector<128xf32>
    %reduce_sum3A_48 = vector.multi_reduction <add>, %mul3A_46, %reduce_sum3A_47 [0] : vector<4096x128xf32> to vector<128xf32>
    %broadcast_in_dim3A_49 = vector.shape_cast %reduce_sum3A_48 : vector<128xf32> to vector<1x128xf32>
    %div3A_50 = arith.constant 4.096000e+03 : f32
    %div3A_51 = vector.broadcast %div3A_50 : f32 to vector<1x128xf32>
    %div3A_52 = arith.divf %broadcast_in_dim3A_49, %div3A_51 : vector<1x128xf32>
    %add3A_53 = arith.constant 9.99999974E-6 : f32
    %add3A_54 = vector.broadcast %add3A_53 : f32 to vector<1x128xf32>
    %add3A_55 = arith.addf %div3A_52, %add3A_54 : vector<1x128xf32>
    %rsqrt3A = math.rsqrt %add3A_55 : vector<1x128xf32>
    %mul3A_56 = vector.broadcast %rsqrt3A : vector<1x128xf32> to vector<4096x128xf32>
    %mul3A_57 = arith.mulf %sub3A_45, %mul3A_56 : vector<4096x128xf32>
    %get3A_58 = arith.constant 0 : index
    %get3A_59 = arith.constant 0 : index
    %get3A_60 = vector.load %arg5[%get3A_58, %get3A_59] : memref<1x128xf32, #tpu.memory_space<vmem>>, vector<1x128xf32>
    %mul3A_61 = vector.broadcast %get3A_60 : vector<1x128xf32> to vector<4096x128xf32>
    %mul3A_62 = arith.mulf %mul3A_57, %mul3A_61 : vector<4096x128xf32>
    %get3A_63 = arith.constant 0 : index
    %get3A_64 = arith.constant 0 : index
    %get3A_65 = vector.load %arg6[%get3A_63, %get3A_64] : memref<1x128xf32, #tpu.memory_space<vmem>>, vector<1x128xf32>
    %add3A_66 = vector.broadcast %get3A_65 : vector<1x128xf32> to vector<4096x128xf32>
    %add3A_67 = arith.addf %mul3A_62, %add3A_66 : vector<4096x128xf32>
    %max3A = arith.constant 0.000000e+00 : f32
    %max3A_68 = vector.broadcast %max3A : f32 to vector<4096x128xf32>
    %max3A_69 = arith.maximumf %add3A_67, %max3A_68 : vector<4096x128xf32>
    %get3A_70 = arith.constant 0 : index
    %get3A_71 = arith.constant 0 : index
    %get3A_72 = vector.load %arg7[%get3A_70, %get3A_71] : memref<128x64xf32, #tpu.memory_space<vmem>>, vector<128x64xf32>
    %dot_general3A_73 = arith.constant dense<0.000000e+00> : vector<4096x64xf32>
    %dot_general3A_74 = tpu.matmul %max3A_69, %get3A_72, %dot_general3A_73 {dimension_numbers = #tpu.dot_dimension_numbers<[1], [0], [0], [1], [0, 0, 1, 1], [], []>, transpose_lhs_hint = false} : vector<4096x128xf32>, vector<128x64xf32>, vector<4096x64xf32> -> vector<4096x64xf32>
    %get3A_75 = arith.constant 0 : index
    %get3A_76 = arith.constant 0 : index
    %get3A_77 = vector.load %arg8[%get3A_75, %get3A_76] : memref<1x64xf32, #tpu.memory_space<vmem>>, vector<1x64xf32>
    %add3A_78 = vector.broadcast %get3A_77 : vector<1x64xf32> to vector<4096x64xf32>
    %add3A_79 = arith.addf %dot_general3A_74, %add3A_78 : vector<4096x64xf32>
    %reduce_sum3A_80 = arith.constant dense<0.000000e+00> : vector<64xf32>
    %reduce_sum3A_81 = vector.multi_reduction <add>, %add3A_79, %reduce_sum3A_80 [0] : vector<4096x64xf32> to vector<64xf32>
    %broadcast_in_dim3A_82 = vector.shape_cast %reduce_sum3A_81 : vector<64xf32> to vector<1x64xf32>
    %div3A_83 = arith.constant 4.096000e+03 : f32
    %div3A_84 = vector.broadcast %div3A_83 : f32 to vector<1x64xf32>
    %div3A_85 = arith.divf %broadcast_in_dim3A_82, %div3A_84 : vector<1x64xf32>
    %sub3A_86 = vector.broadcast %div3A_85 : vector<1x64xf32> to vector<4096x64xf32>
    %sub3A_87 = arith.subf %add3A_79, %sub3A_86 : vector<4096x64xf32>
    %mul3A_88 = arith.mulf %sub3A_87, %sub3A_87 : vector<4096x64xf32>
    %reduce_sum3A_89 = arith.constant dense<0.000000e+00> : vector<64xf32>
    %reduce_sum3A_90 = vector.multi_reduction <add>, %mul3A_88, %reduce_sum3A_89 [0] : vector<4096x64xf32> to vector<64xf32>
    %broadcast_in_dim3A_91 = vector.shape_cast %reduce_sum3A_90 : vector<64xf32> to vector<1x64xf32>
    %div3A_92 = arith.constant 4.096000e+03 : f32
    %div3A_93 = vector.broadcast %div3A_92 : f32 to vector<1x64xf32>
    %div3A_94 = arith.divf %broadcast_in_dim3A_91, %div3A_93 : vector<1x64xf32>
    %add3A_95 = arith.constant 9.99999974E-6 : f32
    %add3A_96 = vector.broadcast %add3A_95 : f32 to vector<1x64xf32>
    %add3A_97 = arith.addf %div3A_94, %add3A_96 : vector<1x64xf32>
    %rsqrt3A_98 = math.rsqrt %add3A_97 : vector<1x64xf32>
    %mul3A_99 = vector.broadcast %rsqrt3A_98 : vector<1x64xf32> to vector<4096x64xf32>
    %mul3A_100 = arith.mulf %sub3A_87, %mul3A_99 : vector<4096x64xf32>
    %get3A_101 = arith.constant 0 : index
    %get3A_102 = arith.constant 0 : index
    %get3A_103 = vector.load %arg9[%get3A_101, %get3A_102] : memref<1x64xf32, #tpu.memory_space<vmem>>, vector<1x64xf32>
    %mul3A_104 = vector.broadcast %get3A_103 : vector<1x64xf32> to vector<4096x64xf32>
    %mul3A_105 = arith.mulf %mul3A_100, %mul3A_104 : vector<4096x64xf32>
    %get3A_106 = arith.constant 0 : index
    %get3A_107 = arith.constant 0 : index
    %get3A_108 = vector.load %arg10[%get3A_106, %get3A_107] : memref<1x64xf32, #tpu.memory_space<vmem>>, vector<1x64xf32>
    %add3A_109 = vector.broadcast %get3A_108 : vector<1x64xf32> to vector<4096x64xf32>
    %add3A_110 = arith.addf %mul3A_105, %add3A_109 : vector<4096x64xf32>
    %max3A_111 = arith.constant 0.000000e+00 : f32
    %max3A_112 = vector.broadcast %max3A_111 : f32 to vector<4096x64xf32>
    %max3A_113 = arith.maximumf %add3A_110, %max3A_112 : vector<4096x64xf32>
    %get3A_114 = arith.constant 0 : index
    %get3A_115 = arith.constant 0 : index
    %get3A_116 = vector.load %arg11[%get3A_114, %get3A_115] : memref<64x1xf32, #tpu.memory_space<vmem>>, vector<64x1xf32>
    %dot_general3A_117 = arith.constant dense<0.000000e+00> : vector<4096x1xf32>
    %dot_general3A_118 = tpu.matmul %max3A_113, %get3A_116, %dot_general3A_117 {dimension_numbers = #tpu.dot_dimension_numbers<[1], [0], [0], [1], [0, 0, 1, 1], [], []>, transpose_lhs_hint = false} : vector<4096x64xf32>, vector<64x1xf32>, vector<4096x1xf32> -> vector<4096x1xf32>
    %get3A_119 = arith.constant 0 : index
    %get3A_120 = arith.constant 0 : index
    %get3A_121 = vector.load %arg12[%get3A_119, %get3A_120] : memref<1x1xf32, #tpu.memory_space<vmem>>, vector<1x1xf32>
    %add3A_122 = vector.broadcast %get3A_121 : vector<1x1xf32> to vector<4096x1xf32>
    %add3A_123 = arith.addf %dot_general3A_118, %add3A_122 : vector<4096x1xf32>
    %add3A_124 = arith.addf %add3A_23, %mul3A_11 : vector<4096x1xf32>
    %add3A_125 = arith.addf %add3A_124, %add3A_123 : vector<4096x1xf32>
    %neg3A = arith.constant 0.000000e+00 : f32
    %neg3A_126 = vector.broadcast %neg3A : f32 to vector<4096x1xf32>
    %neg3A_127 = arith.subf %neg3A_126, %add3A_125 : vector<4096x1xf32>
    %exp3A = math.exp %neg3A_127 : vector<4096x1xf32>
    %add3A_128 = arith.constant 1.000000e+00 : f32
    %add3A_129 = vector.broadcast %add3A_128 : f32 to vector<4096x1xf32>
    %add3A_130 = arith.addf %add3A_129, %exp3A : vector<4096x1xf32>
    %div3A_131 = arith.constant 1.000000e+00 : f32
    %div3A_132 = vector.broadcast %div3A_131 : f32 to vector<4096x1xf32>
    %div3A_133 = arith.divf %div3A_132, %add3A_130 : vector<4096x1xf32>
    %swap3A = arith.constant 0 : index
    %swap3A_134 = arith.constant 0 : index
    %swap3A_135 = vector.load %arg13[%swap3A, %swap3A_134] : memref<4096x1xf32, #tpu.memory_space<vmem>>, vector<4096x1xf32>
    tpu.vector_store %arg13[%swap3A, %swap3A_134], %div3A_133 {strides = array<i32>} : memref<4096x1xf32, #tpu.memory_space<vmem>>, vector<4096x1xf32>,
    return
  }
}

</mosaic_0001>

<sc_bundles>
// kernel: kernel.5.cloned.1.call-start
scs
__scs_entry_jumppad:
0x0: {  	(pc) =	sbr.rel $0x88, $3  }
0x1: {  	(tag) =	ssettag $0x0;
	lr =	simm.s32 $0x1  }
0x2: {  	[smem:$0x3F92] =	sst lr;
	_ =	strace $0xD0000000  }
0x3: {  	_ = 	snop  }
0x4: {  	_ = 	snop  }
0x5: {  	_ = 	snop  }
0x6: {  	_ = 	snop  }
0x7: {  	_ = 	snop  }
__scs_overlays_trampoline_lowered:
0x8: {  	[smem:$0x3FA1] =	sst s0  }
0x9: {  	[smem:$0x3FA2] =	sst s1  }
0xa: {  	[smem:$0x3FA3] =	sst s2  }
0xb: {  	[smem:$0x3FA4] =	sst s3  }
0xc: {  	[smem:$0x3FA5] =	sst s4  }
0xd: {  	[smem:$0x3FA6] =	sst s5  }
0xe: {  	[smem:$0x3FA7] =	sst s6  }
0xf: {  	[smem:$0x3FA8] =	sst s7  }
0x10: {  	[smem:$0x3FA9] =	sst s8  }
0x11: {  	[smem:$0x3FAA] =	sst s9;
	s0 =	simm.s32 @!p0 $0x0  }
0x12: {  	s1 =	sld [smem:$0x3F90];
	s0 =	simm.s32 @p0 $0x1  }
0x13: {  	[smem:$0x3FAB] =	sst s0;
	s0 =	simm.s32 @!p1 $0x0  }
0x14: {  	s2 =	sld [smem:$0x3F8F];
	s0 =	simm.s32 @p1 $0x1  }
0x15: {  	[smem:$0x3FAC] =	sst s0;
	s0 =	simm.s32 @!p2 $0x0  }
0x16: {  	s3 =	sld [smem:$0x3FDB];
	s0 =	simm.s32 @p2 $0x1  }
0x17: {  	s4 =	simm.s32 $0x1BF5;
	[smem:$0x3FAE] =	sst s0  }
0x18: {  	s0 =	sld [smem:$0x3F91];
	_ =	swait.ge [sflag:s4], $0x0  }
0x19: {  	s7 =	sld [smem:$0x3F92]  }
0x1a: {  	s8 =	sadd.s32 $0xFFFFE003, lr  }
0x1b: {  	s9 =	sadd.s32 $0xFFFFFEF7, lr;
	s5 =	simm.s32 $0xFFFFFFFF;
	p2 =	slt.u32 s8, $0xFFFFF086  }
0x1c: {  	p1 =	slt.u32 s9, $0xF7A;
	s5 =	simm.s32 @!p2 $0x0  }
0x1d: {  	s5 =	simm.s32 @p1 $0x1;
	p0 =	seq.s32 s7, s2  }
0x1e: {  	s7 =	smul.u32 @!p0 $0xF7A, s2;
	p2 =	seq.s32 @!p0 s5, $0x0  }
0x1f: {  	s9 =	smul.u32 $0xF7A, s1;
	s8 =	simm.s32 @!p0 $0x1BF5;
	p2 =	por !p2, p0  }
0x20: {  	[sflag:s8] =	ssyncset.s32 @!p0 $0xFFFFF086;
	s6 =	sadd.s32 @!p0 s3, s7;
	s7 =	simm.s32 @!p0 $0x108  }
0x21: {  	s3 =	sadd.s32 s3, s9;
	s6 =	sadd.s32 @!p0 $0x88, s6;
	s7 =	simm.s32 @p2 $0x1082  }
0x22: {  	[simem:s7], [sflag:s8] =	dma.local @!p0 [hbm:s6], $0xF7A  }
0x23: {  	s9 =	sor.u32 $0xD0000000, s2;
	s6 =	simm.s32 $0x108;
	_ =	swait.ge @!p0 [sflag:s8], $0x0  }
0x24: {  	s3 =	sadd.s32 $0x88, s3;
	s6 =	simm.s32 @!p1 $0x1082;
	[sflag:s4] =	ssyncset.s32 $0xFFFFF086  }
0x25: {  	[simem:s6], [sflag:s4] =	dma.local [hbm:s3], $0xF7A  }
0x26: {  	[smem:$0x3F92] =	sst s1;
	(tag) =	ssettag s2;
	_ =	strace s9  }
0x27: {  	s1 =	sld [smem:$0x3FA2]  }
0x28: {  	s2 =	sld [smem:$0x3FA3]  }
0x29: {  	s4 =	sld [smem:$0x3FA5]  }
0x2a: {  	p0 =	seq.s32 s5, $0x0;
	s5 =	sld [smem:$0x3FA6]  }
0x2b: {  	s6 =	sld [smem:$0x3FA7]  }
0x2c: {  	s7 =	sld [smem:$0x3FA8]  }
0x2d: {  	s3 =	simm.s32 $0x108;
	s8 =	sld [smem:$0x3FA9]  }
0x2e: {  	s3 =	simm.s32 @!p0 $0x1082;
	s9 =	sld [smem:$0x3FAA]  }
0x2f: {  	lr =	sadd.s32 s0, s3;
	s0 =	sld [smem:$0x3FA1]  }
0x30: {  	s3 =	sld [smem:$0x3FA4]  }
0x31: {  	[smem:$0x3FAD] =	sst s10  }
0x32: {  	s10 =	sld [smem:$0x3FAB];
	_ =	sdelay $0x3  }
0x33: {  	p0 =	seq.s32 s10, $0x1;
	s10 =	sld [smem:$0x3FAD];
	_ =	sdelay $0x3  }
0x34: {  	[smem:$0x3FAD] =	sst s10  }
0x35: {  	s10 =	sld [smem:$0x3FAC];
	_ =	sdelay $0x3  }
0x36: {  	p1 =	seq.s32 s10, $0x1;
	s10 =	sld [smem:$0x3FAD];
	_ =	sdelay $0x3  }
0x37: {  	[smem:$0x3FAD] =	sst s10  }
0x38: {  	s10 =	sld [smem:$0x3FAE]  }
0x39: {  	_ = 	snop;
	(pc) =	sbr.ind lr, $3  }
0x3a: {  	_ = 	snop  }
0x3b: {  	_ = 	snop  }
0x3c: {  	p2 =	seq.s32 s10, $0x1;
	s10 =	sld [smem:$0x3FAD]  }
0x3d: {  	_ =	shalt  }
0x3e: {  	_ =	shalt  }
0x3f: {  	_ =	shalt  }
0x40: {  	_ =	shalt  }
0x41: {  	_ =	shalt  }
0x42: {  	_ =	shalt  }
0x43: {  	_ =	shalt  }
0x44: {  	_ =	shalt  }
0x45: {  	_ =	shalt  }
0x46: {  	_ =	shalt  }
0x47: {  	_ =	shalt  }
0x48: {  	_ =	shalt  }
0x49: {  	_ =	shalt  }
0x4a: {  	_ =	shalt  }
0x4b: {  	_ =	shalt  }
0x4c: {  	_ =	shalt  }
0x4d: {  	_ =	shalt  }
0x4e: {  	_ =	shalt  }
0x4f: {  	_ =	shalt  }
0x50: {  	_ =	shalt  }
0x51: {  	_ =	shalt  }
0x52: {  	_ =	shalt  }
0x53: {  	_ =	shalt  }
0x54: {  	_ =	shalt  }
0x55: {  	_ =	shalt  }
0x56: {  	_ =	shalt  }
0x57: {  	_ =	shalt  }
0x58: {  	_ =	shalt  }
0x59: {  	_ =	shalt  }
0x5a: {  	_ =	shalt  }
0x5b: {  	_ =	shalt  }
0x5c: {  	_ =	shalt  }
0x5d: {  	_ =	shalt  }
0x5e: {  	_ =	shalt  }
0x5f: {  	_ =	shalt  }
0x60: {  	_ =	shalt  }
0x61: {  	_ =	shalt  }
0x62: {  	_ =	shalt  }
0x63: {  	_ =	shalt  }
0x64: {  	_ =	shalt  }
0x65: {  	_ =	shalt  }
0x66: {  	_ =	shalt  }
0x67: {  	_ =	shalt  }
0x68: {  	_ =	shalt  }
0x69: {  	_ =	shalt  }
0x6a: {  	_ =	shalt  }
0x6b: {  	_ =	shalt  }
0x6c: {  	_ =	shalt  }
0x6d: {  	_ =	shalt  }
0x6e: {  	_ =	shalt  }
0x6f: {  	_ =	shalt  }
0x70: {  	_ =	shalt  }
0x71: {  	_ =	shalt  }
0x72: {  	_ =	shalt  }
0x73: {  	_ =	shalt  }
0x74: {  	_ =	shalt  }
0x75: {  	_ =	shalt  }
0x76: {  	_ =	shalt  }
0x77: {  	_ =	shalt  }
0x78: {  	_ =	shalt  }
0x79: {  	_ =	shalt  }
0x7a: {  	_ =	shalt  }
0x7b: {  	_ =	shalt  }
0x7c: {  	_ =	shalt  }
0x7d: {  	_ =	shalt  }
0x7e: {  	_ =	shalt  }
0x7f: {  	_ =	shalt  }
0x80: {  	_ =	shalt  }
0x81: {  	_ =	shalt  }
0x82: {  	_ =	shalt  }
0x83: {  	_ =	shalt  }
0x84: {  	_ =	shalt  }
0x85: {  	_ =	shalt  }
0x86: {  	_ =	shalt  }
0x87: {  	_ =	shalt  }
.Lfunc_end0:
.L_simem_size_0:
called_computation_lowered:
.L_overlay_start_0:
0x88: {  	s2 =	sld [smem:$0x3FD9]  }
0x89: {  	s3 =	sld [smem:$0x3FFE];
	_ =	sdelay $0x1  }
0x8a: {  	s1 =	srdreg.scid  }
0x8b: {  	s0 =	sand.u32 $0x1, s1  }
0x8c: {  	s17 =	sshll.u32 s0, $0xA;
	s2 =	sadd.s32 s3, s2  }
0x8d: {  	s2 =	sadd.s32 s2, s17  }
0x8e: {  	[smem:$0x3FB9] =	sst s2  }
0x8f: {  	_ = 	snop  }
0x90: {  	s2 =	sld [smem:$0x3FC9]  }
0x91: {  	s18 =	sld [smem:$0x3FC8];
	(tm) =	ssettm $0x1  }
0x92: {  	s4 =	sld [smem:$0x3FFB];
	_ =	sdelay $0x3  }
0x93: {  	_ =	strace s4  }
0x94: {  	s4 =	sld [smem:$0x3FFC];
	_ =	sdelay $0x3  }
0x95: {  	_ =	strace s4  }
0x96: {  	s4 =	sld [smem:$0x3FFD];
	_ =	sdelay $0x3  }
0x97: {  	_ =	strace s4  }
0x98: {  	_ =	strace $0x8FFFFFFF  }
0x99: {  	s19 =	sld [smem:$0x3FDB];
	_ =	sdelay $0x1  }
0x9a: {  	s5 =	simm.s32 $_scs_section_size  }
0x9b: {  	s6 =	simm.s32 $_size__tile_overlayer_lowered;
	s7 =	simm.s32 $_tile_overlayer_lowered  }
0x9c: {  	s22 =	simm.s32 $0x1BFF;
	s21 =	sshll.u32 s7, $0x1;
	s4 =	sadd.s32 s5, s19  }
0x9d: {  	s8 =	simm.s32 $0x0;
	s20 =	sshll.u32 s6, $0x1;
	s6 =	sadd.s32 s21, s4  }
0x9e: {  	[timem:s8], [sflag:s22] =	dma.local [hbm:s6], s20  }
0x9f: {  	_ =	swait.ge [sflag:s22], s20  }
0xa0: {  	s5 =	ssub.s32 $0x0, s20;
	[sflag:s22] =	ssyncset.done $0x0  }
0xa1: {  	[sflag:s22] =	ssyncadd.s32 s5;
	_ =	sdelay $0x1  }
0xa2: {  	s23 =	simm.s32 $0x1B8B  }
0xa3: {  	_ =	swait.ge [sflag:s23], $0x1  }
0xa4: {  	[sflag:s23] =	ssyncset.done $0x0  }
0xa5: {  	s25 =	simm.s32 $0x1B8E;
	s24 =	sld [smem:$0x3FFE];
	[sflag:s23] =	ssyncadd.s32 $0xFFFFFFFF  }
0xa6: {  	s26 =	simm.s32 $execute0_lowered;
	[smem:$0x3FD2] =	sst s25  }
0xa7: {  	s6 =	sshll.u32 s26, $0x1;
	_ =	strace $0x80000046;
	[dreg:$0x1] =	wrdreg $0xFFFFFFFF  }
0xa8: {  	s28 =	simm.s32 $_size_execute0_lowered;
	s4 =	sadd.s32 s4, s6;
	[dreg:$0x0] =	wrdreg $0x0  }
0xa9: {  	s6 =	sshll.u32 s28, $0x1;
	[dreg:$0x2] =	wrdreg s4  }
0xaa: {  	[dreg:$0x3] =	wrdreg s6  }
0xab: {  	[dreg:$0x4] =	wrdreg $0xC0  }
0xac: {  	_ =	task [dreg:s8], $0x5FFFF  }
0xad: {  	[dreg:$0x1] =	wrdreg $0xFFFFFFFF  }
0xae: {  	[dreg:$0x0] =	wrdreg $0x60  }
0xaf: {  	[dreg:$0x2] =	wrdreg s2  }
0xb0: {  	[dreg:$0x3] =	wrdreg s18  }
0xb1: {  	[dreg:$0x4] =	wrdreg s24  }
0xb2: {  	[dreg:$0x5] =	wrdreg $0x9  }
0xb3: {  	_ =	task.clear_ibuf [dreg:s8], $0x6FFFF;
	_ =	strace $0x90000046  }
0xb4: {  	s29 =	simm.s32 $0x9;
	_ =	strace $0x80000048  }
0xb5: {  	_ =	swait.ge [sflag:s29], $0x1  }
0xb6: {  	[sflag:s29] =	ssyncadd.s32 $0xFFFFFFFF  }
0xb7: {  	_ =	strace $0x90000048  }
0xb8: {  	_ =	sfence  }
0xb9: {  	s30 =	sld [smem:$0x0];
	_ =	sdelay $0x2  }
0xba: {  	s31 =	sshll.u32 s1, $0xD;
	s1 =	sshrl.u32 s1, $0x2  }
0xbb: {  	s3 =	sand.u32 $0x4000, s31;
	s1 =	sadd.s32 s1, s30  }
0xbc: {  	s0 =	sor.u32 s3, s0;
	s1 =	sshll.u32 s1, $0x11  }
0xbd: {  	s0 =	sor.u32 s1, s0  }
0xbe: {  	s0 =	sadd.s32 $0x8F2B, s0  }
0xbf: {  	[sflag:s0] =	ssyncadd.remote.s32 $0x1  }
0xc0: {  	_ =	sfence.sel $0xFFFF  }
0xc1: {  	[dreg:$0x0] =	wrdreg $0xFFFFFFFF;
	(pc) =	sbr.abs _section_cstart, $3  }
0xc2: {  	[dreg:$0x1] =	wrdreg $0xFFFFFFFF  }
0xc3: {  	_ =	task.clear_ibuf [dreg:s8], $0x2FFFF;
	_ =	strace $0x9FFFFFFF  }
0xc4: {  	(tm) =	ssettm $0x7FFFFFFF  }
0xc5: {  	_ =	shalt  }
tec
execute0_lowered:
.L_overlay_start_1:
0x0: {  	(tag) =	ssettag $0x1  }
0x1: {  	s1 =	rddreg [dreg:$0x0];
	s2 =	srdreg.scid;
	v0 =	vlaneseq.u32  }
0x2: {  	s3 =	rddreg [dreg:$0x1];
	s5 =	sand.u32 $0x1, s2;
	s2 =	simm.s32 $0x0;
	v1 =	vmul.u32 $0x8, v0  }
0x3: {  	[smem:$0x7FF] =	sst s2  }
0x4: {  	s4 =	rddreg [dreg:$0x2];
	_ =	strace $0x80000047;
	v0 =	vor.u32 $0x1, v1;
	[tilespmem:$0x1FFE0] =	vst v1  }
0x5: {  	v63 =	vor.u32 $0x2, v1;
	[tilespmem:$0x1FC10] =	vst v0  }
0x6: {  	v4 =	vor.u32 $0x3, v1;
	[tilespmem:$0x1FC20] =	vst v63  }
0x7: {  	v5 =	vor.u32 $0x4, v1;
	[tilespmem:$0x1FC30] =	vst v4  }
0x8: {  	v6 =	vor.u32 $0x5, v1;
	[tilespmem:$0x1FC40] =	vst v5  }
0x9: {  	v7 =	vor.u32 $0x6, v1;
	[tilespmem:$0x1FC50] =	vst v6  }
0xa: {  	v8 =	vor.u32 $0x7, v1;
	[tilespmem:$0x1FC60] =	vst v7  }
0xb: {  	v9 =	vor.u32 $0x80, v1;
	[tilespmem:$0x1FC70] =	vst v8  }
0xc: {  	v10 =	vor.u32 $0x81, v1;
	[tilespmem:$0x1FC80] =	vst v9  }
0xd: {  	v11 =	vor.u32 $0x82, v1;
	[tilespmem:$0x1FC90] =	vst v10  }
0xe: {  	v12 =	vor.u32 $0x83, v1;
	[tilespmem:$0x1FCA0] =	vst v11  }
0xf: {  	v13 =	vor.u32 $0x84, v1;
	[tilespmem:$0x1FCB0] =	vst v12  }
0x10: {  	v14 =	vor.u32 $0x85, v1;
	[tilespmem:$0x1FCC0] =	vst v13  }
0x11: {  	v15 =	vor.u32 $0x86, v1;
	[tilespmem:$0x1FCD0] =	vst v14  }
0x12: {  	v16 =	vor.u32 $0x87, v1;
	[tilespmem:$0x1FCE0] =	vst v15  }
0x13: {  	v17 =	vor.u32 $0x100, v1;
	[tilespmem:$0x1FCF0] =	vst v16  }
0x14: {  	v18 =	vor.u32 $0x101, v1;
	[tilespmem:$0x1FD00] =	vst v17  }
0x15: {  	v19 =	vor.u32 $0x102, v1;
	[tilespmem:$0x1FD10] =	vst v18  }
0x16: {  	v20 =	vor.u32 $0x103, v1;
	[tilespmem:$0x1FD20] =	vst v19  }
0x17: {  	v21 =	vor.u32 $0x104, v1;
	[tilespmem:$0x1FD30] =	vst v20  }
0x18: {  	v22 =	vor.u32 $0x105, v1;
	[tilespmem:$0x1FD40] =	vst v21  }
0x19: {  	v23 =	vor.u32 $0x106, v1;
	[tilespmem:$0x1FD50] =	vst v22  }
0x1a: {  	v24 =	vor.u32 $0x107, v1;
	[tilespmem:$0x1FD60] =	vst v23  }
0x1b: {  	v25 =	vor.u32 $0x180, v1;
	[tilespmem:$0x1FD70] =	vst v24  }
0x1c: {  	v26 =	vor.u32 $0x181, v1;
	[tilespmem:$0x1FD80] =	vst v25  }
0x1d: {  	v27 =	vor.u32 $0x182, v1;
	[tilespmem:$0x1FD90] =	vst v26  }
0x1e: {  	v28 =	vor.u32 $0x183, v1;
	[tilespmem:$0x1FDA0] =	vst v27  }
0x1f: {  	v29 =	vor.u32 $0x184, v1;
	[tilespmem:$0x1FDB0] =	vst v28  }
0x20: {  	v30 =	vor.u32 $0x185, v1;
	[tilespmem:$0x1FDC0] =	vst v29  }
0x21: {  	v31 =	vor.u32 $0x186, v1;
	[tilespmem:$0x1FDD0] =	vst v30  }
0x22: {  	v32 =	vor.u32 $0x187, v1;
	[tilespmem:$0x1FDE0] =	vst v31  }
0x23: {  	v33 =	vor.u32 $0x200, v1;
	[tilespmem:$0x1FDF0] =	vst v32  }
0x24: {  	v34 =	vor.u32 $0x201, v1;
	[tilespmem:$0x1FE00] =	vst v33  }
0x25: {  	v35 =	vor.u32 $0x202, v1;
	[tilespmem:$0x1FE10] =	vst v34  }
0x26: {  	v36 =	vor.u32 $0x203, v1;
	[tilespmem:$0x1FE20] =	vst v35  }
0x27: {  	v37 =	vor.u32 $0x204, v1;
	[tilespmem:$0x1FE30] =	vst v36  }
0x28: {  	v38 =	vor.u32 $0x205, v1;
	[tilespmem:$0x1FE40] =	vst v37  }
0x29: {  	v39 =	vor.u32 $0x206, v1;
	[tilespmem:$0x1FE50] =	vst v38  }
0x2a: {  	s12 =	simm.s32 $0x180;
	v40 =	vor.u32 $0x207, v1;
	[tilespmem:$0x1FE60] =	vst v39  }
0x2b: {  	s13 =	simm.s32 $0x1200;
	[dreg:$0x8] =	wrdreg s12;
	v41 =	vor.u32 $0x280, v1;
	[tilespmem:$0x1FE70] =	vst v40  }
0x2c: {  	s14 =	simm.s32 $0x200;
	[dreg:$0x9] =	wrdreg s13;
	v42 =	vor.u32 $0x281, v1;
	[tilespmem:$0x1FE80] =	vst v41  }
0x2d: {  	s0 =	stileid.u32;
	s15 =	simm.s32 $0x1A00;
	[dreg:$0xa] =	wrdreg s14;
	v43 =	vor.u32 $0x282, v1;
	[tilespmem:$0x1FE90] =	vst v42  }
0x2e: {  	s16 =	simm.s32 $0x280;
	s17 =	simm.s32 $0x2200;
	[dreg:$0xb] =	wrdreg s15;
	v44 =	vor.u32 $0x283, v1;
	[tilespmem:$0x1FEA0] =	vst v43  }
0x2f: {  	s18 =	simm.s32 $0x300;
	s19 =	simm.s32 $0x2A00;
	[dreg:$0xc] =	wrdreg s16;
	v45 =	vor.u32 $0x284, v1;
	[tilespmem:$0x1FEB0] =	vst v44  }
0x30: {  	s21 =	simm.s32 $0x380;
	s22 =	simm.s32 $0x3200;
	[dreg:$0xd] =	wrdreg s17;
	v46 =	vor.u32 $0x285, v1;
	[tilespmem:$0x1FEC0] =	vst v45  }
0x31: {  	s23 =	simm.s32 $0x400;
	s24 =	simm.s32 $0x3A00;
	[dreg:$0xe] =	wrdreg s18;
	v47 =	vor.u32 $0x286, v1;
	[tilespmem:$0x1FED0] =	vst v46  }
0x32: {  	s25 =	simm.s32 $0x480;
	s8 =	simm.s32 $0x100;
	[dreg:$0xf] =	wrdreg s19;
	v48 =	vor.u32 $0x287, v1;
	[tilespmem:$0x1FEE0] =	vst v47  }
0x33: {  	s26 =	simm.s32 $0x4200;
	s28 =	simm.s32 $0x880;
	[dreg:$0x10] =	wrdreg s21;
	v49 =	vor.u32 $0x300, v1;
	[tilespmem:$0x1FEF0] =	vst v48  }
0x34: {  	s29 =	simm.s32 $0x8200;
	s30 =	simm.s32 $0x980;
	[dreg:$0x11] =	wrdreg s22;
	v50 =	vor.u32 $0x301, v1;
	[tilespmem:$0x1FF00] =	vst v49  }
0x35: {  	s31 =	simm.s32 $0xCA00;
	s6 =	sshll.u32 s0, $0x1;
	[dreg:$0x12] =	wrdreg s23;
	v51 =	vor.u32 $0x302, v1;
	[tilespmem:$0x1FF10] =	vst v50  }
0x36: {  	s6 =	sor.u32 s5, s6;
	s5 =	ssub.s32 $0x2, s5;
	[dreg:$0x13] =	wrdreg s24;
	v52 =	vor.u32 $0x303, v1;
	[tilespmem:$0x1FF20] =	vst v51  }
0x37: {  	s7 =	sshll.u32 s6, $0x4;
	s6 =	sshll.u32 s6, $0xB;
	[dreg:$0x14] =	wrdreg s25;
	v53 =	vor.u32 $0x304, v1;
	[tilespmem:$0x1FF30] =	vst v52  }
0x38: {  	s20 =	sshrl.u32 s5, $0x1;
	[dreg:$0x15] =	wrdreg s26;
	s12 =	simm.s32 $0x1;
	v54 =	vor.u32 $0x305, v1;
	[tilespmem:$0x1FF40] =	vst v53  }
0x39: {  	s13 =	simm.s32 $0x500;
	s14 =	simm.s32 $0x4A00;
	s17 =	simm.s32 $0x600;
	v55 =	vor.u32 $0x306, v1;
	[tilespmem:$0x1FF50] =	vst v54  }
0x3a: {  	s18 =	simm.s32 $0x5A00;
	s19 =	simm.s32 $0x680;
	s21 =	simm.s32 $0x700;
	v56 =	vor.u32 $0x307, v1;
	[tilespmem:$0x1FF60] =	vst v55  }
0x3b: {  	s22 =	simm.s32 $0x6A00;
	v57 =	vor.u32 $0x380, v1;
	s23 =	simm.s32 $0x780;
	s24 =	simm.s32 $0x7200;
	[tilespmem:$0x1FF70] =	vst v56  }
0x3c: {  	s25 =	simm.s32 $0x800;
	v58 =	vor.u32 $0x381, v1;
	s26 =	simm.s32 $0x7A00;
	s1 =	sadd.s32 s1, s7;
	[tilespmem:$0x1FF80] =	vst v57  }
0x3d: {  	v59 =	vor.u32 $0x382, v1;
	s6 =	sadd.s32 s6, s4;
	s9 =	sadd.s32 s3, s7;
	s3 =	sadd.s32 $0x1600, s4;
	[tilespmem:$0x1FF90] =	vst v58  }
0x3e: {  	v60 =	vor.u32 $0x383, v1;
	s4 =	sadd.s32 $0x1A1600, s4;
	s5 =	ssub.s32 s5, s20;
	[tilespmem:$0x1FFA0] =	vst v59;
	[dreg:$0x4] =	wrdreg s1  }
0x3f: {  	v61 =	vor.u32 $0x384, v1;
	s7 =	simm.s32 $0x80;
	s20 =	simm.s32 $0x6200;
	[tilespmem:$0x1FFB0] =	vst v60;
	[dreg:$0x5] =	wrdreg s9  }
0x40: {  	v62 =	vor.u32 $0x385, v1;
	[tilespmem:$0x1FFC0] =	vst v61;
	s10 =	sadd.s32 $0x1A7800, s6;
	s11 =	sadd.s32 $0x1B7800, s6;
	s5 =	smax.u32 s5, $0x1  }
0x41: {  	[tilespmem:$0x1FFD0] =	vst v62;
	v63 =	vor.u32 $0x386, v1;
	s6 =	simm.s32 $0x3;
	s9 =	simm.s32 $0xA00;
	[dreg:$0x6] =	wrdreg s10  }
0x42: {  	[tilespmem:$0x1FFF0] =	vst v63;
	s1 =	simm.s32 $0x2;
	[dreg:$0x7] =	wrdreg s11;
	s11 =	simm.s32 $0x8A00  }
.LBB2_1:
0x43: {  	s0 =	rddreg [dreg:$0x4]  }
0x44: {  	[tilespmem:s2], [sflag:$0x3] =	stream.linear.gather [hbm4b:s0+s2], $0x80, $0x38;
	[tilespmem:$0x10A00] =	vst v63  }
0x45: {  	_ =	swait.ge [sflag:s6], $0x80  }
0x46: {  	[sflag:s6] =	ssyncset.done $0x0  }
0x47: {  	s15 =	rddreg [dreg:$0x5];
	[sflag:s6] =	ssyncadd.s32 $0xFFFFFF80  }
0x48: {  	[tilespmem:s7], [sflag:$0x3] =	stream.linear.gather [hbm4b:s15+s2], $0x80, $0x38;
	[tilespmem:$0x10A00] =	vst v63  }
0x49: {  	_ =	swait.ge [sflag:s6], $0x80  }
0x4a: {  	[sflag:s6] =	ssyncset.done $0x0  }
0x4b: {  	v1 =	vld [tilespmem:$0x1FFE0];
	[sflag:s6] =	ssyncadd.s32 $0xFFFFFF80  }
0x4c: {  	v0 =	vld [tilespmem:$0x80]  }
0x4d: {  	v2 =	vld [tilespmem:$0x90]  }
0x4e: {  	v3 =	vld [tilespmem:$0xA0]  }
0x4f: {  	v4 =	vld [tilespmem:$0xB0]  }
0x50: {  	v5 =	vld [tilespmem:$0xC0]  }
0x51: {  	v6 =	vld [tilespmem:$0xD0]  }
0x52: {  	v7 =	vld [tilespmem:$0xE0]  }
0x53: {  	v8 =	vld [tilespmem:$0x0];
	v0 =	vadd.s32 $0x186A0, v0  }
0x54: {  	v22 =	vld [tilespmem:$0x1FC10];
	v32 =	vadd.s32 $0x186A0, v2;
	[tilespmem:$0x80] =	vst v0  }
0x55: {  	v34 =	vld [tilespmem:$0xF0];
	v33 =	vadd.s32 $0x186A0, v3;
	[tilespmem:$0x90] =	vst v32  }
0x56: {  	v49 =	vld [tilespmem:$0x1FC20];
	v35 =	vadd.s32 $0x186A0, v4;
	[tilespmem:$0xA0] =	vst v33  }
0x57: {  	v51 =	vld [tilespmem:$0x1FC30];
	v36 =	vadd.s32 $0x186A0, v5;
	v37 =	vadd.s32 $0x186A0, v6;
	[tilespmem:$0xB0] =	vst v35  }
0x58: {  	v52 =	vld [tilespmem:$0x1FC40];
	v38 =	vadd.s32 $0x186A0, v7;
	v39 =	vshll.u32 v8, $0x2;
	v40 =	vshll.u32 v8, $0x3;
	[tilespmem:$0xC0] =	vst v36  }
0x59: {  	v26 =	vld [tilespmem:$0x1FC50];
	v43 =	vshrl.u32 v8, $0xB;
	[tilespmem:$0xD0] =	vst v37;
	v41 =	vand.u32 $0xFFFF0000, v39;
	v42 =	vand.u32 $0xFFF8, v40  }
0x5a: {  	v27 =	vld [tilespmem:$0x1FC60];
	v44 =	vadd.s32 $0x186A0, v34;
	[tilespmem:$0xE0] =	vst v38;
	v46 =	vand.u32 $0x4, v43;
	v45 =	vor.u32 v42, v41  }
0x5b: {  	v28 =	vld [tilespmem:$0x1FC70];
	[tilespmem:$0xF0] =	vst v44;
	v47 =	vor.u32 v46, v45  }
0x5c: {  	[tilespmem:v1+s8+$0x0] =	vst.idx.msk $0xffff, v47;
	v2 =	vor.u32 $0x1, v47  }
0x5d: {  	v48 =	vor.u32 $0x2, v47;
	[tilespmem:v22+s8+$0x0] =	vst.idx.msk $0xffff, v2  }
0x5e: {  	v50 =	vor.u32 $0x3, v47;
	[tilespmem:v49+s8+$0x0] =	vst.idx.msk $0xffff, v48  }
0x5f: {  	[tilespmem:v51+s8+$0x0] =	vst.idx.msk $0xffff, v50  }
0x60: {  	[tilespmem:v52+s8+$0x0] =	vst.idx.msk $0xffff, v47  }
0x61: {  	[tilespmem:v26+s8+$0x0] =	vst.idx.msk $0xffff, v47  }
0x62: {  	[tilespmem:v27+s8+$0x0] =	vst.idx.msk $0xffff, v47  }
0x63: {  	[tilespmem:v28+s8+$0x0] =	vst.idx.msk $0xffff, v47  }
0x64: {  	v0 =	vld [tilespmem:$0x10]  }
0x65: {  	v29 =	vld [tilespmem:$0x1FC80]  }
0x66: {  	v30 =	vld [tilespmem:$0x1FC90]  }
0x67: {  	v31 =	vld [tilespmem:$0x1FCA0]  }
0x68: {  	v32 =	vld [tilespmem:$0x1FCB0]  }
0x69: {  	v33 =	vld [tilespmem:$0x1FCC0];
	v53 =	vshll.u32 v0, $0x2;
	v54 =	vshll.u32 v0, $0x3  }
0x6a: {  	v34 =	vld [tilespmem:$0x1FCD0];
	v55 =	vshrl.u32 v0, $0xB;
	v2 =	vand.u32 $0xFFFF0000, v53;
	v3 =	vand.u32 $0xFFF8, v54  }
0x6b: {  	v56 =	vshra.s32 v8, $0x7;
	v35 =	vld [tilespmem:$0x1FCE0];
	v57 =	vand.u32 $0x4, v55;
	v2 =	vor.u32 v3, v2  }
0x6c: {  	v36 =	vld [tilespmem:$0x1FCF0];
	[tilespmem:$0x900] =	vst v56;
	v2 =	vor.u32 v57, v2  }
0x6d: {  	[tilespmem:v29+s8+$0x0] =	vst.idx.msk $0xffff, v2;
	v3 =	vor.u32 $0x1, v2  }
0x6e: {  	v58 =	vor.u32 $0x2, v2;
	[tilespmem:v30+s8+$0x0] =	vst.idx.msk $0xffff, v3  }
0x6f: {  	v59 =	vor.u32 $0x3, v2;
	[tilespmem:v31+s8+$0x0] =	vst.idx.msk $0xffff, v58  }
0x70: {  	[tilespmem:v32+s8+$0x0] =	vst.idx.msk $0xffff, v59  }
0x71: {  	[tilespmem:v33+s8+$0x0] =	vst.idx.msk $0xffff, v2  }
0x72: {  	[tilespmem:v34+s8+$0x0] =	vst.idx.msk $0xffff, v2  }
0x73: {  	[tilespmem:v35+s8+$0x0] =	vst.idx.msk $0xffff, v2  }
0x74: {  	[tilespmem:v36+s8+$0x0] =	vst.idx.msk $0xffff, v2  }
0x75: {  	v2 =	vld [tilespmem:$0x20]  }
0x76: {  	v37 =	vld [tilespmem:$0x1FD00]  }
0x77: {  	v38 =	vld [tilespmem:$0x1FD10]  }
0x78: {  	v39 =	vld [tilespmem:$0x1FD20]  }
0x79: {  	v40 =	vld [tilespmem:$0x1FD30]  }
0x7a: {  	v41 =	vld [tilespmem:$0x1FD40];
	v60 =	vshll.u32 v2, $0x2;
	v61 =	vshll.u32 v2, $0x3  }
0x7b: {  	v42 =	vld [tilespmem:$0x1FD50];
	v62 =	vshrl.u32 v2, $0xB;
	v3 =	vand.u32 $0xFFFF0000, v60;
	v4 =	vand.u32 $0xFFF8, v61  }
0x7c: {  	v43 =	vld [tilespmem:$0x1FD60];
	v0 =	vshra.s32 v0, $0x7;
	v63 =	vand.u32 $0x4, v62;
	v3 =	vor.u32 v4, v3  }
0x7d: {  	v44 =	vld [tilespmem:$0x1FD70];
	[tilespmem:$0x910] =	vst v0;
	v7 =	vor.u32 v63, v3  }
0x7e: {  	[tilespmem:v37+s8+$0x0] =	vst.idx.msk $0xffff, v7;
	v3 =	vor.u32 $0x1, v7  }
0x7f: {  	v8 =	vor.u32 $0x2, v7;
	[tilespmem:v38+s8+$0x0] =	vst.idx.msk $0xffff, v3  }
0x80: {  	v9 =	vor.u32 $0x3, v7;
	[tilespmem:v39+s8+$0x0] =	vst.idx.msk $0xffff, v8  }
0x81: {  	[tilespmem:v40+s8+$0x0] =	vst.idx.msk $0xffff, v9  }
0x82: {  	[tilespmem:v41+s8+$0x0] =	vst.idx.msk $0xffff, v7  }
0x83: {  	[tilespmem:v42+s8+$0x0] =	vst.idx.msk $0xffff, v7  }
0x84: {  	[tilespmem:v43+s8+$0x0] =	vst.idx.msk $0xffff, v7  }
0x85: {  	[tilespmem:v44+s8+$0x0] =	vst.idx.msk $0xffff, v7  }
0x86: {  	v0 =	vld [tilespmem:$0x30]  }
0x87: {  	v45 =	vld [tilespmem:$0x1FD80]  }
0x88: {  	v46 =	vld [tilespmem:$0x1FD90]  }
0x89: {  	v47 =	vld [tilespmem:$0x1FDA0]  }
0x8a: {  	v48 =	vld [tilespmem:$0x1FDB0]  }
0x8b: {  	v49 =	vld [tilespmem:$0x1FDC0];
	v10 =	vshll.u32 v0, $0x2;
	v11 =	vshll.u32 v0, $0x3  }
0x8c: {  	v50 =	vld [tilespmem:$0x1FDD0];
	v12 =	vshrl.u32 v0, $0xB;
	v3 =	vand.u32 $0xFFFF0000, v10;
	v4 =	vand.u32 $0xFFF8, v11  }
0x8d: {  	v51 =	vld [tilespmem:$0x1FDE0];
	v2 =	vshra.s32 v2, $0x7;
	v13 =	vand.u32 $0x4, v12;
	v3 =	vor.u32 v4, v3  }
0x8e: {  	v52 =	vld [tilespmem:$0x1FDF0];
	[tilespmem:$0x920] =	vst v2;
	v14 =	vor.u32 v13, v3  }
0x8f: {  	[tilespmem:v45+s8+$0x0] =	vst.idx.msk $0xffff, v14;
	v3 =	vor.u32 $0x1, v14  }
0x90: {  	v15 =	vor.u32 $0x2, v14;
	[tilespmem:v46+s8+$0x0] =	vst.idx.msk $0xffff, v3  }
0x91: {  	v16 =	vor.u32 $0x3, v14;
	[tilespmem:v47+s8+$0x0] =	vst.idx.msk $0xffff, v15  }
0x92: {  	[tilespmem:v48+s8+$0x0] =	vst.idx.msk $0xffff, v16  }
0x93: {  	[tilespmem:v49+s8+$0x0] =	vst.idx.msk $0xffff, v14  }
0x94: {  	[tilespmem:v50+s8+$0x0] =	vst.idx.msk $0xffff, v14  }
0x95: {  	[tilespmem:v51+s8+$0x0] =	vst.idx.msk $0xffff, v14  }
0x96: {  	[tilespmem:v52+s8+$0x0] =	vst.idx.msk $0xffff, v14  }
0x97: {  	v2 =	vld [tilespmem:$0x40]  }
0x98: {  	v53 =	vld [tilespmem:$0x1FE00]  }
0x99: {  	v54 =	vld [tilespmem:$0x1FE10]  }
0x9a: {  	v55 =	vld [tilespmem:$0x1FE20]  }
0x9b: {  	v56 =	vld [tilespmem:$0x1FE30]  }
0x9c: {  	v57 =	vld [tilespmem:$0x1FE40];
	v17 =	vshll.u32 v2, $0x2;
	v18 =	vshll.u32 v2, $0x3  }
0x9d: {  	v58 =	vld [tilespmem:$0x1FE50];
	v19 =	vshrl.u32 v2, $0xB;
	v3 =	vand.u32 $0xFFFF0000, v17;
	v4 =	vand.u32 $0xFFF8, v18  }
0x9e: {  	v59 =	vld [tilespmem:$0x1FE60];
	v0 =	vshra.s32 v0, $0x7;
	v20 =	vand.u32 $0x4, v19;
	v3 =	vor.u32 v4, v3  }
0x9f: {  	v60 =	vld [tilespmem:$0x1FE70];
	[tilespmem:$0x930] =	vst v0;
	v21 =	vor.u32 v20, v3  }
0xa0: {  	[tilespmem:v53+s8+$0x0] =	vst.idx.msk $0xffff, v21;
	v3 =	vor.u32 $0x1, v21  }
0xa1: {  	v23 =	vor.u32 $0x2, v21;
	[tilespmem:v54+s8+$0x0] =	vst.idx.msk $0xffff, v3  }
0xa2: {  	v24 =	vor.u32 $0x3, v21;
	[tilespmem:v55+s8+$0x0] =	vst.idx.msk $0xffff, v23  }
0xa3: {  	[tilespmem:v56+s8+$0x0] =	vst.idx.msk $0xffff, v24  }
0xa4: {  	[tilespmem:v57+s8+$0x0] =	vst.idx.msk $0xffff, v21  }
0xa5: {  	[tilespmem:v58+s8+$0x0] =	vst.idx.msk $0xffff, v21  }
0xa6: {  	[tilespmem:v59+s8+$0x0] =	vst.idx.msk $0xffff, v21  }
0xa7: {  	[tilespmem:v60+s8+$0x0] =	vst.idx.msk $0xffff, v21  }
0xa8: {  	v0 =	vld [tilespmem:$0x50];
	_ =	sdelay $0x4  }
0xa9: {  	v25 =	vshll.u32 v0, $0x2;
	v61 =	vshll.u32 v0, $0x3  }
0xaa: {  	v62 =	vshrl.u32 v0, $0xB;
	v3 =	vand.u32 $0xFFFF0000, v25;
	v4 =	vand.u32 $0xFFF8, v61;
	v61 =	vld [tilespmem:$0x1FE80]  }
0xab: {  	v63 =	vand.u32 $0x4, v62;
	v62 =	vld [tilespmem:$0x1FE90];
	v3 =	vor.u32 v4, v3  }
0xac: {  	v8 =	vor.u32 v63, v3;
	v63 =	vld [tilespmem:$0x1FEA0]  }
0xad: {  	v11 =	vld [tilespmem:$0x1FEB0]  }
0xae: {  	v12 =	vld [tilespmem:$0x1FEC0]  }
0xaf: {  	v13 =	vld [tilespmem:$0x1FED0]  }
0xb0: {  	v14 =	vld [tilespmem:$0x1FEE0];
	v2 =	vshra.s32 v2, $0x7  }
0xb1: {  	v15 =	vld [tilespmem:$0x1FEF0];
	[tilespmem:$0x940] =	vst v2  }
0xb2: {  	v3 =	vor.u32 $0x1, v8;
	[tilespmem:v61+s8+$0x0] =	vst.idx.msk $0xffff, v8  }
0xb3: {  	v9 =	vor.u32 $0x2, v8;
	[tilespmem:v62+s8+$0x0] =	vst.idx.msk $0xffff, v3  }
0xb4: {  	v10 =	vor.u32 $0x3, v8;
	[tilespmem:v63+s8+$0x0] =	vst.idx.msk $0xffff, v9  }
0xb5: {  	[tilespmem:v11+s8+$0x0] =	vst.idx.msk $0xffff, v10  }
0xb6: {  	[tilespmem:v12+s8+$0x0] =	vst.idx.msk $0xffff, v8  }
0xb7: {  	[tilespmem:v13+s8+$0x0] =	vst.idx.msk $0xffff, v8  }
0xb8: {  	[tilespmem:v14+s8+$0x0] =	vst.idx.msk $0xffff, v8  }
0xb9: {  	[tilespmem:v15+s8+$0x0] =	vst.idx.msk $0xffff, v8  }
0xba: {  	v2 =	vld [tilespmem:$0x60]  }
0xbb: {  	v21 =	vld [tilespmem:$0x1FF00]  }
0xbc: {  	v24 =	vld [tilespmem:$0x1FF10]  }
0xbd: {  	v8 =	vld [tilespmem:$0x1FF20]  }
0xbe: {  	v10 =	vld [tilespmem:$0x1FF30]  }
0xbf: {  	v11 =	vld [tilespmem:$0x1FF40];
	v16 =	vshll.u32 v2, $0x2;
	v17 =	vshll.u32 v2, $0x3  }
0xc0: {  	v12 =	vld [tilespmem:$0x1FF50];
	v18 =	vshrl.u32 v2, $0xB;
	v3 =	vand.u32 $0xFFFF0000, v16;
	v4 =	vand.u32 $0xFFF8, v17  }
0xc1: {  	v0 =	vshra.s32 v0, $0x7;
	v13 =	vld [tilespmem:$0x1FF60];
	v19 =	vand.u32 $0x4, v18;
	v3 =	vor.u32 v4, v3  }
0xc2: {  	v14 =	vld [tilespmem:$0x1FF70];
	[tilespmem:$0x950] =	vst v0;
	v20 =	vor.u32 v19, v3  }
0xc3: {  	[tilespmem:v21+s8+$0x0] =	vst.idx.msk $0xffff, v20;
	v23 =	vor.u32 $0x1, v20  }
0xc4: {  	v25 =	vor.u32 $0x2, v20;
	[tilespmem:v24+s8+$0x0] =	vst.idx.msk $0xffff, v23  }
0xc5: {  	v9 =	vor.u32 $0x3, v20;
	[tilespmem:v8+s8+$0x0] =	vst.idx.msk $0xffff, v25  }
0xc6: {  	[tilespmem:v10+s8+$0x0] =	vst.idx.msk $0xffff, v9  }
0xc7: {  	[tilespmem:v11+s8+$0x0] =	vst.idx.msk $0xffff, v20  }
0xc8: {  	[tilespmem:v12+s8+$0x0] =	vst.idx.msk $0xffff, v20  }
0xc9: {  	[tilespmem:v13+s8+$0x0] =	vst.idx.msk $0xffff, v20  }
0xca: {  	[tilespmem:v14+s8+$0x0] =	vst.idx.msk $0xffff, v20  }
0xcb: {  	v3 =	vld [tilespmem:$0x70];
	_ =	sdelay $0x4  }
0xcc: {  	v7 =	vld [tilespmem:$0x1FF80];
	v15 =	vshll.u32 v3, $0x2;
	v16 =	vshll.u32 v3, $0x3  }
0xcd: {  	v9 =	vld [tilespmem:$0x1FF90];
	v17 =	vshrl.u32 v3, $0xB;
	v0 =	vand.u32 $0xFFFF0000, v15;
	v4 =	vand.u32 $0xFFF8, v16  }
0xce: {  	v11 =	vld [tilespmem:$0x1FFA0];
	v18 =	vand.u32 $0x4, v17;
	v0 =	vor.u32 v4, v0  }
0xcf: {  	v19 =	vor.u32 v18, v0;
	v0 =	vld [tilespmem:$0x1FFB0]  }
0xd0: {  	v23 =	vld [tilespmem:$0x1FFC0]  }
0xd1: {  	v24 =	vld [tilespmem:$0x1FFD0]  }
0xd2: {  	v2 =	vshra.s32 v2, $0x7;
	v25 =	vld [tilespmem:$0x1FFF0]  }
0xd3: {  	[tilespmem:$0x960] =	vst v2  }
0xd4: {  	[tilespmem:v7+s8+$0x0] =	vst.idx.msk $0xffff, v19;
	v8 =	vor.u32 $0x1, v19  }
0xd5: {  	v10 =	vor.u32 $0x2, v19;
	[tilespmem:v9+s8+$0x0] =	vst.idx.msk $0xffff, v8  }
0xd6: {  	v13 =	vor.u32 $0x387, v1;
	v12 =	vor.u32 $0x3, v19;
	[tilespmem:v11+s8+$0x0] =	vst.idx.msk $0xffff, v10  }
0xd7: {  	[tilespmem:v0+s8+$0x0] =	vst.idx.msk $0xffff, v12  }
0xd8: {  	[tilespmem:v23+s8+$0x0] =	vst.idx.msk $0xffff, v19  }
0xd9: {  	[tilespmem:v24+s8+$0x0] =	vst.idx.msk $0xffff, v19  }
0xda: {  	s16 =	rddreg [dreg:$0x8];
	[tilespmem:v25+s8+$0x0] =	vst.idx.msk $0xffff, v19  }
0xdb: {  	s10 =	rddreg [dreg:$0x9];
	v14 =	vshra.s32 v3, $0x7;
	[tilespmem:v13+s8+$0x0] =	vst.idx.msk $0xffff, v19  }
0xdc: {  	s0 =	rddreg [dreg:$0xa];
	[tilespmem:$0x970] =	vst v14  }
0xdd: {  	[tilespmem:s9], [sflag:$0x1] =	stream.indirect.gather [hbm4b:s3+s7], $0x10, s8, s7, $0xb8;
	[tilespmem:$0x10A00] =	vst v63  }
0xde: {  	s15 =	rddreg [dreg:$0xc]  }
0xdf: {  	[tilespmem:s10], [sflag:$0x1] =	stream.indirect.gather [hbm4b:s3+s7], $0x10, s16, s7, $0xb8;
	[tilespmem:$0x10A00] =	vst v63  }
0xe0: {  	s10 =	rddreg [dreg:$0xb]  }
0xe1: {  	s16 =	rddreg [dreg:$0xd]  }
0xe2: {  	[tilespmem:s10], [sflag:$0x1] =	stream.indirect.gather [hbm4b:s3+s7], $0x10, s0, s7, $0xb8;
	[tilespmem:$0x10A00] =	vst v63  }
0xe3: {  	s0 =	rddreg [dreg:$0xe]  }
0xe4: {  	s10 =	rddreg [dreg:$0xf]  }
0xe5: {  	[tilespmem:s16], [sflag:$0x1] =	stream.indirect.gather [hbm4b:s3+s7], $0x10, s15, s7, $0xb8;
	[tilespmem:$0x10A00] =	vst v63  }
0xe6: {  	s15 =	rddreg [dreg:$0x10]  }
0xe7: {  	s16 =	rddreg [dreg:$0x11]  }
0xe8: {  	[tilespmem:s10], [sflag:$0x1] =	stream.indirect.gather [hbm4b:s3+s7], $0x10, s0, s7, $0xb8;
	[tilespmem:$0x10A00] =	vst v63  }
0xe9: {  	s0 =	rddreg [dreg:$0x12]  }
0xea: {  	s10 =	rddreg [dreg:$0x13]  }
0xeb: {  	[tilespmem:s16], [sflag:$0x1] =	stream.indirect.gather [hbm4b:s3+s7], $0x10, s15, s7, $0xb8;
	[tilespmem:$0x10A00] =	vst v63  }
0xec: {  	s15 =	rddreg [dreg:$0x14]  }
0xed: {  	[tilespmem:s10], [sflag:$0x1] =	stream.indirect.gather [hbm4b:s3+s7], $0x10, s0, s7, $0xb8;
	[tilespmem:$0x10A00] =	vst v63  }
0xee: {  	s16 =	rddreg [dreg:$0x15]  }
0xef: {  	[tilespmem:s16], [sflag:$0x1] =	stream.indirect.gather [hbm4b:s3+s7], $0x10, s15, s7, $0xb8;
	[tilespmem:$0x10A00] =	vst v63  }
0xf0: {  	[tilespmem:$0x1FC00] =	vst v13;
	s15 =	simm.s32 $0x900  }
0xf1: {  	[tilespmem:s11], [sflag:$0x1] =	stream.indirect.gather [hbm4b:s4+s7], $0x80, s15, s7, $0xb8;
	[tilespmem:$0x10A00] =	vst v63  }
0xf2: {  	_ =	swait.ge [sflag:s12], $0x800  }
0xf3: {  	[sflag:s12] =	ssyncset.done $0x0  }
0xf4: {  	[sflag:s12] =	ssyncadd.s32 $0xFFFFF800  }
0xf5: {  	_ =	swait.ge [sflag:s12], $0x800  }
0xf6: {  	[sflag:s12] =	ssyncset.done $0x0  }
0xf7: {  	[sflag:s12] =	ssyncadd.s32 $0xFFFFF800  }
0xf8: {  	_ =	swait.ge [sflag:s12], $0x800  }
0xf9: {  	[sflag:s12] =	ssyncset.done $0x0  }
0xfa: {  	[sflag:s12] =	ssyncadd.s32 $0xFFFFF800  }
0xfb: {  	_ =	swait.ge [sflag:s12], $0x800  }
0xfc: {  	[sflag:s12] =	ssyncset.done $0x0  }
0xfd: {  	[sflag:s12] =	ssyncadd.s32 $0xFFFFF800  }
0xfe: {  	_ =	swait.ge [sflag:s12], $0x800  }
0xff: {  	[sflag:s12] =	ssyncset.done $0x0  }
0x100: {  	[sflag:s12] =	ssyncadd.s32 $0xFFFFF800  }
0x101: {  	_ =	swait.ge [sflag:s12], $0x800  }
0x102: {  	[sflag:s12] =	ssyncset.done $0x0  }
0x103: {  	[sflag:s12] =	ssyncadd.s32 $0xFFFFF800  }
0x104: {  	_ =	swait.ge [sflag:s12], $0x800  }
0x105: {  	[sflag:s12] =	ssyncset.done $0x0  }
0x106: {  	[sflag:s12] =	ssyncadd.s32 $0xFFFFF800  }
0x107: {  	_ =	swait.ge [sflag:s12], $0x800  }
0x108: {  	[sflag:s12] =	ssyncset.done $0x0  }
0x109: {  	[sflag:s12] =	ssyncadd.s32 $0xFFFFF800  }
0x10a: {  	_ =	swait.ge [sflag:s12], $0x4000  }
0x10b: {  	[sflag:s12] =	ssyncset.done $0x0  }
0x10c: {  	[sflag:s12] =	ssyncadd.s32 $0xFFFFC000  }
0x10d: {  	v15 =	vld [tilespmem:$0x0];
	_ =	sdelay $0x2  }
0x10e: {  	v16 =	vlaneseq.u32  }
0x10f: {  	v2 =	vmul.u32 $0x80, v16  }
0x110: {  	v3 =	vand.u32 $0x7F, v15  }
0x111: {  	v3 =	vor.u32 v2, v3;
	_ =	sdelay $0x4  }
0x112: {  	v17 =	vld.idx.msk [tilespmem:v3+s11+$0x0], $0xffff;
	v3 =	vor.u32 $0x40, v2;
	_ =	sdelay $0x4  }
0x113: {  	[tilespmem:v3+s9+$0x0] =	vst.idx.msk $0xffff, v17  }
0x114: {  	v4 =	vld [tilespmem:$0x10];
	_ =	sdelay $0x4  }
0x115: {  	v18 =	vand.u32 $0x7F, v4;
	v4 =	vor.u32 $0x800, v2  }
0x116: {  	v5 =	vor.u32 v4, v18;
	_ =	sdelay $0x4  }
0x117: {  	v19 =	vld.idx.msk [tilespmem:v5+s11+$0x0], $0xffff;
	v5 =	vor.u32 $0x840, v2;
	_ =	sdelay $0x4  }
0x118: {  	[tilespmem:v5+s9+$0x0] =	vst.idx.msk $0xffff, v19  }
0x119: {  	v6 =	vld [tilespmem:$0x20];
	_ =	sdelay $0x4  }
0x11a: {  	v20 =	vand.u32 $0x7F, v6;
	v6 =	vor.u32 $0x1000, v2  }
0x11b: {  	v7 =	vor.u32 v6, v20;
	_ =	sdelay $0x4  }
0x11c: {  	v21 =	vld.idx.msk [tilespmem:v7+s11+$0x0], $0xffff;
	v7 =	vor.u32 $0x1040, v2;
	_ =	sdelay $0x4  }
0x11d: {  	[tilespmem:v7+s9+$0x0] =	vst.idx.msk $0xffff, v21  }
0x11e: {  	v8 =	vld [tilespmem:$0x30];
	_ =	sdelay $0x4  }
0x11f: {  	v9 =	vand.u32 $0x7F, v8;
	v8 =	vor.u32 $0x1800, v2  }
0x120: {  	v9 =	vor.u32 v8, v9;
	_ =	sdelay $0x4  }
0x121: {  	v10 =	vld.idx.msk [tilespmem:v9+s11+$0x0], $0xffff;
	v9 =	vor.u32 $0x1840, v2;
	_ =	sdelay $0x4  }
0x122: {  	[tilespmem:v9+s9+$0x0] =	vst.idx.msk $0xffff, v10  }
0x123: {  	v10 =	vld [tilespmem:$0x40];
	_ =	sdelay $0x4  }
0x124: {  	v11 =	vand.u32 $0x7F, v10;
	v10 =	vor.u32 $0x2000, v2  }
0x125: {  	v11 =	vor.u32 v10, v11;
	_ =	sdelay $0x4  }
0x126: {  	v12 =	vld.idx.msk [tilespmem:v11+s11+$0x0], $0xffff;
	v11 =	vor.u32 $0x2040, v2;
	_ =	sdelay $0x4  }
0x127: {  	[tilespmem:v11+s9+$0x0] =	vst.idx.msk $0xffff, v12  }
0x128: {  	v12 =	vld [tilespmem:$0x50];
	_ =	sdelay $0x4  }
0x129: {  	v13 =	vand.u32 $0x7F, v12;
	v12 =	vor.u32 $0x2800, v2  }
0x12a: {  	v13 =	vor.u32 v12, v13;
	_ =	sdelay $0x4  }
0x12b: {  	v14 =	vld.idx.msk [tilespmem:v13+s11+$0x0], $0xffff;
	v13 =	vor.u32 $0x2840, v2;
	_ =	sdelay $0x4  }
0x12c: {  	[tilespmem:v13+s9+$0x0] =	vst.idx.msk $0xffff, v14  }
0x12d: {  	v14 =	vld [tilespmem:$0x60];
	_ =	sdelay $0x4  }
0x12e: {  	v15 =	vand.u32 $0x7F, v14;
	v14 =	vor.u32 $0x3000, v2  }
0x12f: {  	v15 =	vor.u32 v14, v15;
	_ =	sdelay $0x4  }
0x130: {  	v16 =	vld.idx.msk [tilespmem:v15+s11+$0x0], $0xffff;
	v15 =	vor.u32 $0x3040, v2;
	_ =	sdelay $0x4  }
0x131: {  	[tilespmem:v15+s9+$0x0] =	vst.idx.msk $0xffff, v16  }
0x132: {  	v16 =	vld [tilespmem:$0x70];
	_ =	sdelay $0x4  }
0x133: {  	v17 =	vand.u32 $0x7F, v16;
	v16 =	vor.u32 $0x3800, v2  }
0x134: {  	v17 =	vor.u32 v16, v17;
	_ =	sdelay $0x4  }
0x135: {  	v18 =	vld.idx.msk [tilespmem:v17+s11+$0x0], $0xffff;
	v17 =	vor.u32 $0x3840, v2;
	_ =	sdelay $0x4  }
0x136: {  	s16 =	rddreg [dreg:$0x6];
	[tilespmem:v17+s9+$0x0] =	vst.idx.msk $0xffff, v18  }
0x137: {  	[hbm4b:s16+s2] =	stream.linear.scatter [tilespmem:s9], [sflag:$0x3], $0x4000, $0x38;
	[tilespmem:$0x10A00] =	vst v63  }
0x138: {  	_ =	swait.ge [sflag:s6], $0x4000  }
0x139: {  	[sflag:s6] =	ssyncset.done $0x0  }
0x13a: {  	[sflag:s6] =	ssyncadd.s32 $0xFFFFC000  }
0x13b: {  	v18 =	vld [tilespmem:$0x80];
	_ =	sdelay $0x4  }
0x13c: {  	v19 =	vshll.u32 v18, $0x2;
	v20 =	vshll.u32 v18, $0x3  }
0x13d: {  	v21 =	vshrl.u32 v18, $0xB;
	v19 =	vand.u32 $0xFFFF0000, v19;
	v20 =	vand.u32 $0xFFF8, v20  }
0x13e: {  	v19 =	vor.u32 v20, v19;
	v20 =	vand.u32 $0x4, v21  }
0x13f: {  	v19 =	vor.u32 v20, v19  }
0x140: {  	[tilespmem:v1+s13+$0x0] =	vst.idx.msk $0xffff, v19;
	v20 =	vor.u32 $0x1, v19  }
0x141: {  	[tilespmem:v22+s13+$0x0] =	vst.idx.msk $0xffff, v20;
	v22 =	vld [tilespmem:$0x1FC20];
	_ =	sdelay $0x6  }
0x142: {  	v21 =	vld [tilespmem:$0x1FC30];
	v20 =	vor.u32 $0x2, v19  }
0x143: {  	[tilespmem:v22+s13+$0x0] =	vst.idx.msk $0xffff, v20;
	v22 =	vld [tilespmem:$0x1FC40];
	_ =	sdelay $0x5  }
0x144: {  	v20 =	vor.u32 $0x3, v19  }
0x145: {  	[tilespmem:v21+s13+$0x0] =	vst.idx.msk $0xffff, v20  }
0x146: {  	[tilespmem:v22+s13+$0x0] =	vst.idx.msk $0xffff, v19  }
0x147: {  	[tilespmem:v26+s13+$0x0] =	vst.idx.msk $0xffff, v19  }
0x148: {  	[tilespmem:v27+s13+$0x0] =	vst.idx.msk $0xffff, v19  }
0x149: {  	[tilespmem:v28+s13+$0x0] =	vst.idx.msk $0xffff, v19  }
0x14a: {  	v19 =	vld [tilespmem:$0x90];
	_ =	sdelay $0x4  }
0x14b: {  	v28 =	vshll.u32 v19, $0x2;
	v1 =	vshll.u32 v19, $0x3  }
0x14c: {  	v26 =	vshrl.u32 v19, $0xB;
	v20 =	vand.u32 $0xFFFF0000, v28;
	v21 =	vand.u32 $0xFFF8, v1  }
0x14d: {  	v18 =	vshra.s32 v18, $0x7;
	v27 =	vand.u32 $0x4, v26;
	v20 =	vor.u32 v21, v20  }
0x14e: {  	[tilespmem:$0x980] =	vst v18;
	v28 =	vor.u32 v27, v20  }
0x14f: {  	[tilespmem:v29+s13+$0x0] =	vst.idx.msk $0xffff, v28;
	v20 =	vor.u32 $0x1, v28  }
0x150: {  	[tilespmem:v30+s13+$0x0] =	vst.idx.msk $0xffff, v20;
	v30 =	vor.u32 $0x2, v28  }
0x151: {  	[tilespmem:v31+s13+$0x0] =	vst.idx.msk $0xffff, v30;
	v31 =	vor.u32 $0x3, v28  }
0x152: {  	[tilespmem:v32+s13+$0x0] =	vst.idx.msk $0xffff, v31  }
0x153: {  	[tilespmem:v33+s13+$0x0] =	vst.idx.msk $0xffff, v28  }
0x154: {  	[tilespmem:v34+s13+$0x0] =	vst.idx.msk $0xffff, v28  }
0x155: {  	[tilespmem:v35+s13+$0x0] =	vst.idx.msk $0xffff, v28  }
0x156: {  	[tilespmem:v36+s13+$0x0] =	vst.idx.msk $0xffff, v28  }
0x157: {  	v18 =	vld [tilespmem:$0xA0];
	_ =	sdelay $0x4  }
0x158: {  	v32 =	vshll.u32 v18, $0x2;
	v33 =	vshll.u32 v18, $0x3  }
0x159: {  	v34 =	vshrl.u32 v18, $0xB;
	v20 =	vand.u32 $0xFFFF0000, v32;
	v21 =	vand.u32 $0xFFF8, v33  }
0x15a: {  	v19 =	vshra.s32 v19, $0x7;
	v35 =	vand.u32 $0x4, v34;
	v20 =	vor.u32 v21, v20  }
0x15b: {  	[tilespmem:$0x990] =	vst v19;
	v36 =	vor.u32 v35, v20  }
0x15c: {  	[tilespmem:v37+s13+$0x0] =	vst.idx.msk $0xffff, v36;
	v20 =	vor.u32 $0x1, v36  }
0x15d: {  	[tilespmem:v38+s13+$0x0] =	vst.idx.msk $0xffff, v20;
	v38 =	vor.u32 $0x2, v36  }
0x15e: {  	[tilespmem:v39+s13+$0x0] =	vst.idx.msk $0xffff, v38;
	v39 =	vor.u32 $0x3, v36  }
0x15f: {  	[tilespmem:v40+s13+$0x0] =	vst.idx.msk $0xffff, v39  }
0x160: {  	[tilespmem:v41+s13+$0x0] =	vst.idx.msk $0xffff, v36  }
0x161: {  	[tilespmem:v42+s13+$0x0] =	vst.idx.msk $0xffff, v36  }
0x162: {  	[tilespmem:v43+s13+$0x0] =	vst.idx.msk $0xffff, v36  }
0x163: {  	[tilespmem:v44+s13+$0x0] =	vst.idx.msk $0xffff, v36  }
0x164: {  	v19 =	vld [tilespmem:$0xB0];
	_ =	sdelay $0x4  }
0x165: {  	v40 =	vshll.u32 v19, $0x2;
	v41 =	vshll.u32 v19, $0x3  }
0x166: {  	v42 =	vshrl.u32 v19, $0xB;
	v20 =	vand.u32 $0xFFFF0000, v40;
	v21 =	vand.u32 $0xFFF8, v41  }
0x167: {  	v18 =	vshra.s32 v18, $0x7;
	v43 =	vand.u32 $0x4, v42;
	v20 =	vor.u32 v21, v20  }
0x168: {  	[tilespmem:$0x9A0] =	vst v18;
	v44 =	vor.u32 v43, v20  }
0x169: {  	[tilespmem:v45+s13+$0x0] =	vst.idx.msk $0xffff, v44;
	v20 =	vor.u32 $0x1, v44  }
0x16a: {  	[tilespmem:v46+s13+$0x0] =	vst.idx.msk $0xffff, v20;
	v46 =	vor.u32 $0x2, v44  }
0x16b: {  	[tilespmem:v47+s13+$0x0] =	vst.idx.msk $0xffff, v46;
	v47 =	vor.u32 $0x3, v44  }
0x16c: {  	[tilespmem:v48+s13+$0x0] =	vst.idx.msk $0xffff, v47  }
0x16d: {  	[tilespmem:v49+s13+$0x0] =	vst.idx.msk $0xffff, v44  }
0x16e: {  	[tilespmem:v50+s13+$0x0] =	vst.idx.msk $0xffff, v44  }
0x16f: {  	[tilespmem:v51+s13+$0x0] =	vst.idx.msk $0xffff, v44  }
0x170: {  	[tilespmem:v52+s13+$0x0] =	vst.idx.msk $0xffff, v44  }
0x171: {  	v18 =	vld [tilespmem:$0xC0];
	_ =	sdelay $0x4  }
0x172: {  	v48 =	vshll.u32 v18, $0x2;
	v49 =	vshll.u32 v18, $0x3  }
0x173: {  	v50 =	vshrl.u32 v18, $0xB;
	v20 =	vand.u32 $0xFFFF0000, v48;
	v21 =	vand.u32 $0xFFF8, v49  }
0x174: {  	v19 =	vshra.s32 v19, $0x7;
	v51 =	vand.u32 $0x4, v50;
	v20 =	vor.u32 v21, v20  }
0x175: {  	[tilespmem:$0x9B0] =	vst v19;
	v52 =	vor.u32 v51, v20  }
0x176: {  	[tilespmem:v53+s13+$0x0] =	vst.idx.msk $0xffff, v52;
	v20 =	vor.u32 $0x1, v52  }
0x177: {  	[tilespmem:v54+s13+$0x0] =	vst.idx.msk $0xffff, v20;
	v54 =	vor.u32 $0x2, v52  }
0x178: {  	[tilespmem:v55+s13+$0x0] =	vst.idx.msk $0xffff, v54;
	v55 =	vor.u32 $0x3, v52  }
0x179: {  	[tilespmem:v56+s13+$0x0] =	vst.idx.msk $0xffff, v55  }
0x17a: {  	[tilespmem:v57+s13+$0x0] =	vst.idx.msk $0xffff, v52  }
0x17b: {  	[tilespmem:v58+s13+$0x0] =	vst.idx.msk $0xffff, v52  }
0x17c: {  	[tilespmem:v59+s13+$0x0] =	vst.idx.msk $0xffff, v52  }
0x17d: {  	[tilespmem:v60+s13+$0x0] =	vst.idx.msk $0xffff, v52  }
0x17e: {  	v19 =	vld [tilespmem:$0xD0];
	_ =	sdelay $0x3  }
0x17f: {  	v31 =	vld [tilespmem:$0x1FEB0]  }
0x180: {  	v32 =	vld [tilespmem:$0x1FEC0];
	v60 =	vshll.u32 v19, $0x2;
	v1 =	vshll.u32 v19, $0x3  }
0x181: {  	v33 =	vld [tilespmem:$0x1FED0];
	v26 =	vshrl.u32 v19, $0xB;
	v20 =	vand.u32 $0xFFFF0000, v60;
	v21 =	vand.u32 $0xFFF8, v1  }
0x182: {  	v34 =	vld [tilespmem:$0x1FEE0];
	v18 =	vshra.s32 v18, $0x7;
	v27 =	vand.u32 $0x4, v26;
	v20 =	vor.u32 v21, v20  }
0x183: {  	v35 =	vld [tilespmem:$0x1FEF0];
	[tilespmem:$0x9C0] =	vst v18;
	v28 =	vor.u32 v27, v20  }
0x184: {  	[tilespmem:v61+s13+$0x0] =	vst.idx.msk $0xffff, v28;
	v20 =	vor.u32 $0x1, v28  }
0x185: {  	v29 =	vor.u32 $0x2, v28;
	[tilespmem:v62+s13+$0x0] =	vst.idx.msk $0xffff, v20  }
0x186: {  	v30 =	vor.u32 $0x3, v28;
	[tilespmem:v63+s13+$0x0] =	vst.idx.msk $0xffff, v29  }
0x187: {  	[tilespmem:v31+s13+$0x0] =	vst.idx.msk $0xffff, v30  }
0x188: {  	[tilespmem:v32+s13+$0x0] =	vst.idx.msk $0xffff, v28  }
0x189: {  	[tilespmem:v33+s13+$0x0] =	vst.idx.msk $0xffff, v28  }
0x18a: {  	[tilespmem:v34+s13+$0x0] =	vst.idx.msk $0xffff, v28  }
0x18b: {  	[tilespmem:v35+s13+$0x0] =	vst.idx.msk $0xffff, v28  }
0x18c: {  	v18 =	vld [tilespmem:$0xE0]  }
0x18d: {  	v41 =	vld [tilespmem:$0x1FF00]  }
0x18e: {  	v42 =	vld [tilespmem:$0x1FF10]  }
0x18f: {  	v44 =	vld [tilespmem:$0x1FF20]  }
0x190: {  	v46 =	vld [tilespmem:$0x1FF30]  }
0x191: {  	v47 =	vld [tilespmem:$0x1FF40];
	v36 =	vshll.u32 v18, $0x2;
	v37 =	vshll.u32 v18, $0x3  }
0x192: {  	v48 =	vld [tilespmem:$0x1FF50];
	v38 =	vshrl.u32 v18, $0xB;
	v20 =	vand.u32 $0xFFFF0000, v36;
	v21 =	vand.u32 $0xFFF8, v37  }
0x193: {  	v49 =	vld [tilespmem:$0x1FF60];
	v19 =	vshra.s32 v19, $0x7;
	v39 =	vand.u32 $0x4, v38;
	v20 =	vor.u32 v21, v20  }
0x194: {  	v50 =	vld [tilespmem:$0x1FF70];
	[tilespmem:$0x9D0] =	vst v19;
	v40 =	vor.u32 v39, v20  }
0x195: {  	[tilespmem:v41+s13+$0x0] =	vst.idx.msk $0xffff, v40;
	v20 =	vor.u32 $0x1, v40  }
0x196: {  	v43 =	vor.u32 $0x2, v40;
	[tilespmem:v42+s13+$0x0] =	vst.idx.msk $0xffff, v20  }
0x197: {  	v45 =	vor.u32 $0x3, v40;
	[tilespmem:v44+s13+$0x0] =	vst.idx.msk $0xffff, v43  }
0x198: {  	[tilespmem:v46+s13+$0x0] =	vst.idx.msk $0xffff, v45  }
0x199: {  	[tilespmem:v47+s13+$0x0] =	vst.idx.msk $0xffff, v40  }
0x19a: {  	[tilespmem:v48+s13+$0x0] =	vst.idx.msk $0xffff, v40  }
0x19b: {  	[tilespmem:v49+s13+$0x0] =	vst.idx.msk $0xffff, v40  }
0x19c: {  	[tilespmem:v50+s13+$0x0] =	vst.idx.msk $0xffff, v40  }
0x19d: {  	v19 =	vld [tilespmem:$0xF0]  }
0x19e: {  	v56 =	vld [tilespmem:$0x1FF80]  }
0x19f: {  	v57 =	vld [tilespmem:$0x1FF90]  }
0x1a0: {  	v59 =	vld [tilespmem:$0x1FFA0];
	_ =	sdelay $0x1  }
0x1a1: {  	v51 =	vshll.u32 v19, $0x2;
	v52 =	vshll.u32 v19, $0x3  }
0x1a2: {  	v53 =	vshrl.u32 v19, $0xB;
	v20 =	vand.u32 $0xFFFF0000, v51;
	v21 =	vand.u32 $0xFFF8, v52  }
0x1a3: {  	v18 =	vshra.s32 v18, $0x7;
	v54 =	vand.u32 $0x4, v53;
	v20 =	vor.u32 v21, v20  }
0x1a4: {  	v61 =	vld [tilespmem:$0x1FC00];
	[tilespmem:$0x9E0] =	vst v18;
	v55 =	vor.u32 v54, v20  }
0x1a5: {  	[tilespmem:v56+s13+$0x0] =	vst.idx.msk $0xffff, v55;
	v20 =	vor.u32 $0x1, v55  }
0x1a6: {  	v58 =	vor.u32 $0x2, v55;
	[tilespmem:v57+s13+$0x0] =	vst.idx.msk $0xffff, v20  }
0x1a7: {  	v60 =	vor.u32 $0x3, v55;
	[tilespmem:v59+s13+$0x0] =	vst.idx.msk $0xffff, v58  }
0x1a8: {  	[tilespmem:v0+s13+$0x0] =	vst.idx.msk $0xffff, v60  }
0x1a9: {  	[tilespmem:v23+s13+$0x0] =	vst.idx.msk $0xffff, v55  }
0x1aa: {  	[tilespmem:v24+s13+$0x0] =	vst.idx.msk $0xffff, v55  }
0x1ab: {  	[tilespmem:v25+s13+$0x0] =	vst.idx.msk $0xffff, v55  }
0x1ac: {  	v62 =	vshra.s32 v19, $0x7;
	[tilespmem:v61+s13+$0x0] =	vst.idx.msk $0xffff, v55  }
0x1ad: {  	[tilespmem:$0x9F0] =	vst v62  }
0x1ae: {  	[tilespmem:s14], [sflag:$0x2] =	stream.indirect.gather [hbm4b:s3+s7], $0x10, s13, s7, $0xb8;
	[tilespmem:$0x10A00] =	vst v63  }
0x1af: {  	s10 =	simm.s32 $0x580;
	s15 =	simm.s32 $0x5200  }
0x1b0: {  	[tilespmem:s15], [sflag:$0x2] =	stream.indirect.gather [hbm4b:s3+s7], $0x10, s10, s7, $0xb8;
	[tilespmem:$0x10A00] =	vst v63  }
0x1b1: {  	_ = 	snop  }
0x1b2: {  	[tilespmem:s18], [sflag:$0x2] =	stream.indirect.gather [hbm4b:s3+s7], $0x10, s17, s7, $0xb8;
	[tilespmem:$0x10A00] =	vst v63  }
0x1b3: {  	_ = 	snop  }
0x1b4: {  	[tilespmem:s20], [sflag:$0x2] =	stream.indirect.gather [hbm4b:s3+s7], $0x10, s19, s7, $0xb8;
	[tilespmem:$0x10A00] =	vst v63  }
0x1b5: {  	_ = 	snop  }
0x1b6: {  	[tilespmem:s22], [sflag:$0x2] =	stream.indirect.gather [hbm4b:s3+s7], $0x10, s21, s7, $0xb8;
	[tilespmem:$0x10A00] =	vst v63  }
0x1b7: {  	_ = 	snop  }
0x1b8: {  	[tilespmem:s24], [sflag:$0x2] =	stream.indirect.gather [hbm4b:s3+s7], $0x10, s23, s7, $0xb8;
	[tilespmem:$0x10A00] =	vst v63  }
0x1b9: {  	_ = 	snop  }
0x1ba: {  	[tilespmem:s26], [sflag:$0x2] =	stream.indirect.gather [hbm4b:s3+s7], $0x10, s25, s7, $0xb8;
	[tilespmem:$0x10A00] =	vst v63  }
0x1bb: {  	_ = 	snop  }
0x1bc: {  	[tilespmem:s29], [sflag:$0x2] =	stream.indirect.gather [hbm4b:s3+s7], $0x10, s28, s7, $0xb8;
	[tilespmem:$0x10A00] =	vst v63  }
0x1bd: {  	_ = 	snop  }
0x1be: {  	[tilespmem:s31], [sflag:$0x2] =	stream.indirect.gather [hbm4b:s4+s7], $0x80, s30, s7, $0xb8;
	[tilespmem:$0x10A00] =	vst v63  }
0x1bf: {  	_ =	swait.ge [sflag:s1], $0x800  }
0x1c0: {  	[sflag:s1] =	ssyncset.done $0x0  }
0x1c1: {  	[sflag:s1] =	ssyncadd.s32 $0xFFFFF800  }
0x1c2: {  	_ =	swait.ge [sflag:s1], $0x800  }
0x1c3: {  	[sflag:s1] =	ssyncset.done $0x0  }
0x1c4: {  	[sflag:s1] =	ssyncadd.s32 $0xFFFFF800  }
0x1c5: {  	_ =	swait.ge [sflag:s1], $0x800  }
0x1c6: {  	[sflag:s1] =	ssyncset.done $0x0  }
0x1c7: {  	[sflag:s1] =	ssyncadd.s32 $0xFFFFF800  }
0x1c8: {  	_ =	swait.ge [sflag:s1], $0x800  }
0x1c9: {  	[sflag:s1] =	ssyncset.done $0x0  }
0x1ca: {  	[sflag:s1] =	ssyncadd.s32 $0xFFFFF800  }
0x1cb: {  	_ =	swait.ge [sflag:s1], $0x800  }
0x1cc: {  	[sflag:s1] =	ssyncset.done $0x0  }
0x1cd: {  	[sflag:s1] =	ssyncadd.s32 $0xFFFFF800  }
0x1ce: {  	_ =	swait.ge [sflag:s1], $0x800  }
0x1cf: {  	[sflag:s1] =	ssyncset.done $0x0  }
0x1d0: {  	[sflag:s1] =	ssyncadd.s32 $0xFFFFF800  }
0x1d1: {  	_ =	swait.ge [sflag:s1], $0x800  }
0x1d2: {  	[sflag:s1] =	ssyncset.done $0x0  }
0x1d3: {  	[sflag:s1] =	ssyncadd.s32 $0xFFFFF800  }
0x1d4: {  	_ =	swait.ge [sflag:s1], $0x800  }
0x1d5: {  	[sflag:s1] =	ssyncset.done $0x0  }
0x1d6: {  	[sflag:s1] =	ssyncadd.s32 $0xFFFFF800  }
0x1d7: {  	_ =	swait.ge [sflag:s1], $0x4000  }
0x1d8: {  	[sflag:s1] =	ssyncset.done $0x0  }
0x1d9: {  	[sflag:s1] =	ssyncadd.s32 $0xFFFFC000  }
0x1da: {  	v63 =	vld [tilespmem:$0x80];
	_ =	sdelay $0x4  }
0x1db: {  	v0 =	vand.u32 $0x7F, v63  }
0x1dc: {  	v0 =	vor.u32 v2, v0;
	_ =	sdelay $0x4  }
0x1dd: {  	v0 =	vld.idx.msk [tilespmem:v0+s31+$0x0], $0xffff;
	_ =	sdelay $0x4  }
0x1de: {  	[tilespmem:v3+s14+$0x0] =	vst.idx.msk $0xffff, v0  }
0x1df: {  	v0 =	vld [tilespmem:$0x90];
	_ =	sdelay $0x4  }
0x1e0: {  	v0 =	vand.u32 $0x7F, v0  }
0x1e1: {  	v0 =	vor.u32 v4, v0;
	_ =	sdelay $0x4  }
0x1e2: {  	v0 =	vld.idx.msk [tilespmem:v0+s31+$0x0], $0xffff;
	_ =	sdelay $0x4  }
0x1e3: {  	[tilespmem:v5+s14+$0x0] =	vst.idx.msk $0xffff, v0  }
0x1e4: {  	v0 =	vld [tilespmem:$0xA0];
	_ =	sdelay $0x4  }
0x1e5: {  	v0 =	vand.u32 $0x7F, v0  }
0x1e6: {  	v0 =	vor.u32 v6, v0;
	_ =	sdelay $0x4  }
0x1e7: {  	v0 =	vld.idx.msk [tilespmem:v0+s31+$0x0], $0xffff;
	_ =	sdelay $0x4  }
0x1e8: {  	[tilespmem:v7+s14+$0x0] =	vst.idx.msk $0xffff, v0  }
0x1e9: {  	v0 =	vld [tilespmem:$0xB0];
	_ =	sdelay $0x4  }
0x1ea: {  	v0 =	vand.u32 $0x7F, v0  }
0x1eb: {  	v0 =	vor.u32 v8, v0;
	_ =	sdelay $0x4  }
0x1ec: {  	v0 =	vld.idx.msk [tilespmem:v0+s31+$0x0], $0xffff;
	_ =	sdelay $0x4  }
0x1ed: {  	[tilespmem:v9+s14+$0x0] =	vst.idx.msk $0xffff, v0  }
0x1ee: {  	v0 =	vld [tilespmem:$0xC0];
	_ =	sdelay $0x4  }
0x1ef: {  	v0 =	vand.u32 $0x7F, v0  }
0x1f0: {  	v0 =	vor.u32 v10, v0;
	_ =	sdelay $0x4  }
0x1f1: {  	v0 =	vld.idx.msk [tilespmem:v0+s31+$0x0], $0xffff;
	_ =	sdelay $0x4  }
0x1f2: {  	[tilespmem:v11+s14+$0x0] =	vst.idx.msk $0xffff, v0  }
0x1f3: {  	v0 =	vld [tilespmem:$0xD0];
	_ =	sdelay $0x4  }
0x1f4: {  	v0 =	vand.u32 $0x7F, v0  }
0x1f5: {  	v0 =	vor.u32 v12, v0;
	_ =	sdelay $0x4  }
0x1f6: {  	v0 =	vld.idx.msk [tilespmem:v0+s31+$0x0], $0xffff;
	_ =	sdelay $0x4  }
0x1f7: {  	[tilespmem:v13+s14+$0x0] =	vst.idx.msk $0xffff, v0  }
0x1f8: {  	v0 =	vld [tilespmem:$0xE0];
	_ =	sdelay $0x4  }
0x1f9: {  	v0 =	vand.u32 $0x7F, v0  }
0x1fa: {  	v0 =	vor.u32 v14, v0;
	_ =	sdelay $0x4  }
0x1fb: {  	v0 =	vld.idx.msk [tilespmem:v0+s31+$0x0], $0xffff;
	_ =	sdelay $0x4  }
0x1fc: {  	[tilespmem:v15+s14+$0x0] =	vst.idx.msk $0xffff, v0  }
0x1fd: {  	v0 =	vld [tilespmem:$0xF0];
	_ =	sdelay $0x4  }
0x1fe: {  	v0 =	vand.u32 $0x7F, v0  }
0x1ff: {  	v0 =	vor.u32 v16, v0;
	_ =	sdelay $0x4  }
0x200: {  	v0 =	vld.idx.msk [tilespmem:v0+s31+$0x0], $0xffff;
	_ =	sdelay $0x3  }
0x201: {  	p0 =	sne.s32 s5, $0x1  }
.Ltmp0:
0x202: {  	s16 =	rddreg [dreg:$0x7];
	[tilespmem:v17+s14+$0x0] =	vst.idx.msk $0xffff, v0;
	(pc) =	sbr.rel @p0 .LBB2_1-.Ltmp0, $4  }
0x203: {  	[hbm4b:s16+s2] =	stream.linear.scatter [tilespmem:s14], [sflag:$0x3], $0x4000, $0x38;
	[tilespmem:$0x10A00] =	vst v63  }
0x204: {  	_ =	swait.ge [sflag:s6], $0x4000  }
0x205: {  	[sflag:s6] =	ssyncset.done $0x0  }
0x206: {  	s5 =	sadd.s32 $0xFFFFFFFF, s5;
	[sflag:s6] =	ssyncadd.s32 $0xFFFFC000  }
0x207: {  	_ =	sfence.sel $0x180000  }
0x208: {  	[bflag:$0x0] =	sbarrier.arrive $0xFFFF  }
0x209: {  	_ =	strace $0x90000047  }
0x20a: {  	s0 =	stileid.u32;
	[bflag:$0x2] =	sbarrier.arrive $0xFFFF  }
0x20b: {  	p0 =	sne.s32 s0, $0x0;
	s0 =	rddreg [dreg:$0x3]  }
0x20c: {  	s0 =	sadd.s32 @!p0 $0x100000, s0  }
0x20d: {  	[sflag:s0] =	ssyncadd.tile.s32 @!p0 $0x1;
	_ =	shalt  }
.Lfunc_end2:
_tile_overlayer_lowered:
.L_overlay_start_2:
0x20e: {  	(tag) =	ssettag $0x2  }
0x20f: {  	s0 =	rddreg [dreg:$0x0];
	s2 =	stileid.u32  }
0x210: {  	s1 =	rddreg [dreg:$0x1];
	p0 =	sne.s32 s2, $0x0  }
0x211: {  	s3 =	rddreg [dreg:$0x2];
	[bflag:$0x3] =	sbarrier.arrive $0xFFFF;
	s2 =	simm.s32 @!p0 $0x1C03  }
0x212: {  	[timem:s3], [sflag:s2] =	dma.local @!p0 [hbm:s0], s1  }
0x213: {  	s0 =	simm.s32 @!p0 $0x3  }
0x214: {  	_ =	swait.ge @!p0 [sflag:s0], s1  }
0x215: {  	s1 =	ssub.s32 @!p0 $0x0, s1;
	[sflag:s0] =	ssyncset.done @!p0 $0x0  }
0x216: {  	[sflag:s0] =	ssyncadd.s32 @!p0 s1  }
0x217: {  	[bflag:$0x3] =	sbarrier.arrive $0xFFFF  }
0x218: {  	_ =	shalt  }

</sc_bundles>
